<compile_context>
chip_gen: v7x
topology: tpu7x:2x2x1
jax: 0.10.2.dev20260603
libtpu: 0.0.44.dev20260713+nightly
codegen_flags: <defaults>
</compile_context>

<pallas_src>
import functools

import jax
import jax.numpy as jnp
from jax import lax
from jax.experimental import pallas as pl
from jax.experimental.pallas import tpu as pltpu
from jax.experimental.pallas import tpu_sc as plsc

_BATCH = 16384
_D = 32

_info = plsc.get_sparse_core_info()
_NC, _NS = _info.num_cores, _info.num_subcores
_NW = _NC * _NS
_BPW = _BATCH // _NW

_mesh = plsc.VectorSubcoreMesh(core_axis_name="c", subcore_axis_name="s")

_SCRATCH = [
    pltpu.VMEM((_BPW,), jnp.int32),
    pltpu.VMEM((_BPW, _D), jnp.float32),
    pltpu.SemaphoreType.DMA,
    pltpu.SemaphoreType.DMA,
]
_OUT1 = jax.ShapeDtypeStruct((_BATCH, _D), jnp.float32)
_PARAMS = pltpu.CompilerParams(use_tc_tiling_on_sc=True,
                               needs_layout_passes=False)


def _gather_one(idx, tbl, out, iv, rb, sem, sem2):
    wid = lax.axis_index("s") * _NC + lax.axis_index("c")
    base = wid * _BPW
    pltpu.sync_copy(idx.at[pl.ds(base, _BPW)], iv)

    def issue_body(g, _2):
        v16 = iv[pl.ds(g * 16, 16)]
        for e in range(16):
            i = v16[e]
            t = lax.shift_right_logical(i, 3)
            s = jnp.bitwise_and(i, 7)
            pltpu.async_copy(tbl.at[t, s], rb.at[g * 16 + e], sem)
        return _2

    lax.fori_loop(0, _BPW // 16, issue_body, None)

    def drain_body(g, _2):
        for e in range(16):
            pltpu.make_async_copy(tbl.at[0, 0], rb.at[0], sem).wait()
        return _2

    lax.fori_loop(0, _BPW // 16, drain_body, None)
    pltpu.async_copy(rb, out.at[pl.ds(base, _BPW)], sem2).wait()


@functools.partial(
    pl.kernel, mesh=_mesh, compiler_params=_PARAMS,
    out_type=[_OUT1], scratch_types=_SCRATCH,
)
def _gather_user(idx_u, t_u, out_u, iv, rb, sem, sem2):
    _gather_one(idx_u, t_u, out_u, iv, rb, sem, sem2)


@functools.partial(
    pl.kernel, mesh=_mesh, compiler_params=_PARAMS,
    out_type=[_OUT1, _OUT1], scratch_types=_SCRATCH,
)
def _gather_small(idx_i, idx_t, t_i, t_t, out_i, out_t, iv, rb, sem, sem2):
    _gather_one(idx_i, t_i, out_i, iv, rb, sem, sem2)
    _gather_one(idx_t, t_t, out_t, iv, rb, sem, sem2)


def kernel(idx_user, idx_item, idx_tag, T_user, T_item, T_tag):
    out_u = _gather_user(idx_user, T_user.reshape(-1, 8, _D))
    out_i, out_t = _gather_small(idx_item, idx_tag,
                                 T_item.reshape(-1, 8, _D),
                                 T_tag.reshape(-1, 8, _D))
    return (out_u[0], out_i, out_t)

# --- scband reference (transcript-rebuilt; emitter-appended) ---
"""Pipeline reference for scband-rembedding-55817394978944 (READ-ONLY COPY).

The authoritative reference and input builder live on the scoring server;
editing this copy changes nothing except your own understanding.
"""

import jax, jax.numpy as jnp
import numpy as np

NTY2NUM = {"user": 1000000, "item": 100000, "tag": 100000}
EMBED_DIM = 32
BATCH = 16384

def setup_inputs(seed: int = 0) -> dict:
    key = jax.random.key(seed)
    k_iu, k_ii, k_it, k_tu, k_ti, k_tt = jax.random.split(key, 6)
    inp = {}
    inp["idx_user"] = jax.random.randint(k_iu, (BATCH,), 0, NTY2NUM["user"], dtype=jnp.int64 if jax.config.jax_enable_x64 else jnp.int32)
    inp["idx_item"] = jax.random.randint(k_ii, (BATCH,), 0, NTY2NUM["item"], dtype=jnp.int64 if jax.config.jax_enable_x64 else jnp.int32)
    inp["idx_tag"] = jax.random.randint(k_it, (BATCH,), 0, NTY2NUM["tag"], dtype=jnp.int64 if jax.config.jax_enable_x64 else jnp.int32)
    # learned embedding tables, one per node type (matches nn.ModuleDict of nn.Embedding)
    inp["T_user"] = jax.random.normal(k_tu, (NTY2NUM["user"], EMBED_DIM), dtype=jnp.float32)
    inp["T_item"] = jax.random.normal(k_ti, (NTY2NUM["item"], EMBED_DIM), dtype=jnp.float32)
    inp["T_tag"] = jax.random.normal(k_tt, (NTY2NUM["tag"], EMBED_DIM), dtype=jnp.float32)
    return inp

def reference(idx_user, idx_item, idx_tag, T_user, T_item, T_tag):
    # Faithful translation of: {nty: self.embeds[nty](xs[nty]) for nty in hgraph.nty2num}
    # One gather (embedding lookup) per node type.
    emb_user = jnp.take(T_user, idx_user, axis=0)
    emb_item = jnp.take(T_item, idx_item, axis=0)
    emb_tag = jnp.take(T_tag, idx_tag, axis=0)
    return (emb_user, emb_item, emb_tag)

if __name__ == "__main__":
    import jax
    _d = setup_inputs()
    print(jax.jit(kernel)(*tuple(_d.values())))

</pallas_src>

<mosaic_0001>
#map = affine_map<(d0, d1) -> (0)>
#map1 = affine_map<(d0, d1) -> (0, 0, 0)>
#map2 = affine_map<(d0, d1) -> (0, 0)>
module attributes {stable_mosaic.version = 14 : i64} {
  func.func @_gather_small(%arg0: i32, %arg1: i32, %arg2: memref<16384xi32, #tpu.memory_space<hbm>>, %arg3: memref<16384xi32, #tpu.memory_space<hbm>>, %arg4: memref<12500x8x32xf32, #tpu.memory_space<hbm>>, %arg5: memref<12500x8x32xf32, #tpu.memory_space<hbm>>, %arg6: memref<16384x32xf32, #tpu.memory_space<hbm>>, %arg7: memref<16384x32xf32, #tpu.memory_space<hbm>>, %arg8: memref<512xi32, #tpu.memory_space<vmem>>, %arg9: memref<512x32xf32, #tpu.memory_space<vmem>>, %arg10: memref<!tpu.dma_semaphore, #tpu.memory_space<semaphore_mem>>, %arg11: memref<!tpu.dma_semaphore, #tpu.memory_space<semaphore_mem>>) attributes {dimension_semantics = [#tpu.dimension_semantics<core_parallel>, #tpu.dimension_semantics<subcore_parallel>], iteration_bounds = array<i64: 2, 16>, scalar_prefetch = 0 : i64, scratch_operands = 4 : i64, tpu.core_type = #tpu.core_type<sc_vector_subcore>, window_params = [{transform_indices = #map}, {transform_indices = #map}, {transform_indices = #map1}, {transform_indices = #map1}, {transform_indices = #map2}, {transform_indices = #map2}]} {
    %mul3A = arith.constant 2 : i32
    %mul3A_0 = arith.muli %arg1, %mul3A : i32
    %add3A = arith.addi %mul3A_0, %arg0 : i32
    %mul3A_1 = arith.constant 512 : i32
    %mul3A_2 = arith.muli %add3A, %mul3A_1 : i32
    "tpu.region"() ({
      %run_scoped3A = tpu.sem_alloc : memref<!tpu.dma_semaphore, #tpu.memory_space<semaphore_mem>>
      %dma_start3A_41 = tpu.memref_slice %arg2[%mul3A_2] : memref<16384xi32, #tpu.memory_space<hbm>> -> memref<512xi32, #tpu.memory_space<hbm>>
      %dma_start3A_42 = tpu.memref_slice %arg2[%mul3A_2] : memref<16384xi32, #tpu.memory_space<hbm>> -> memref<512xi32, #tpu.memory_space<hbm>>
      tpu.enqueue_dma source(%dma_start3A_42 : memref<512xi32, #tpu.memory_space<hbm>>) target(%arg8 : memref<512xi32, #tpu.memory_space<vmem>>) target_semaphore(%run_scoped3A : memref<!tpu.dma_semaphore, #tpu.memory_space<semaphore_mem>>)
      %dma_wait3A_43 = tpu.memref_slice %arg2[%mul3A_2] : memref<16384xi32, #tpu.memory_space<hbm>> -> memref<512xi32, #tpu.memory_space<hbm>>
      %dma_wait3A_44 = tpu.memref_slice %arg2[%mul3A_2] : memref<16384xi32, #tpu.memory_space<hbm>> -> memref<512xi32, #tpu.memory_space<hbm>>
      tpu.wait_dma2 semaphore(%run_scoped3A : memref<!tpu.dma_semaphore, #tpu.memory_space<semaphore_mem>>) src(%dma_wait3A_44 : memref<512xi32, #tpu.memory_space<hbm>>) dst(%arg8 : memref<512xi32, #tpu.memory_space<vmem>>)
      tpu.yield
    }) : () -> ()
    %scan3A = arith.constant 0 : i32
    %scan3A_3 = arith.constant 32 : i32
    %scan3A_4 = arith.addi %scan3A, %scan3A_3 : i32
    %scan3A_5 = arith.constant 1 : i32
    scf.for %scan3A_41 = %scan3A to %scan3A_4 step %scan3A_5  : i32 {
      %mul3A_42 = arith.constant 16 : i32
      %mul3A_43 = arith.muli %scan3A_41, %mul3A_42 : i32
      %get3A = arith.index_cast %mul3A_43 : i32 to index
      %get3A_44 = tpu.vector_load %arg8[%get3A] {strides = array<i32>} : memref<512xi32, #tpu.memory_space<vmem>>, vector<16xi32>,
      %slice3A = vector.extract_strided_slice %get3A_44 {offsets = [0], sizes = [1], strides = [1]} : vector<16xi32> to vector<1xi32>
      %squeeze3A = vector.extract %slice3A[0] : i32 from vector<1xi32>
      %shift_right_logical3A = arith.constant 3 : i32
      %shift_right_logical3A_45 = arith.shrui %squeeze3A, %shift_right_logical3A : i32
      %and3A = arith.constant 7 : i32
      %and3A_46 = arith.andi %squeeze3A, %and3A : i32
      %mul3A_47 = arith.constant 16 : i32
      %mul3A_48 = arith.muli %scan3A_41, %mul3A_47 : i32
      %add3A_49 = arith.constant 0 : i32
      %add3A_50 = arith.addi %mul3A_48, %add3A_49 : i32
      %dma_start3A_51 = arith.constant 0 : i32
      %dma_start3A_52 = tpu.memref_slice %arg9[%add3A_50, %dma_start3A_51] : memref<512x32xf32, #tpu.memory_space<vmem>> -> memref<1x32xf32, #tpu.memory_space<vmem>>
      %dma_start3A_53 = tpu.memref_squeeze %dma_start3A_52 : memref<1x32xf32, #tpu.memory_space<vmem>> -> memref<32xf32, #tpu.memory_space<vmem>>
      %dma_start3A_54 = arith.constant 0 : i32
      %dma_start3A_55 = tpu.memref_slice %arg4[%shift_right_logical3A_45, %and3A_46, %dma_start3A_54] : memref<12500x8x32xf32, #tpu.memory_space<hbm>> -> memref<1x1x32xf32, #tpu.memory_space<hbm>>
      %dma_start3A_56 = tpu.memref_squeeze %dma_start3A_55 : memref<1x1x32xf32, #tpu.memory_space<hbm>> -> memref<32xf32, #tpu.memory_space<hbm>>
      %dma_start3A_57 = arith.constant 0 : i32
      %dma_start3A_58 = tpu.memref_slice %arg9[%add3A_50, %dma_start3A_57] : memref<512x32xf32, #tpu.memory_space<vmem>> -> memref<1x32xf32, #tpu.memory_space<vmem>>
      %dma_start3A_59 = tpu.memref_squeeze %dma_start3A_58 : memref<1x32xf32, #tpu.memory_space<vmem>> -> memref<32xf32, #tpu.memory_space<vmem>>
      %dma_start3A_60 = arith.constant 0 : i32
      %dma_start3A_61 = tpu.memref_slice %arg4[%shift_right_logical3A_45, %and3A_46, %dma_start3A_60] : memref<12500x8x32xf32, #tpu.memory_space<hbm>> -> memref<1x1x32xf32, #tpu.memory_space<hbm>>
      %dma_start3A_62 = tpu.memref_squeeze %dma_start3A_61 : memref<1x1x32xf32, #tpu.memory_space<hbm>> -> memref<32xf32, #tpu.memory_space<hbm>>
      tpu.enqueue_dma source(%dma_start3A_62 : memref<32xf32, #tpu.memory_space<hbm>>) target(%dma_start3A_59 : memref<32xf32, #tpu.memory_space<vmem>>) target_semaphore(%arg10 : memref<!tpu.dma_semaphore, #tpu.memory_space<semaphore_mem>>)
      %slice3A_63 = vector.extract_strided_slice %get3A_44 {offsets = [1], sizes = [1], strides = [1]} : vector<16xi32> to vector<1xi32>
      %squeeze3A_64 = vector.extract %slice3A_63[0] : i32 from vector<1xi32>
      %shift_right_logical3A_65 = arith.constant 3 : i32
      %shift_right_logical3A_66 = arith.shrui %squeeze3A_64, %shift_right_logical3A_65 : i32
      %and3A_67 = arith.constant 7 : i32
      %and3A_68 = arith.andi %squeeze3A_64, %and3A_67 : i32
      %mul3A_69 = arith.constant 16 : i32
      %mul3A_70 = arith.muli %scan3A_41, %mul3A_69 : i32
      %add3A_71 = arith.constant 1 : i32
      %add3A_72 = arith.addi %mul3A_70, %add3A_71 : i32
      %dma_start3A_73 = arith.constant 0 : i32
      %dma_start3A_74 = tpu.memref_slice %arg9[%add3A_72, %dma_start3A_73] : memref<512x32xf32, #tpu.memory_space<vmem>> -> memref<1x32xf32, #tpu.memory_space<vmem>>
      %dma_start3A_75 = tpu.memref_squeeze %dma_start3A_74 : memref<1x32xf32, #tpu.memory_space<vmem>> -> memref<32xf32, #tpu.memory_space<vmem>>
      %dma_start3A_76 = arith.constant 0 : i32
      %dma_start3A_77 = tpu.memref_slice %arg4[%shift_right_logical3A_66, %and3A_68, %dma_start3A_76] : memref<12500x8x32xf32, #tpu.memory_space<hbm>> -> memref<1x1x32xf32, #tpu.memory_space<hbm>>
      %dma_start3A_78 = tpu.memref_squeeze %dma_start3A_77 : memref<1x1x32xf32, #tpu.memory_space<hbm>> -> memref<32xf32, #tpu.memory_space<hbm>>
      %dma_start3A_79 = arith.constant 0 : i32
      %dma_start3A_80 = tpu.memref_slice %arg9[%add3A_72, %dma_start3A_79] : memref<512x32xf32, #tpu.memory_space<vmem>> -> memref<1x32xf32, #tpu.memory_space<vmem>>
      %dma_start3A_81 = tpu.memref_squeeze %dma_start3A_80 : memref<1x32xf32, #tpu.memory_space<vmem>> -> memref<32xf32, #tpu.memory_space<vmem>>
      %dma_start3A_82 = arith.constant 0 : i32
      %dma_start3A_83 = tpu.memref_slice %arg4[%shift_right_logical3A_66, %and3A_68, %dma_start3A_82] : memref<12500x8x32xf32, #tpu.memory_space<hbm>> -> memref<1x1x32xf32, #tpu.memory_space<hbm>>
      %dma_start3A_84 = tpu.memref_squeeze %dma_start3A_83 : memref<1x1x32xf32, #tpu.memory_space<hbm>> -> memref<32xf32, #tpu.memory_space<hbm>>
      tpu.enqueue_dma source(%dma_start3A_84 : memref<32xf32, #tpu.memory_space<hbm>>) target(%dma_start3A_81 : memref<32xf32, #tpu.memory_space<vmem>>) target_semaphore(%arg10 : memref<!tpu.dma_semaphore, #tpu.memory_space<semaphore_mem>>)
      %slice3A_85 = vector.extract_strided_slice %get3A_44 {offsets = [2], sizes = [1], strides = [1]} : vector<16xi32> to vector<1xi32>
      %squeeze3A_86 = vector.extract %slice3A_85[0] : i32 from vector<1xi32>
      %shift_right_logical3A_87 = arith.constant 3 : i32
      %shift_right_logical3A_88 = arith.shrui %squeeze3A_86, %shift_right_logical3A_87 : i32
      %and3A_89 = arith.constant 7 : i32
      %and3A_90 = arith.andi %squeeze3A_86, %and3A_89 : i32
      %mul3A_91 = arith.constant 16 : i32
      %mul3A_92 = arith.muli %scan3A_41, %mul3A_91 : i32
      %add3A_93 = arith.constant 2 : i32
      %add3A_94 = arith.addi %mul3A_92, %add3A_93 : i32
      %dma_start3A_95 = arith.constant 0 : i32
      %dma_start3A_96 = tpu.memref_slice %arg9[%add3A_94, %dma_start3A_95] : memref<512x32xf32, #tpu.memory_space<vmem>> -> memref<1x32xf32, #tpu.memory_space<vmem>>
      %dma_start3A_97 = tpu.memref_squeeze %dma_start3A_96 : memref<1x32xf32, #tpu.memory_space<vmem>> -> memref<32xf32, #tpu.memory_space<vmem>>
      %dma_start3A_98 = arith.constant 0 : i32
      %dma_start3A_99 = tpu.memref_slice %arg4[%shift_right_logical3A_88, %and3A_90, %dma_start3A_98] : memref<12500x8x32xf32, #tpu.memory_space<hbm>> -> memref<1x1x32xf32, #tpu.memory_space<hbm>>
      %dma_start3A_100 = tpu.memref_squeeze %dma_start3A_99 : memref<1x1x32xf32, #tpu.memory_space<hbm>> -> memref<32xf32, #tpu.memory_space<hbm>>
      %dma_start3A_101 = arith.constant 0 : i32
      %dma_start3A_102 = tpu.memref_slice %arg9[%add3A_94, %dma_start3A_101] : memref<512x32xf32, #tpu.memory_space<vmem>> -> memref<1x32xf32, #tpu.memory_space<vmem>>
      %dma_start3A_103 = tpu.memref_squeeze %dma_start3A_102 : memref<1x32xf32, #tpu.memory_space<vmem>> -> memref<32xf32, #tpu.memory_space<vmem>>
      %dma_start3A_104 = arith.constant 0 : i32
      %dma_start3A_105 = tpu.memref_slice %arg4[%shift_right_logical3A_88, %and3A_90, %dma_start3A_104] : memref<12500x8x32xf32, #tpu.memory_space<hbm>> -> memref<1x1x32xf32, #tpu.memory_space<hbm>>
      %dma_start3A_106 = tpu.memref_squeeze %dma_start3A_105 : memref<1x1x32xf32, #tpu.memory_space<hbm>> -> memref<32xf32, #tpu.memory_space<hbm>>
      tpu.enqueue_dma source(%dma_start3A_106 : memref<32xf32, #tpu.memory_space<hbm>>) target(%dma_start3A_103 : memref<32xf32, #tpu.memory_space<vmem>>) target_semaphore(%arg10 : memref<!tpu.dma_semaphore, #tpu.memory_space<semaphore_mem>>)
      %slice3A_107 = vector.extract_strided_slice %get3A_44 {offsets = [3], sizes = [1], strides = [1]} : vector<16xi32> to vector<1xi32>
      %squeeze3A_108 = vector.extract %slice3A_107[0] : i32 from vector<1xi32>
      %shift_right_logical3A_109 = arith.constant 3 : i32
      %shift_right_logical3A_110 = arith.shrui %squeeze3A_108, %shift_right_logical3A_109 : i32
      %and3A_111 = arith.constant 7 : i32
      %and3A_112 = arith.andi %squeeze3A_108, %and3A_111 : i32
      %mul3A_113 = arith.constant 16 : i32
      %mul3A_114 = arith.muli %scan3A_41, %mul3A_113 : i32
      %add3A_115 = arith.constant 3 : i32
      %add3A_116 = arith.addi %mul3A_114, %add3A_115 : i32
      %dma_start3A_117 = arith.constant 0 : i32
      %dma_start3A_118 = tpu.memref_slice %arg9[%add3A_116, %dma_start3A_117] : memref<512x32xf32, #tpu.memory_space<vmem>> -> memref<1x32xf32, #tpu.memory_space<vmem>>
      %dma_start3A_119 = tpu.memref_squeeze %dma_start3A_118 : memref<1x32xf32, #tpu.memory_space<vmem>> -> memref<32xf32, #tpu.memory_space<vmem>>
      %dma_start3A_120 = arith.constant 0 : i32
      %dma_start3A_121 = tpu.memref_slice %arg4[%shift_right_logical3A_110, %and3A_112, %dma_start3A_120] : memref<12500x8x32xf32, #tpu.memory_space<hbm>> -> memref<1x1x32xf32, #tpu.memory_space<hbm>>
      %dma_start3A_122 = tpu.memref_squeeze %dma_start3A_121 : memref<1x1x32xf32, #tpu.memory_space<hbm>> -> memref<32xf32, #tpu.memory_space<hbm>>
      %dma_start3A_123 = arith.constant 0 : i32
      %dma_start3A_124 = tpu.memref_slice %arg9[%add3A_116, %dma_start3A_123] : memref<512x32xf32, #tpu.memory_space<vmem>> -> memref<1x32xf32, #tpu.memory_space<vmem>>
      %dma_start3A_125 = tpu.memref_squeeze %dma_start3A_124 : memref<1x32xf32, #tpu.memory_space<vmem>> -> memref<32xf32, #tpu.memory_space<vmem>>
      %dma_start3A_126 = arith.constant 0 : i32
      %dma_start3A_127 = tpu.memref_slice %arg4[%shift_right_logical3A_110, %and3A_112, %dma_start3A_126] : memref<12500x8x32xf32, #tpu.memory_space<hbm>> -> memref<1x1x32xf32, #tpu.memory_space<hbm>>
      %dma_start3A_128 = tpu.memref_squeeze %dma_start3A_127 : memref<1x1x32xf32, #tpu.memory_space<hbm>> -> memref<32xf32, #tpu.memory_space<hbm>>
      tpu.enqueue_dma source(%dma_start3A_128 : memref<32xf32, #tpu.memory_space<hbm>>) target(%dma_start3A_125 : memref<32xf32, #tpu.memory_space<vmem>>) target_semaphore(%arg10 : memref<!tpu.dma_semaphore, #tpu.memory_space<semaphore_mem>>)
      %slice3A_129 = vector.extract_strided_slice %get3A_44 {offsets = [4], sizes = [1], strides = [1]} : vector<16xi32> to vector<1xi32>
      %squeeze3A_130 = vector.extract %slice3A_129[0] : i32 from vector<1xi32>
      %shift_right_logical3A_131 = arith.constant 3 : i32
      %shift_right_logical3A_132 = arith.shrui %squeeze3A_130, %shift_right_logical3A_131 : i32
      %and3A_133 = arith.constant 7 : i32
      %and3A_134 = arith.andi %squeeze3A_130, %and3A_133 : i32
      %mul3A_135 = arith.constant 16 : i32
      %mul3A_136 = arith.muli %scan3A_41, %mul3A_135 : i32
      %add3A_137 = arith.constant 4 : i32
      %add3A_138 = arith.addi %mul3A_136, %add3A_137 : i32
      %dma_start3A_139 = arith.constant 0 : i32
      %dma_start3A_140 = tpu.memref_slice %arg9[%add3A_138, %dma_start3A_139] : memref<512x32xf32, #tpu.memory_space<vmem>> -> memref<1x32xf32, #tpu.memory_space<vmem>>
      %dma_start3A_141 = tpu.memref_squeeze %dma_start3A_140 : memref<1x32xf32, #tpu.memory_space<vmem>> -> memref<32xf32, #tpu.memory_space<vmem>>
      %dma_start3A_142 = arith.constant 0 : i32
      %dma_start3A_143 = tpu.memref_slice %arg4[%shift_right_logical3A_132, %and3A_134, %dma_start3A_142] : memref<12500x8x32xf32, #tpu.memory_space<hbm>> -> memref<1x1x32xf32, #tpu.memory_space<hbm>>
      %dma_start3A_144 = tpu.memref_squeeze %dma_start3A_143 : memref<1x1x32xf32, #tpu.memory_space<hbm>> -> memref<32xf32, #tpu.memory_space<hbm>>
      %dma_start3A_145 = arith.constant 0 : i32
      %dma_start3A_146 = tpu.memref_slice %arg9[%add3A_138, %dma_start3A_145] : memref<512x32xf32, #tpu.memory_space<vmem>> -> memref<1x32xf32, #tpu.memory_space<vmem>>
      %dma_start3A_147 = tpu.memref_squeeze %dma_start3A_146 : memref<1x32xf32, #tpu.memory_space<vmem>> -> memref<32xf32, #tpu.memory_space<vmem>>
      %dma_start3A_148 = arith.constant 0 : i32
      %dma_start3A_149 = tpu.memref_slice %arg4[%shift_right_logical3A_132, %and3A_134, %dma_start3A_148] : memref<12500x8x32xf32, #tpu.memory_space<hbm>> -> memref<1x1x32xf32, #tpu.memory_space<hbm>>
      %dma_start3A_150 = tpu.memref_squeeze %dma_start3A_149 : memref<1x1x32xf32, #tpu.memory_space<hbm>> -> memref<32xf32, #tpu.memory_space<hbm>>
      tpu.enqueue_dma source(%dma_start3A_150 : memref<32xf32, #tpu.memory_space<hbm>>) target(%dma_start3A_147 : memref<32xf32, #tpu.memory_space<vmem>>) target_semaphore(%arg10 : memref<!tpu.dma_semaphore, #tpu.memory_space<semaphore_mem>>)
      %slice3A_151 = vector.extract_strided_slice %get3A_44 {offsets = [5], sizes = [1], strides = [1]} : vector<16xi32> to vector<1xi32>
      %squeeze3A_152 = vector.extract %slice3A_151[0] : i32 from vector<1xi32>
      %shift_right_logical3A_153 = arith.constant 3 : i32
      %shift_right_logical3A_154 = arith.shrui %squeeze3A_152, %shift_right_logical3A_153 : i32
      %and3A_155 = arith.constant 7 : i32
      %and3A_156 = arith.andi %squeeze3A_152, %and3A_155 : i32
      %mul3A_157 = arith.constant 16 : i32
      %mul3A_158 = arith.muli %scan3A_41, %mul3A_157 : i32
      %add3A_159 = arith.constant 5 : i32
      %add3A_160 = arith.addi %mul3A_158, %add3A_159 : i32
      %dma_start3A_161 = arith.constant 0 : i32
      %dma_start3A_162 = tpu.memref_slice %arg9[%add3A_160, %dma_start3A_161] : memref<512x32xf32, #tpu.memory_space<vmem>> -> memref<1x32xf32, #tpu.memory_space<vmem>>
      %dma_start3A_163 = tpu.memref_squeeze %dma_start3A_162 : memref<1x32xf32, #tpu.memory_space<vmem>> -> memref<32xf32, #tpu.memory_space<vmem>>
      %dma_start3A_164 = arith.constant 0 : i32
      %dma_start3A_165 = tpu.memref_slice %arg4[%shift_right_logical3A_154, %and3A_156, %dma_start3A_164] : memref<12500x8x32xf32, #tpu.memory_space<hbm>> -> memref<1x1x32xf32, #tpu.memory_space<hbm>>
      %dma_start3A_166 = tpu.memref_squeeze %dma_start3A_165 : memref<1x1x32xf32, #tpu.memory_space<hbm>> -> memref<32xf32, #tpu.memory_space<hbm>>
      %dma_start3A_167 = arith.constant 0 : i32
      %dma_start3A_168 = tpu.memref_slice %arg9[%add3A_160, %dma_start3A_167] : memref<512x32xf32, #tpu.memory_space<vmem>> -> memref<1x32xf32, #tpu.memory_space<vmem>>
      %dma_start3A_169 = tpu.memref_squeeze %dma_start3A_168 : memref<1x32xf32, #tpu.memory_space<vmem>> -> memref<32xf32, #tpu.memory_space<vmem>>
      %dma_start3A_170 = arith.constant 0 : i32
      %dma_start3A_171 = tpu.memref_slice %arg4[%shift_right_logical3A_154, %and3A_156, %dma_start3A_170] : memref<12500x8x32xf32, #tpu.memory_space<hbm>> -> memref<1x1x32xf32, #tpu.memory_space<hbm>>
      %dma_start3A_172 = tpu.memref_squeeze %dma_start3A_171 : memref<1x1x32xf32, #tpu.memory_space<hbm>> -> memref<32xf32, #tpu.memory_space<hbm>>
      tpu.enqueue_dma source(%dma_start3A_172 : memref<32xf32, #tpu.memory_space<hbm>>) target(%dma_start3A_169 : memref<32xf32, #tpu.memory_space<vmem>>) target_semaphore(%arg10 : memref<!tpu.dma_semaphore, #tpu.memory_space<semaphore_mem>>)
      %slice3A_173 = vector.extract_strided_slice %get3A_44 {offsets = [6], sizes = [1], strides = [1]} : vector<16xi32> to vector<1xi32>
      %squeeze3A_174 = vector.extract %slice3A_173[0] : i32 from vector<1xi32>
      %shift_right_logical3A_175 = arith.constant 3 : i32
      %shift_right_logical3A_176 = arith.shrui %squeeze3A_174, %shift_right_logical3A_175 : i32
      %and3A_177 = arith.constant 7 : i32
      %and3A_178 = arith.andi %squeeze3A_174, %and3A_177 : i32
      %mul3A_179 = arith.constant 16 : i32
      %mul3A_180 = arith.muli %scan3A_41, %mul3A_179 : i32
      %add3A_181 = arith.constant 6 : i32
      %add3A_182 = arith.addi %mul3A_180, %add3A_181 : i32
      %dma_start3A_183 = arith.constant 0 : i32
      %dma_start3A_184 = tpu.memref_slice %arg9[%add3A_182, %dma_start3A_183] : memref<512x32xf32, #tpu.memory_space<vmem>> -> memref<1x32xf32, #tpu.memory_space<vmem>>
      %dma_start3A_185 = tpu.memref_squeeze %dma_start3A_184 : memref<1x32xf32, #tpu.memory_space<vmem>> -> memref<32xf32, #tpu.memory_space<vmem>>
      %dma_start3A_186 = arith.constant 0 : i32
      %dma_start3A_187 = tpu.memref_slice %arg4[%shift_right_logical3A_176, %and3A_178, %dma_start3A_186] : memref<12500x8x32xf32, #tpu.memory_space<hbm>> -> memref<1x1x32xf32, #tpu.memory_space<hbm>>
      %dma_start3A_188 = tpu.memref_squeeze %dma_start3A_187 : memref<1x1x32xf32, #tpu.memory_space<hbm>> -> memref<32xf32, #tpu.memory_space<hbm>>
      %dma_start3A_189 = arith.constant 0 : i32
      %dma_start3A_190 = tpu.memref_slice %arg9[%add3A_182, %dma_start3A_189] : memref<512x32xf32, #tpu.memory_space<vmem>> -> memref<1x32xf32, #tpu.memory_space<vmem>>
      %dma_start3A_191 = tpu.memref_squeeze %dma_start3A_190 : memref<1x32xf32, #tpu.memory_space<vmem>> -> memref<32xf32, #tpu.memory_space<vmem>>
      %dma_start3A_192 = arith.constant 0 : i32
      %dma_start3A_193 = tpu.memref_slice %arg4[%shift_right_logical3A_176, %and3A_178, %dma_start3A_192] : memref<12500x8x32xf32, #tpu.memory_space<hbm>> -> memref<1x1x32xf32, #tpu.memory_space<hbm>>
      %dma_start3A_194 = tpu.memref_squeeze %dma_start3A_193 : memref<1x1x32xf32, #tpu.memory_space<hbm>> -> memref<32xf32, #tpu.memory_space<hbm>>
      tpu.enqueue_dma source(%dma_start3A_194 : memref<32xf32, #tpu.memory_space<hbm>>) target(%dma_start3A_191 : memref<32xf32, #tpu.memory_space<vmem>>) target_semaphore(%arg10 : memref<!tpu.dma_semaphore, #tpu.memory_space<semaphore_mem>>)
      %slice3A_195 = vector.extract_strided_slice %get3A_44 {offsets = [7], sizes = [1], strides = [1]} : vector<16xi32> to vector<1xi32>
      %squeeze3A_196 = vector.extract %slice3A_195[0] : i32 from vector<1xi32>
      %shift_right_logical3A_197 = arith.constant 3 : i32
      %shift_right_logical3A_198 = arith.shrui %squeeze3A_196, %shift_right_logical3A_197 : i32
      %and3A_199 = arith.constant 7 : i32
      %and3A_200 = arith.andi %squeeze3A_196, %and3A_199 : i32
      %mul3A_201 = arith.constant 16 : i32
      %mul3A_202 = arith.muli %scan3A_41, %mul3A_201 : i32
      %add3A_203 = arith.constant 7 : i32
      %add3A_204 = arith.addi %mul3A_202, %add3A_203 : i32
      %dma_start3A_205 = arith.constant 0 : i32
      %dma_start3A_206 = tpu.memref_slice %arg9[%add3A_204, %dma_start3A_205] : memref<512x32xf32, #tpu.memory_space<vmem>> -> memref<1x32xf32, #tpu.memory_space<vmem>>
      %dma_start3A_207 = tpu.memref_squeeze %dma_start3A_206 : memref<1x32xf32, #tpu.memory_space<vmem>> -> memref<32xf32, #tpu.memory_space<vmem>>
      %dma_start3A_208 = arith.constant 0 : i32
      %dma_start3A_209 = tpu.memref_slice %arg4[%shift_right_logical3A_198, %and3A_200, %dma_start3A_208] : memref<12500x8x32xf32, #tpu.memory_space<hbm>> -> memref<1x1x32xf32, #tpu.memory_space<hbm>>
      %dma_start3A_210 = tpu.memref_squeeze %dma_start3A_209 : memref<1x1x32xf32, #tpu.memory_space<hbm>> -> memref<32xf32, #tpu.memory_space<hbm>>
      %dma_start3A_211 = arith.constant 0 : i32
      %dma_start3A_212 = tpu.memref_slice %arg9[%add3A_204, %dma_start3A_211] : memref<512x32xf32, #tpu.memory_space<vmem>> -> memref<1x32xf32, #tpu.memory_space<vmem>>
      %dma_start3A_213 = tpu.memref_squeeze %dma_start3A_212 : memref<1x32xf32, #tpu.memory_space<vmem>> -> memref<32xf32, #tpu.memory_space<vmem>>
      %dma_start3A_214 = arith.constant 0 : i32
      %dma_start3A_215 = tpu.memref_slice %arg4[%shift_right_logical3A_198, %and3A_200, %dma_start3A_214] : memref<12500x8x32xf32, #tpu.memory_space<hbm>> -> memref<1x1x32xf32, #tpu.memory_space<hbm>>
      %dma_start3A_216 = tpu.memref_squeeze %dma_start3A_215 : memref<1x1x32xf32, #tpu.memory_space<hbm>> -> memref<32xf32, #tpu.memory_space<hbm>>
      tpu.enqueue_dma source(%dma_start3A_216 : memref<32xf32, #tpu.memory_space<hbm>>) target(%dma_start3A_213 : memref<32xf32, #tpu.memory_space<vmem>>) target_semaphore(%arg10 : memref<!tpu.dma_semaphore, #tpu.memory_space<semaphore_mem>>)
      %slice3A_217 = vector.extract_strided_slice %get3A_44 {offsets = [8], sizes = [1], strides = [1]} : vector<16xi32> to vector<1xi32>
      %squeeze3A_218 = vector.extract %slice3A_217[0] : i32 from vector<1xi32>
      %shift_right_logical3A_219 = arith.constant 3 : i32
      %shift_right_logical3A_220 = arith.shrui %squeeze3A_218, %shift_right_logical3A_219 : i32
      %and3A_221 = arith.constant 7 : i32
      %and3A_222 = arith.andi %squeeze3A_218, %and3A_221 : i32
      %mul3A_223 = arith.constant 16 : i32
      %mul3A_224 = arith.muli %scan3A_41, %mul3A_223 : i32
      %add3A_225 = arith.constant 8 : i32
      %add3A_226 = arith.addi %mul3A_224, %add3A_225 : i32
      %dma_start3A_227 = arith.constant 0 : i32
      %dma_start3A_228 = tpu.memref_slice %arg9[%add3A_226, %dma_start3A_227] : memref<512x32xf32, #tpu.memory_space<vmem>> -> memref<1x32xf32, #tpu.memory_space<vmem>>
      %dma_start3A_229 = tpu.memref_squeeze %dma_start3A_228 : memref<1x32xf32, #tpu.memory_space<vmem>> -> memref<32xf32, #tpu.memory_space<vmem>>
      %dma_start3A_230 = arith.constant 0 : i32
      %dma_start3A_231 = tpu.memref_slice %arg4[%shift_right_logical3A_220, %and3A_222, %dma_start3A_230] : memref<12500x8x32xf32, #tpu.memory_space<hbm>> -> memref<1x1x32xf32, #tpu.memory_space<hbm>>
      %dma_start3A_232 = tpu.memref_squeeze %dma_start3A_231 : memref<1x1x32xf32, #tpu.memory_space<hbm>> -> memref<32xf32, #tpu.memory_space<hbm>>
      %dma_start3A_233 = arith.constant 0 : i32
      %dma_start3A_234 = tpu.memref_slice %arg9[%add3A_226, %dma_start3A_233] : memref<512x32xf32, #tpu.memory_space<vmem>> -> memref<1x32xf32, #tpu.memory_space<vmem>>
      %dma_start3A_235 = tpu.memref_squeeze %dma_start3A_234 : memref<1x32xf32, #tpu.memory_space<vmem>> -> memref<32xf32, #tpu.memory_space<vmem>>
      %dma_start3A_236 = arith.constant 0 : i32
      %dma_start3A_237 = tpu.memref_slice %arg4[%shift_right_logical3A_220, %and3A_222, %dma_start3A_236] : memref<12500x8x32xf32, #tpu.memory_space<hbm>> -> memref<1x1x32xf32, #tpu.memory_space<hbm>>
      %dma_start3A_238 = tpu.memref_squeeze %dma_start3A_237 : memref<1x1x32xf32, #tpu.memory_space<hbm>> -> memref<32xf32, #tpu.memory_space<hbm>>
      tpu.enqueue_dma source(%dma_start3A_238 : memref<32xf32, #tpu.memory_space<hbm>>) target(%dma_start3A_235 : memref<32xf32, #tpu.memory_space<vmem>>) target_semaphore(%arg10 : memref<!tpu.dma_semaphore, #tpu.memory_space<semaphore_mem>>)
      %slice3A_239 = vector.extract_strided_slice %get3A_44 {offsets = [9], sizes = [1], strides = [1]} : vector<16xi32> to vector<1xi32>
      %squeeze3A_240 = vector.extract %slice3A_239[0] : i32 from vector<1xi32>
      %shift_right_logical3A_241 = arith.constant 3 : i32
      %shift_right_logical3A_242 = arith.shrui %squeeze3A_240, %shift_right_logical3A_241 : i32
      %and3A_243 = arith.constant 7 : i32
      %and3A_244 = arith.andi %squeeze3A_240, %and3A_243 : i32
      %mul3A_245 = arith.constant 16 : i32
      %mul3A_246 = arith.muli %scan3A_41, %mul3A_245 : i32
      %add3A_247 = arith.constant 9 : i32
      %add3A_248 = arith.addi %mul3A_246, %add3A_247 : i32
      %dma_start3A_249 = arith.constant 0 : i32
      %dma_start3A_250 = tpu.memref_slice %arg9[%add3A_248, %dma_start3A_249] : memref<512x32xf32, #tpu.memory_space<vmem>> -> memref<1x32xf32, #tpu.memory_space<vmem>>
      %dma_start3A_251 = tpu.memref_squeeze %dma_start3A_250 : memref<1x32xf32, #tpu.memory_space<vmem>> -> memref<32xf32, #tpu.memory_space<vmem>>
      %dma_start3A_252 = arith.constant 0 : i32
      %dma_start3A_253 = tpu.memref_slice %arg4[%shift_right_logical3A_242, %and3A_244, %dma_start3A_252] : memref<12500x8x32xf32, #tpu.memory_space<hbm>> -> memref<1x1x32xf32, #tpu.memory_space<hbm>>
      %dma_start3A_254 = tpu.memref_squeeze %dma_start3A_253 : memref<1x1x32xf32, #tpu.memory_space<hbm>> -> memref<32xf32, #tpu.memory_space<hbm>>
      %dma_start3A_255 = arith.constant 0 : i32
      %dma_start3A_256 = tpu.memref_slice %arg9[%add3A_248, %dma_start3A_255] : memref<512x32xf32, #tpu.memory_space<vmem>> -> memref<1x32xf32, #tpu.memory_space<vmem>>
      %dma_start3A_257 = tpu.memref_squeeze %dma_start3A_256 : memref<1x32xf32, #tpu.memory_space<vmem>> -> memref<32xf32, #tpu.memory_space<vmem>>
      %dma_start3A_258 = arith.constant 0 : i32
      %dma_start3A_259 = tpu.memref_slice %arg4[%shift_right_logical3A_242, %and3A_244, %dma_start3A_258] : memref<12500x8x32xf32, #tpu.memory_space<hbm>> -> memref<1x1x32xf32, #tpu.memory_space<hbm>>
      %dma_start3A_260 = tpu.memref_squeeze %dma_start3A_259 : memref<1x1x32xf32, #tpu.memory_space<hbm>> -> memref<32xf32, #tpu.memory_space<hbm>>
      tpu.enqueue_dma source(%dma_start3A_260 : memref<32xf32, #tpu.memory_space<hbm>>) target(%dma_start3A_257 : memref<32xf32, #tpu.memory_space<vmem>>) target_semaphore(%arg10 : memref<!tpu.dma_semaphore, #tpu.memory_space<semaphore_mem>>)
      %slice3A_261 = vector.extract_strided_slice %get3A_44 {offsets = [10], sizes = [1], strides = [1]} : vector<16xi32> to vector<1xi32>
      %squeeze3A_262 = vector.extract %slice3A_261[0] : i32 from vector<1xi32>
      %shift_right_logical3A_263 = arith.constant 3 : i32
      %shift_right_logical3A_264 = arith.shrui %squeeze3A_262, %shift_right_logical3A_263 : i32
      %and3A_265 = arith.constant 7 : i32
      %and3A_266 = arith.andi %squeeze3A_262, %and3A_265 : i32
      %mul3A_267 = arith.constant 16 : i32
      %mul3A_268 = arith.muli %scan3A_41, %mul3A_267 : i32
      %add3A_269 = arith.constant 10 : i32
      %add3A_270 = arith.addi %mul3A_268, %add3A_269 : i32
      %dma_start3A_271 = arith.constant 0 : i32
      %dma_start3A_272 = tpu.memref_slice %arg9[%add3A_270, %dma_start3A_271] : memref<512x32xf32, #tpu.memory_space<vmem>> -> memref<1x32xf32, #tpu.memory_space<vmem>>
      %dma_start3A_273 = tpu.memref_squeeze %dma_start3A_272 : memref<1x32xf32, #tpu.memory_space<vmem>> -> memref<32xf32, #tpu.memory_space<vmem>>
      %dma_start3A_274 = arith.constant 0 : i32
      %dma_start3A_275 = tpu.memref_slice %arg4[%shift_right_logical3A_264, %and3A_266, %dma_start3A_274] : memref<12500x8x32xf32, #tpu.memory_space<hbm>> -> memref<1x1x32xf32, #tpu.memory_space<hbm>>
      %dma_start3A_276 = tpu.memref_squeeze %dma_start3A_275 : memref<1x1x32xf32, #tpu.memory_space<hbm>> -> memref<32xf32, #tpu.memory_space<hbm>>
      %dma_start3A_277 = arith.constant 0 : i32
      %dma_start3A_278 = tpu.memref_slice %arg9[%add3A_270, %dma_start3A_277] : memref<512x32xf32, #tpu.memory_space<vmem>> -> memref<1x32xf32, #tpu.memory_space<vmem>>
      %dma_start3A_279 = tpu.memref_squeeze %dma_start3A_278 : memref<1x32xf32, #tpu.memory_space<vmem>> -> memref<32xf32, #tpu.memory_space<vmem>>
      %dma_start3A_280 = arith.constant 0 : i32
      %dma_start3A_281 = tpu.memref_slice %arg4[%shift_right_logical3A_264, %and3A_266, %dma_start3A_280] : memref<12500x8x32xf32, #tpu.memory_space<hbm>> -> memref<1x1x32xf32, #tpu.memory_space<hbm>>
      %dma_start3A_282 = tpu.memref_squeeze %dma_start3A_281 : memref<1x1x32xf32, #tpu.memory_space<hbm>> -> memref<32xf32, #tpu.memory_space<hbm>>
      tpu.enqueue_dma source(%dma_start3A_282 : memref<32xf32, #tpu.memory_space<hbm>>) target(%dma_start3A_279 : memref<32xf32, #tpu.memory_space<vmem>>) target_semaphore(%arg10 : memref<!tpu.dma_semaphore, #tpu.memory_space<semaphore_mem>>)
      %slice3A_283 = vector.extract_strided_slice %get3A_44 {offsets = [11], sizes = [1], strides = [1]} : vector<16xi32> to vector<1xi32>
      %squeeze3A_284 = vector.extract %slice3A_283[0] : i32 from vector<1xi32>
      %shift_right_logical3A_285 = arith.constant 3 : i32
      %shift_right_logical3A_286 = arith.shrui %squeeze3A_284, %shift_right_logical3A_285 : i32
      %and3A_287 = arith.constant 7 : i32
      %and3A_288 = arith.andi %squeeze3A_284, %and3A_287 : i32
      %mul3A_289 = arith.constant 16 : i32
      %mul3A_290 = arith.muli %scan3A_41, %mul3A_289 : i32
      %add3A_291 = arith.constant 11 : i32
      %add3A_292 = arith.addi %mul3A_290, %add3A_291 : i32
      %dma_start3A_293 = arith.constant 0 : i32
      %dma_start3A_294 = tpu.memref_slice %arg9[%add3A_292, %dma_start3A_293] : memref<512x32xf32, #tpu.memory_space<vmem>> -> memref<1x32xf32, #tpu.memory_space<vmem>>
      %dma_start3A_295 = tpu.memref_squeeze %dma_start3A_294 : memref<1x32xf32, #tpu.memory_space<vmem>> -> memref<32xf32, #tpu.memory_space<vmem>>
      %dma_start3A_296 = arith.constant 0 : i32
      %dma_start3A_297 = tpu.memref_slice %arg4[%shift_right_logical3A_286, %and3A_288, %dma_start3A_296] : memref<12500x8x32xf32, #tpu.memory_space<hbm>> -> memref<1x1x32xf32, #tpu.memory_space<hbm>>
      %dma_start3A_298 = tpu.memref_squeeze %dma_start3A_297 : memref<1x1x32xf32, #tpu.memory_space<hbm>> -> memref<32xf32, #tpu.memory_space<hbm>>
      %dma_start3A_299 = arith.constant 0 : i32
      %dma_start3A_300 = tpu.memref_slice %arg9[%add3A_292, %dma_start3A_299] : memref<512x32xf32, #tpu.memory_space<vmem>> -> memref<1x32xf32, #tpu.memory_space<vmem>>
      %dma_start3A_301 = tpu.memref_squeeze %dma_start3A_300 : memref<1x32xf32, #tpu.memory_space<vmem>> -> memref<32xf32, #tpu.memory_space<vmem>>
      %dma_start3A_302 = arith.constant 0 : i32
      %dma_start3A_303 = tpu.memref_slice %arg4[%shift_right_logical3A_286, %and3A_288, %dma_start3A_302] : memref<12500x8x32xf32, #tpu.memory_space<hbm>> -> memref<1x1x32xf32, #tpu.memory_space<hbm>>
      %dma_start3A_304 = tpu.memref_squeeze %dma_start3A_303 : memref<1x1x32xf32, #tpu.memory_space<hbm>> -> memref<32xf32, #tpu.memory_space<hbm>>
      tpu.enqueue_dma source(%dma_start3A_304 : memref<32xf32, #tpu.memory_space<hbm>>) target(%dma_start3A_301 : memref<32xf32, #tpu.memory_space<vmem>>) target_semaphore(%arg10 : memref<!tpu.dma_semaphore, #tpu.memory_space<semaphore_mem>>)
      %slice3A_305 = vector.extract_strided_slice %get3A_44 {offsets = [12], sizes = [1], strides = [1]} : vector<16xi32> to vector<1xi32>
      %squeeze3A_306 = vector.extract %slice3A_305[0] : i32 from vector<1xi32>
      %shift_right_logical3A_307 = arith.constant 3 : i32
      %shift_right_logical3A_308 = arith.shrui %squeeze3A_306, %shift_right_logical3A_307 : i32
      %and3A_309 = arith.constant 7 : i32
      %and3A_310 = arith.andi %squeeze3A_306, %and3A_309 : i32
      %mul3A_311 = arith.constant 16 : i32
      %mul3A_312 = arith.muli %scan3A_41, %mul3A_311 : i32
      %add3A_313 = arith.constant 12 : i32
      %add3A_314 = arith.addi %mul3A_312, %add3A_313 : i32
      %dma_start3A_315 = arith.constant 0 : i32
      %dma_start3A_316 = tpu.memref_slice %arg9[%add3A_314, %dma_start3A_315] : memref<512x32xf32, #tpu.memory_space<vmem>> -> memref<1x32xf32, #tpu.memory_space<vmem>>
      %dma_start3A_317 = tpu.memref_squeeze %dma_start3A_316 : memref<1x32xf32, #tpu.memory_space<vmem>> -> memref<32xf32, #tpu.memory_space<vmem>>
      %dma_start3A_318 = arith.constant 0 : i32
      %dma_start3A_319 = tpu.memref_slice %arg4[%shift_right_logical3A_308, %and3A_310, %dma_start3A_318] : memref<12500x8x32xf32, #tpu.memory_space<hbm>> -> memref<1x1x32xf32, #tpu.memory_space<hbm>>
      %dma_start3A_320 = tpu.memref_squeeze %dma_start3A_319 : memref<1x1x32xf32, #tpu.memory_space<hbm>> -> memref<32xf32, #tpu.memory_space<hbm>>
      %dma_start3A_321 = arith.constant 0 : i32
      %dma_start3A_322 = tpu.memref_slice %arg9[%add3A_314, %dma_start3A_321] : memref<512x32xf32, #tpu.memory_space<vmem>> -> memref<1x32xf32, #tpu.memory_space<vmem>>
      %dma_start3A_323 = tpu.memref_squeeze %dma_start3A_322 : memref<1x32xf32, #tpu.memory_space<vmem>> -> memref<32xf32, #tpu.memory_space<vmem>>
      %dma_start3A_324 = arith.constant 0 : i32
      %dma_start3A_325 = tpu.memref_slice %arg4[%shift_right_logical3A_308, %and3A_310, %dma_start3A_324] : memref<12500x8x32xf32, #tpu.memory_space<hbm>> -> memref<1x1x32xf32, #tpu.memory_space<hbm>>
      %dma_start3A_326 = tpu.memref_squeeze %dma_start3A_325 : memref<1x1x32xf32, #tpu.memory_space<hbm>> -> memref<32xf32, #tpu.memory_space<hbm>>
      tpu.enqueue_dma source(%dma_start3A_326 : memref<32xf32, #tpu.memory_space<hbm>>) target(%dma_start3A_323 : memref<32xf32, #tpu.memory_space<vmem>>) target_semaphore(%arg10 : memref<!tpu.dma_semaphore, #tpu.memory_space<semaphore_mem>>)
      %slice3A_327 = vector.extract_strided_slice %get3A_44 {offsets = [13], sizes = [1], strides = [1]} : vector<16xi32> to vector<1xi32>
      %squeeze3A_328 = vector.extract %slice3A_327[0] : i32 from vector<1xi32>
      %shift_right_logical3A_329 = arith.constant 3 : i32
      %shift_right_logical3A_330 = arith.shrui %squeeze3A_328, %shift_right_logical3A_329 : i32
      %and3A_331 = arith.constant 7 : i32
      %and3A_332 = arith.andi %squeeze3A_328, %and3A_331 : i32
      %mul3A_333 = arith.constant 16 : i32
      %mul3A_334 = arith.muli %scan3A_41, %mul3A_333 : i32
      %add3A_335 = arith.constant 13 : i32
      %add3A_336 = arith.addi %mul3A_334, %add3A_335 : i32
      %dma_start3A_337 = arith.constant 0 : i32
      %dma_start3A_338 = tpu.memref_slice %arg9[%add3A_336, %dma_start3A_337] : memref<512x32xf32, #tpu.memory_space<vmem>> -> memref<1x32xf32, #tpu.memory_space<vmem>>
      %dma_start3A_339 = tpu.memref_squeeze %dma_start3A_338 : memref<1x32xf32, #tpu.memory_space<vmem>> -> memref<32xf32, #tpu.memory_space<vmem>>
      %dma_start3A_340 = arith.constant 0 : i32
      %dma_start3A_341 = tpu.memref_slice %arg4[%shift_right_logical3A_330, %and3A_332, %dma_start3A_340] : memref<12500x8x32xf32, #tpu.memory_space<hbm>> -> memref<1x1x32xf32, #tpu.memory_space<hbm>>
      %dma_start3A_342 = tpu.memref_squeeze %dma_start3A_341 : memref<1x1x32xf32, #tpu.memory_space<hbm>> -> memref<32xf32, #tpu.memory_space<hbm>>
      %dma_start3A_343 = arith.constant 0 : i32
      %dma_start3A_344 = tpu.memref_slice %arg9[%add3A_336, %dma_start3A_343] : memref<512x32xf32, #tpu.memory_space<vmem>> -> memref<1x32xf32, #tpu.memory_space<vmem>>
      %dma_start3A_345 = tpu.memref_squeeze %dma_start3A_344 : memref<1x32xf32, #tpu.memory_space<vmem>> -> memref<32xf32, #tpu.memory_space<vmem>>
      %dma_start3A_346 = arith.constant 0 : i32
      %dma_start3A_347 = tpu.memref_slice %arg4[%shift_right_logical3A_330, %and3A_332, %dma_start3A_346] : memref<12500x8x32xf32, #tpu.memory_space<hbm>> -> memref<1x1x32xf32, #tpu.memory_space<hbm>>
      %dma_start3A_348 = tpu.memref_squeeze %dma_start3A_347 : memref<1x1x32xf32, #tpu.memory_space<hbm>> -> memref<32xf32, #tpu.memory_space<hbm>>
      tpu.enqueue_dma source(%dma_start3A_348 : memref<32xf32, #tpu.memory_space<hbm>>) target(%dma_start3A_345 : memref<32xf32, #tpu.memory_space<vmem>>) target_semaphore(%arg10 : memref<!tpu.dma_semaphore, #tpu.memory_space<semaphore_mem>>)
      %slice3A_349 = vector.extract_strided_slice %get3A_44 {offsets = [14], sizes = [1], strides = [1]} : vector<16xi32> to vector<1xi32>
      %squeeze3A_350 = vector.extract %slice3A_349[0] : i32 from vector<1xi32>
      %shift_right_logical3A_351 = arith.constant 3 : i32
      %shift_right_logical3A_352 = arith.shrui %squeeze3A_350, %shift_right_logical3A_351 : i32
      %and3A_353 = arith.constant 7 : i32
      %and3A_354 = arith.andi %squeeze3A_350, %and3A_353 : i32
      %mul3A_355 = arith.constant 16 : i32
      %mul3A_356 = arith.muli %scan3A_41, %mul3A_355 : i32
      %add3A_357 = arith.constant 14 : i32
      %add3A_358 = arith.addi %mul3A_356, %add3A_357 : i32
      %dma_start3A_359 = arith.constant 0 : i32
      %dma_start3A_360 = tpu.memref_slice %arg9[%add3A_358, %dma_start3A_359] : memref<512x32xf32, #tpu.memory_space<vmem>> -> memref<1x32xf32, #tpu.memory_space<vmem>>
      %dma_start3A_361 = tpu.memref_squeeze %dma_start3A_360 : memref<1x32xf32, #tpu.memory_space<vmem>> -> memref<32xf32, #tpu.memory_space<vmem>>
      %dma_start3A_362 = arith.constant 0 : i32
      %dma_start3A_363 = tpu.memref_slice %arg4[%shift_right_logical3A_352, %and3A_354, %dma_start3A_362] : memref<12500x8x32xf32, #tpu.memory_space<hbm>> -> memref<1x1x32xf32, #tpu.memory_space<hbm>>
      %dma_start3A_364 = tpu.memref_squeeze %dma_start3A_363 : memref<1x1x32xf32, #tpu.memory_space<hbm>> -> memref<32xf32, #tpu.memory_space<hbm>>
      %dma_start3A_365 = arith.constant 0 : i32
      %dma_start3A_366 = tpu.memref_slice %arg9[%add3A_358, %dma_start3A_365] : memref<512x32xf32, #tpu.memory_space<vmem>> -> memref<1x32xf32, #tpu.memory_space<vmem>>
      %dma_start3A_367 = tpu.memref_squeeze %dma_start3A_366 : memref<1x32xf32, #tpu.memory_space<vmem>> -> memref<32xf32, #tpu.memory_space<vmem>>
      %dma_start3A_368 = arith.constant 0 : i32
      %dma_start3A_369 = tpu.memref_slice %arg4[%shift_right_logical3A_352, %and3A_354, %dma_start3A_368] : memref<12500x8x32xf32, #tpu.memory_space<hbm>> -> memref<1x1x32xf32, #tpu.memory_space<hbm>>
      %dma_start3A_370 = tpu.memref_squeeze %dma_start3A_369 : memref<1x1x32xf32, #tpu.memory_space<hbm>> -> memref<32xf32, #tpu.memory_space<hbm>>
      tpu.enqueue_dma source(%dma_start3A_370 : memref<32xf32, #tpu.memory_space<hbm>>) target(%dma_start3A_367 : memref<32xf32, #tpu.memory_space<vmem>>) target_semaphore(%arg10 : memref<!tpu.dma_semaphore, #tpu.memory_space<semaphore_mem>>)
      %slice3A_371 = vector.extract_strided_slice %get3A_44 {offsets = [15], sizes = [1], strides = [1]} : vector<16xi32> to vector<1xi32>
      %squeeze3A_372 = vector.extract %slice3A_371[0] : i32 from vector<1xi32>
      %shift_right_logical3A_373 = arith.constant 3 : i32
      %shift_right_logical3A_374 = arith.shrui %squeeze3A_372, %shift_right_logical3A_373 : i32
      %and3A_375 = arith.constant 7 : i32
      %and3A_376 = arith.andi %squeeze3A_372, %and3A_375 : i32
      %mul3A_377 = arith.constant 16 : i32
      %mul3A_378 = arith.muli %scan3A_41, %mul3A_377 : i32
      %add3A_379 = arith.constant 15 : i32
      %add3A_380 = arith.addi %mul3A_378, %add3A_379 : i32
      %dma_start3A_381 = arith.constant 0 : i32
      %dma_start3A_382 = tpu.memref_slice %arg9[%add3A_380, %dma_start3A_381] : memref<512x32xf32, #tpu.memory_space<vmem>> -> memref<1x32xf32, #tpu.memory_space<vmem>>
      %dma_start3A_383 = tpu.memref_squeeze %dma_start3A_382 : memref<1x32xf32, #tpu.memory_space<vmem>> -> memref<32xf32, #tpu.memory_space<vmem>>
      %dma_start3A_384 = arith.constant 0 : i32
      %dma_start3A_385 = tpu.memref_slice %arg4[%shift_right_logical3A_374, %and3A_376, %dma_start3A_384] : memref<12500x8x32xf32, #tpu.memory_space<hbm>> -> memref<1x1x32xf32, #tpu.memory_space<hbm>>
      %dma_start3A_386 = tpu.memref_squeeze %dma_start3A_385 : memref<1x1x32xf32, #tpu.memory_space<hbm>> -> memref<32xf32, #tpu.memory_space<hbm>>
      %dma_start3A_387 = arith.constant 0 : i32
      %dma_start3A_388 = tpu.memref_slice %arg9[%add3A_380, %dma_start3A_387] : memref<512x32xf32, #tpu.memory_space<vmem>> -> memref<1x32xf32, #tpu.memory_space<vmem>>
      %dma_start3A_389 = tpu.memref_squeeze %dma_start3A_388 : memref<1x32xf32, #tpu.memory_space<vmem>> -> memref<32xf32, #tpu.memory_space<vmem>>
      %dma_start3A_390 = arith.constant 0 : i32
      %dma_start3A_391 = tpu.memref_slice %arg4[%shift_right_logical3A_374, %and3A_376, %dma_start3A_390] : memref<12500x8x32xf32, #tpu.memory_space<hbm>> -> memref<1x1x32xf32, #tpu.memory_space<hbm>>
      %dma_start3A_392 = tpu.memref_squeeze %dma_start3A_391 : memref<1x1x32xf32, #tpu.memory_space<hbm>> -> memref<32xf32, #tpu.memory_space<hbm>>
      tpu.enqueue_dma source(%dma_start3A_392 : memref<32xf32, #tpu.memory_space<hbm>>) target(%dma_start3A_389 : memref<32xf32, #tpu.memory_space<vmem>>) target_semaphore(%arg10 : memref<!tpu.dma_semaphore, #tpu.memory_space<semaphore_mem>>)
    }
    %scan3A_6 = arith.constant 32 : i32
    %scan3A_7 = arith.constant 0 : i32
    %scan3A_8 = arith.constant 32 : i32
    %scan3A_9 = arith.addi %scan3A_7, %scan3A_8 : i32
    %scan3A_10 = arith.constant 1 : i32
    scf.for %scan3A_41 = %scan3A_7 to %scan3A_9 step %scan3A_10  : i32 {
      %dma_wait3A_42 = arith.constant 0 : i32
      %dma_wait3A_43 = arith.constant 0 : i32
      %dma_wait3A_44 = arith.constant 0 : i32
      %dma_wait3A_45 = arith.constant 0 : i32
      %dma_wait3A_46 = tpu.memref_slice %arg9[%dma_wait3A_44, %dma_wait3A_45] : memref<512x32xf32, #tpu.memory_space<vmem>> -> memref<1x32xf32, #tpu.memory_space<vmem>>
      %dma_wait3A_47 = tpu.memref_squeeze %dma_wait3A_46 : memref<1x32xf32, #tpu.memory_space<vmem>> -> memref<32xf32, #tpu.memory_space<vmem>>
      %dma_wait3A_48 = arith.constant 0 : i32
      %dma_wait3A_49 = tpu.memref_slice %arg4[%dma_wait3A_42, %dma_wait3A_43, %dma_wait3A_48] : memref<12500x8x32xf32, #tpu.memory_space<hbm>> -> memref<1x1x32xf32, #tpu.memory_space<hbm>>
      %dma_wait3A_50 = tpu.memref_squeeze %dma_wait3A_49 : memref<1x1x32xf32, #tpu.memory_space<hbm>> -> memref<32xf32, #tpu.memory_space<hbm>>
      %dma_wait3A_51 = arith.constant 0 : i32
      %dma_wait3A_52 = tpu.memref_slice %arg9[%dma_wait3A_44, %dma_wait3A_51] : memref<512x32xf32, #tpu.memory_space<vmem>> -> memref<1x32xf32, #tpu.memory_space<vmem>>
      %dma_wait3A_53 = tpu.memref_squeeze %dma_wait3A_52 : memref<1x32xf32, #tpu.memory_space<vmem>> -> memref<32xf32, #tpu.memory_space<vmem>>
      %dma_wait3A_54 = arith.constant 0 : i32
      %dma_wait3A_55 = tpu.memref_slice %arg4[%dma_wait3A_42, %dma_wait3A_43, %dma_wait3A_54] : memref<12500x8x32xf32, #tpu.memory_space<hbm>> -> memref<1x1x32xf32, #tpu.memory_space<hbm>>
      %dma_wait3A_56 = tpu.memref_squeeze %dma_wait3A_55 : memref<1x1x32xf32, #tpu.memory_space<hbm>> -> memref<32xf32, #tpu.memory_space<hbm>>
      tpu.wait_dma2 semaphore(%arg10 : memref<!tpu.dma_semaphore, #tpu.memory_space<semaphore_mem>>) src(%dma_wait3A_56 : memref<32xf32, #tpu.memory_space<hbm>>) dst(%dma_wait3A_53 : memref<32xf32, #tpu.memory_space<vmem>>)
      %dma_wait3A_57 = arith.constant 0 : i32
      %dma_wait3A_58 = arith.constant 0 : i32
      %dma_wait3A_59 = arith.constant 0 : i32
      %dma_wait3A_60 = arith.constant 0 : i32
      %dma_wait3A_61 = tpu.memref_slice %arg9[%dma_wait3A_59, %dma_wait3A_60] : memref<512x32xf32, #tpu.memory_space<vmem>> -> memref<1x32xf32, #tpu.memory_space<vmem>>
      %dma_wait3A_62 = tpu.memref_squeeze %dma_wait3A_61 : memref<1x32xf32, #tpu.memory_space<vmem>> -> memref<32xf32, #tpu.memory_space<vmem>>
      %dma_wait3A_63 = arith.constant 0 : i32
      %dma_wait3A_64 = tpu.memref_slice %arg4[%dma_wait3A_57, %dma_wait3A_58, %dma_wait3A_63] : memref<12500x8x32xf32, #tpu.memory_space<hbm>> -> memref<1x1x32xf32, #tpu.memory_space<hbm>>
      %dma_wait3A_65 = tpu.memref_squeeze %dma_wait3A_64 : memref<1x1x32xf32, #tpu.memory_space<hbm>> -> memref<32xf32, #tpu.memory_space<hbm>>
      %dma_wait3A_66 = arith.constant 0 : i32
      %dma_wait3A_67 = tpu.memref_slice %arg9[%dma_wait3A_59, %dma_wait3A_66] : memref<512x32xf32, #tpu.memory_space<vmem>> -> memref<1x32xf32, #tpu.memory_space<vmem>>
      %dma_wait3A_68 = tpu.memref_squeeze %dma_wait3A_67 : memref<1x32xf32, #tpu.memory_space<vmem>> -> memref<32xf32, #tpu.memory_space<vmem>>
      %dma_wait3A_69 = arith.constant 0 : i32
      %dma_wait3A_70 = tpu.memref_slice %arg4[%dma_wait3A_57, %dma_wait3A_58, %dma_wait3A_69] : memref<12500x8x32xf32, #tpu.memory_space<hbm>> -> memref<1x1x32xf32, #tpu.memory_space<hbm>>
      %dma_wait3A_71 = tpu.memref_squeeze %dma_wait3A_70 : memref<1x1x32xf32, #tpu.memory_space<hbm>> -> memref<32xf32, #tpu.memory_space<hbm>>
      tpu.wait_dma2 semaphore(%arg10 : memref<!tpu.dma_semaphore, #tpu.memory_space<semaphore_mem>>) src(%dma_wait3A_71 : memref<32xf32, #tpu.memory_space<hbm>>) dst(%dma_wait3A_68 : memref<32xf32, #tpu.memory_space<vmem>>)
      %dma_wait3A_72 = arith.constant 0 : i32
      %dma_wait3A_73 = arith.constant 0 : i32
      %dma_wait3A_74 = arith.constant 0 : i32
      %dma_wait3A_75 = arith.constant 0 : i32
      %dma_wait3A_76 = tpu.memref_slice %arg9[%dma_wait3A_74, %dma_wait3A_75] : memref<512x32xf32, #tpu.memory_space<vmem>> -> memref<1x32xf32, #tpu.memory_space<vmem>>
      %dma_wait3A_77 = tpu.memref_squeeze %dma_wait3A_76 : memref<1x32xf32, #tpu.memory_space<vmem>> -> memref<32xf32, #tpu.memory_space<vmem>>
      %dma_wait3A_78 = arith.constant 0 : i32
      %dma_wait3A_79 = tpu.memref_slice %arg4[%dma_wait3A_72, %dma_wait3A_73, %dma_wait3A_78] : memref<12500x8x32xf32, #tpu.memory_space<hbm>> -> memref<1x1x32xf32, #tpu.memory_space<hbm>>
      %dma_wait3A_80 = tpu.memref_squeeze %dma_wait3A_79 : memref<1x1x32xf32, #tpu.memory_space<hbm>> -> memref<32xf32, #tpu.memory_space<hbm>>
      %dma_wait3A_81 = arith.constant 0 : i32
      %dma_wait3A_82 = tpu.memref_slice %arg9[%dma_wait3A_74, %dma_wait3A_81] : memref<512x32xf32, #tpu.memory_space<vmem>> -> memref<1x32xf32, #tpu.memory_space<vmem>>
      %dma_wait3A_83 = tpu.memref_squeeze %dma_wait3A_82 : memref<1x32xf32, #tpu.memory_space<vmem>> -> memref<32xf32, #tpu.memory_space<vmem>>
      %dma_wait3A_84 = arith.constant 0 : i32
      %dma_wait3A_85 = tpu.memref_slice %arg4[%dma_wait3A_72, %dma_wait3A_73, %dma_wait3A_84] : memref<12500x8x32xf32, #tpu.memory_space<hbm>> -> memref<1x1x32xf32, #tpu.memory_space<hbm>>
      %dma_wait3A_86 = tpu.memref_squeeze %dma_wait3A_85 : memref<1x1x32xf32, #tpu.memory_space<hbm>> -> memref<32xf32, #tpu.memory_space<hbm>>
      tpu.wait_dma2 semaphore(%arg10 : memref<!tpu.dma_semaphore, #tpu.memory_space<semaphore_mem>>) src(%dma_wait3A_86 : memref<32xf32, #tpu.memory_space<hbm>>) dst(%dma_wait3A_83 : memref<32xf32, #tpu.memory_space<vmem>>)
      %dma_wait3A_87 = arith.constant 0 : i32
      %dma_wait3A_88 = arith.constant 0 : i32
      %dma_wait3A_89 = arith.constant 0 : i32
      %dma_wait3A_90 = arith.constant 0 : i32
      %dma_wait3A_91 = tpu.memref_slice %arg9[%dma_wait3A_89, %dma_wait3A_90] : memref<512x32xf32, #tpu.memory_space<vmem>> -> memref<1x32xf32, #tpu.memory_space<vmem>>
      %dma_wait3A_92 = tpu.memref_squeeze %dma_wait3A_91 : memref<1x32xf32, #tpu.memory_space<vmem>> -> memref<32xf32, #tpu.memory_space<vmem>>
      %dma_wait3A_93 = arith.constant 0 : i32
      %dma_wait3A_94 = tpu.memref_slice %arg4[%dma_wait3A_87, %dma_wait3A_88, %dma_wait3A_93] : memref<12500x8x32xf32, #tpu.memory_space<hbm>> -> memref<1x1x32xf32, #tpu.memory_space<hbm>>
      %dma_wait3A_95 = tpu.memref_squeeze %dma_wait3A_94 : memref<1x1x32xf32, #tpu.memory_space<hbm>> -> memref<32xf32, #tpu.memory_space<hbm>>
      %dma_wait3A_96 = arith.constant 0 : i32
      %dma_wait3A_97 = tpu.memref_slice %arg9[%dma_wait3A_89, %dma_wait3A_96] : memref<512x32xf32, #tpu.memory_space<vmem>> -> memref<1x32xf32, #tpu.memory_space<vmem>>
      %dma_wait3A_98 = tpu.memref_squeeze %dma_wait3A_97 : memref<1x32xf32, #tpu.memory_space<vmem>> -> memref<32xf32, #tpu.memory_space<vmem>>
      %dma_wait3A_99 = arith.constant 0 : i32
      %dma_wait3A_100 = tpu.memref_slice %arg4[%dma_wait3A_87, %dma_wait3A_88, %dma_wait3A_99] : memref<12500x8x32xf32, #tpu.memory_space<hbm>> -> memref<1x1x32xf32, #tpu.memory_space<hbm>>
      %dma_wait3A_101 = tpu.memref_squeeze %dma_wait3A_100 : memref<1x1x32xf32, #tpu.memory_space<hbm>> -> memref<32xf32, #tpu.memory_space<hbm>>
      tpu.wait_dma2 semaphore(%arg10 : memref<!tpu.dma_semaphore, #tpu.memory_space<semaphore_mem>>) src(%dma_wait3A_101 : memref<32xf32, #tpu.memory_space<hbm>>) dst(%dma_wait3A_98 : memref<32xf32, #tpu.memory_space<vmem>>)
      %dma_wait3A_102 = arith.constant 0 : i32
      %dma_wait3A_103 = arith.constant 0 : i32
      %dma_wait3A_104 = arith.constant 0 : i32
      %dma_wait3A_105 = arith.constant 0 : i32
      %dma_wait3A_106 = tpu.memref_slice %arg9[%dma_wait3A_104, %dma_wait3A_105] : memref<512x32xf32, #tpu.memory_space<vmem>> -> memref<1x32xf32, #tpu.memory_space<vmem>>
      %dma_wait3A_107 = tpu.memref_squeeze %dma_wait3A_106 : memref<1x32xf32, #tpu.memory_space<vmem>> -> memref<32xf32, #tpu.memory_space<vmem>>
      %dma_wait3A_108 = arith.constant 0 : i32
      %dma_wait3A_109 = tpu.memref_slice %arg4[%dma_wait3A_102, %dma_wait3A_103, %dma_wait3A_108] : memref<12500x8x32xf32, #tpu.memory_space<hbm>> -> memref<1x1x32xf32, #tpu.memory_space<hbm>>
      %dma_wait3A_110 = tpu.memref_squeeze %dma_wait3A_109 : memref<1x1x32xf32, #tpu.memory_space<hbm>> -> memref<32xf32, #tpu.memory_space<hbm>>
      %dma_wait3A_111 = arith.constant 0 : i32
      %dma_wait3A_112 = tpu.memref_slice %arg9[%dma_wait3A_104, %dma_wait3A_111] : memref<512x32xf32, #tpu.memory_space<vmem>> -> memref<1x32xf32, #tpu.memory_space<vmem>>
      %dma_wait3A_113 = tpu.memref_squeeze %dma_wait3A_112 : memref<1x32xf32, #tpu.memory_space<vmem>> -> memref<32xf32, #tpu.memory_space<vmem>>
      %dma_wait3A_114 = arith.constant 0 : i32
      %dma_wait3A_115 = tpu.memref_slice %arg4[%dma_wait3A_102, %dma_wait3A_103, %dma_wait3A_114] : memref<12500x8x32xf32, #tpu.memory_space<hbm>> -> memref<1x1x32xf32, #tpu.memory_space<hbm>>
      %dma_wait3A_116 = tpu.memref_squeeze %dma_wait3A_115 : memref<1x1x32xf32, #tpu.memory_space<hbm>> -> memref<32xf32, #tpu.memory_space<hbm>>
      tpu.wait_dma2 semaphore(%arg10 : memref<!tpu.dma_semaphore, #tpu.memory_space<semaphore_mem>>) src(%dma_wait3A_116 : memref<32xf32, #tpu.memory_space<hbm>>) dst(%dma_wait3A_113 : memref<32xf32, #tpu.memory_space<vmem>>)
      %dma_wait3A_117 = arith.constant 0 : i32
      %dma_wait3A_118 = arith.constant 0 : i32
      %dma_wait3A_119 = arith.constant 0 : i32
      %dma_wait3A_120 = arith.constant 0 : i32
      %dma_wait3A_121 = tpu.memref_slice %arg9[%dma_wait3A_119, %dma_wait3A_120] : memref<512x32xf32, #tpu.memory_space<vmem>> -> memref<1x32xf32, #tpu.memory_space<vmem>>
      %dma_wait3A_122 = tpu.memref_squeeze %dma_wait3A_121 : memref<1x32xf32, #tpu.memory_space<vmem>> -> memref<32xf32, #tpu.memory_space<vmem>>
      %dma_wait3A_123 = arith.constant 0 : i32
      %dma_wait3A_124 = tpu.memref_slice %arg4[%dma_wait3A_117, %dma_wait3A_118, %dma_wait3A_123] : memref<12500x8x32xf32, #tpu.memory_space<hbm>> -> memref<1x1x32xf32, #tpu.memory_space<hbm>>
      %dma_wait3A_125 = tpu.memref_squeeze %dma_wait3A_124 : memref<1x1x32xf32, #tpu.memory_space<hbm>> -> memref<32xf32, #tpu.memory_space<hbm>>
      %dma_wait3A_126 = arith.constant 0 : i32
      %dma_wait3A_127 = tpu.memref_slice %arg9[%dma_wait3A_119, %dma_wait3A_126] : memref<512x32xf32, #tpu.memory_space<vmem>> -> memref<1x32xf32, #tpu.memory_space<vmem>>
      %dma_wait3A_128 = tpu.memref_squeeze %dma_wait3A_127 : memref<1x32xf32, #tpu.memory_space<vmem>> -> memref<32xf32, #tpu.memory_space<vmem>>
      %dma_wait3A_129 = arith.constant 0 : i32
      %dma_wait3A_130 = tpu.memref_slice %arg4[%dma_wait3A_117, %dma_wait3A_118, %dma_wait3A_129] : memref<12500x8x32xf32, #tpu.memory_space<hbm>> -> memref<1x1x32xf32, #tpu.memory_space<hbm>>
      %dma_wait3A_131 = tpu.memref_squeeze %dma_wait3A_130 : memref<1x1x32xf32, #tpu.memory_space<hbm>> -> memref<32xf32, #tpu.memory_space<hbm>>
      tpu.wait_dma2 semaphore(%arg10 : memref<!tpu.dma_semaphore, #tpu.memory_space<semaphore_mem>>) src(%dma_wait3A_131 : memref<32xf32, #tpu.memory_space<hbm>>) dst(%dma_wait3A_128 : memref<32xf32, #tpu.memory_space<vmem>>)
      %dma_wait3A_132 = arith.constant 0 : i32
      %dma_wait3A_133 = arith.constant 0 : i32
      %dma_wait3A_134 = arith.constant 0 : i32
      %dma_wait3A_135 = arith.constant 0 : i32
      %dma_wait3A_136 = tpu.memref_slice %arg9[%dma_wait3A_134, %dma_wait3A_135] : memref<512x32xf32, #tpu.memory_space<vmem>> -> memref<1x32xf32, #tpu.memory_space<vmem>>
      %dma_wait3A_137 = tpu.memref_squeeze %dma_wait3A_136 : memref<1x32xf32, #tpu.memory_space<vmem>> -> memref<32xf32, #tpu.memory_space<vmem>>
      %dma_wait3A_138 = arith.constant 0 : i32
      %dma_wait3A_139 = tpu.memref_slice %arg4[%dma_wait3A_132, %dma_wait3A_133, %dma_wait3A_138] : memref<12500x8x32xf32, #tpu.memory_space<hbm>> -> memref<1x1x32xf32, #tpu.memory_space<hbm>>
      %dma_wait3A_140 = tpu.memref_squeeze %dma_wait3A_139 : memref<1x1x32xf32, #tpu.memory_space<hbm>> -> memref<32xf32, #tpu.memory_space<hbm>>
      %dma_wait3A_141 = arith.constant 0 : i32
      %dma_wait3A_142 = tpu.memref_slice %arg9[%dma_wait3A_134, %dma_wait3A_141] : memref<512x32xf32, #tpu.memory_space<vmem>> -> memref<1x32xf32, #tpu.memory_space<vmem>>
      %dma_wait3A_143 = tpu.memref_squeeze %dma_wait3A_142 : memref<1x32xf32, #tpu.memory_space<vmem>> -> memref<32xf32, #tpu.memory_space<vmem>>
      %dma_wait3A_144 = arith.constant 0 : i32
      %dma_wait3A_145 = tpu.memref_slice %arg4[%dma_wait3A_132, %dma_wait3A_133, %dma_wait3A_144] : memref<12500x8x32xf32, #tpu.memory_space<hbm>> -> memref<1x1x32xf32, #tpu.memory_space<hbm>>
      %dma_wait3A_146 = tpu.memref_squeeze %dma_wait3A_145 : memref<1x1x32xf32, #tpu.memory_space<hbm>> -> memref<32xf32, #tpu.memory_space<hbm>>
      tpu.wait_dma2 semaphore(%arg10 : memref<!tpu.dma_semaphore, #tpu.memory_space<semaphore_mem>>) src(%dma_wait3A_146 : memref<32xf32, #tpu.memory_space<hbm>>) dst(%dma_wait3A_143 : memref<32xf32, #tpu.memory_space<vmem>>)
      %dma_wait3A_147 = arith.constant 0 : i32
      %dma_wait3A_148 = arith.constant 0 : i32
      %dma_wait3A_149 = arith.constant 0 : i32
      %dma_wait3A_150 = arith.constant 0 : i32
      %dma_wait3A_151 = tpu.memref_slice %arg9[%dma_wait3A_149, %dma_wait3A_150] : memref<512x32xf32, #tpu.memory_space<vmem>> -> memref<1x32xf32, #tpu.memory_space<vmem>>
      %dma_wait3A_152 = tpu.memref_squeeze %dma_wait3A_151 : memref<1x32xf32, #tpu.memory_space<vmem>> -> memref<32xf32, #tpu.memory_space<vmem>>
      %dma_wait3A_153 = arith.constant 0 : i32
      %dma_wait3A_154 = tpu.memref_slice %arg4[%dma_wait3A_147, %dma_wait3A_148, %dma_wait3A_153] : memref<12500x8x32xf32, #tpu.memory_space<hbm>> -> memref<1x1x32xf32, #tpu.memory_space<hbm>>
      %dma_wait3A_155 = tpu.memref_squeeze %dma_wait3A_154 : memref<1x1x32xf32, #tpu.memory_space<hbm>> -> memref<32xf32, #tpu.memory_space<hbm>>
      %dma_wait3A_156 = arith.constant 0 : i32
      %dma_wait3A_157 = tpu.memref_slice %arg9[%dma_wait3A_149, %dma_wait3A_156] : memref<512x32xf32, #tpu.memory_space<vmem>> -> memref<1x32xf32, #tpu.memory_space<vmem>>
      %dma_wait3A_158 = tpu.memref_squeeze %dma_wait3A_157 : memref<1x32xf32, #tpu.memory_space<vmem>> -> memref<32xf32, #tpu.memory_space<vmem>>
      %dma_wait3A_159 = arith.constant 0 : i32
      %dma_wait3A_160 = tpu.memref_slice %arg4[%dma_wait3A_147, %dma_wait3A_148, %dma_wait3A_159] : memref<12500x8x32xf32, #tpu.memory_space<hbm>> -> memref<1x1x32xf32, #tpu.memory_space<hbm>>
      %dma_wait3A_161 = tpu.memref_squeeze %dma_wait3A_160 : memref<1x1x32xf32, #tpu.memory_space<hbm>> -> memref<32xf32, #tpu.memory_space<hbm>>
      tpu.wait_dma2 semaphore(%arg10 : memref<!tpu.dma_semaphore, #tpu.memory_space<semaphore_mem>>) src(%dma_wait3A_161 : memref<32xf32, #tpu.memory_space<hbm>>) dst(%dma_wait3A_158 : memref<32xf32, #tpu.memory_space<vmem>>)
      %dma_wait3A_162 = arith.constant 0 : i32
      %dma_wait3A_163 = arith.constant 0 : i32
      %dma_wait3A_164 = arith.constant 0 : i32
      %dma_wait3A_165 = arith.constant 0 : i32
      %dma_wait3A_166 = tpu.memref_slice %arg9[%dma_wait3A_164, %dma_wait3A_165] : memref<512x32xf32, #tpu.memory_space<vmem>> -> memref<1x32xf32, #tpu.memory_space<vmem>>
      %dma_wait3A_167 = tpu.memref_squeeze %dma_wait3A_166 : memref<1x32xf32, #tpu.memory_space<vmem>> -> memref<32xf32, #tpu.memory_space<vmem>>
      %dma_wait3A_168 = arith.constant 0 : i32
      %dma_wait3A_169 = tpu.memref_slice %arg4[%dma_wait3A_162, %dma_wait3A_163, %dma_wait3A_168] : memref<12500x8x32xf32, #tpu.memory_space<hbm>> -> memref<1x1x32xf32, #tpu.memory_space<hbm>>
      %dma_wait3A_170 = tpu.memref_squeeze %dma_wait3A_169 : memref<1x1x32xf32, #tpu.memory_space<hbm>> -> memref<32xf32, #tpu.memory_space<hbm>>
      %dma_wait3A_171 = arith.constant 0 : i32
      %dma_wait3A_172 = tpu.memref_slice %arg9[%dma_wait3A_164, %dma_wait3A_171] : memref<512x32xf32, #tpu.memory_space<vmem>> -> memref<1x32xf32, #tpu.memory_space<vmem>>
      %dma_wait3A_173 = tpu.memref_squeeze %dma_wait3A_172 : memref<1x32xf32, #tpu.memory_space<vmem>> -> memref<32xf32, #tpu.memory_space<vmem>>
      %dma_wait3A_174 = arith.constant 0 : i32
      %dma_wait3A_175 = tpu.memref_slice %arg4[%dma_wait3A_162, %dma_wait3A_163, %dma_wait3A_174] : memref<12500x8x32xf32, #tpu.memory_space<hbm>> -> memref<1x1x32xf32, #tpu.memory_space<hbm>>
      %dma_wait3A_176 = tpu.memref_squeeze %dma_wait3A_175 : memref<1x1x32xf32, #tpu.memory_space<hbm>> -> memref<32xf32, #tpu.memory_space<hbm>>
      tpu.wait_dma2 semaphore(%arg10 : memref<!tpu.dma_semaphore, #tpu.memory_space<semaphore_mem>>) src(%dma_wait3A_176 : memref<32xf32, #tpu.memory_space<hbm>>) dst(%dma_wait3A_173 : memref<32xf32, #tpu.memory_space<vmem>>)
      %dma_wait3A_177 = arith.constant 0 : i32
      %dma_wait3A_178 = arith.constant 0 : i32
      %dma_wait3A_179 = arith.constant 0 : i32
      %dma_wait3A_180 = arith.constant 0 : i32
      %dma_wait3A_181 = tpu.memref_slice %arg9[%dma_wait3A_179, %dma_wait3A_180] : memref<512x32xf32, #tpu.memory_space<vmem>> -> memref<1x32xf32, #tpu.memory_space<vmem>>
      %dma_wait3A_182 = tpu.memref_squeeze %dma_wait3A_181 : memref<1x32xf32, #tpu.memory_space<vmem>> -> memref<32xf32, #tpu.memory_space<vmem>>
      %dma_wait3A_183 = arith.constant 0 : i32
      %dma_wait3A_184 = tpu.memref_slice %arg4[%dma_wait3A_177, %dma_wait3A_178, %dma_wait3A_183] : memref<12500x8x32xf32, #tpu.memory_space<hbm>> -> memref<1x1x32xf32, #tpu.memory_space<hbm>>
      %dma_wait3A_185 = tpu.memref_squeeze %dma_wait3A_184 : memref<1x1x32xf32, #tpu.memory_space<hbm>> -> memref<32xf32, #tpu.memory_space<hbm>>
      %dma_wait3A_186 = arith.constant 0 : i32
      %dma_wait3A_187 = tpu.memref_slice %arg9[%dma_wait3A_179, %dma_wait3A_186] : memref<512x32xf32, #tpu.memory_space<vmem>> -> memref<1x32xf32, #tpu.memory_space<vmem>>
      %dma_wait3A_188 = tpu.memref_squeeze %dma_wait3A_187 : memref<1x32xf32, #tpu.memory_space<vmem>> -> memref<32xf32, #tpu.memory_space<vmem>>
      %dma_wait3A_189 = arith.constant 0 : i32
      %dma_wait3A_190 = tpu.memref_slice %arg4[%dma_wait3A_177, %dma_wait3A_178, %dma_wait3A_189] : memref<12500x8x32xf32, #tpu.memory_space<hbm>> -> memref<1x1x32xf32, #tpu.memory_space<hbm>>
      %dma_wait3A_191 = tpu.memref_squeeze %dma_wait3A_190 : memref<1x1x32xf32, #tpu.memory_space<hbm>> -> memref<32xf32, #tpu.memory_space<hbm>>
      tpu.wait_dma2 semaphore(%arg10 : memref<!tpu.dma_semaphore, #tpu.memory_space<semaphore_mem>>) src(%dma_wait3A_191 : memref<32xf32, #tpu.memory_space<hbm>>) dst(%dma_wait3A_188 : memref<32xf32, #tpu.memory_space<vmem>>)
      %dma_wait3A_192 = arith.constant 0 : i32
      %dma_wait3A_193 = arith.constant 0 : i32
      %dma_wait3A_194 = arith.constant 0 : i32
      %dma_wait3A_195 = arith.constant 0 : i32
      %dma_wait3A_196 = tpu.memref_slice %arg9[%dma_wait3A_194, %dma_wait3A_195] : memref<512x32xf32, #tpu.memory_space<vmem>> -> memref<1x32xf32, #tpu.memory_space<vmem>>
      %dma_wait3A_197 = tpu.memref_squeeze %dma_wait3A_196 : memref<1x32xf32, #tpu.memory_space<vmem>> -> memref<32xf32, #tpu.memory_space<vmem>>
      %dma_wait3A_198 = arith.constant 0 : i32
      %dma_wait3A_199 = tpu.memref_slice %arg4[%dma_wait3A_192, %dma_wait3A_193, %dma_wait3A_198] : memref<12500x8x32xf32, #tpu.memory_space<hbm>> -> memref<1x1x32xf32, #tpu.memory_space<hbm>>
      %dma_wait3A_200 = tpu.memref_squeeze %dma_wait3A_199 : memref<1x1x32xf32, #tpu.memory_space<hbm>> -> memref<32xf32, #tpu.memory_space<hbm>>
      %dma_wait3A_201 = arith.constant 0 : i32
      %dma_wait3A_202 = tpu.memref_slice %arg9[%dma_wait3A_194, %dma_wait3A_201] : memref<512x32xf32, #tpu.memory_space<vmem>> -> memref<1x32xf32, #tpu.memory_space<vmem>>
      %dma_wait3A_203 = tpu.memref_squeeze %dma_wait3A_202 : memref<1x32xf32, #tpu.memory_space<vmem>> -> memref<32xf32, #tpu.memory_space<vmem>>
      %dma_wait3A_204 = arith.constant 0 : i32
      %dma_wait3A_205 = tpu.memref_slice %arg4[%dma_wait3A_192, %dma_wait3A_193, %dma_wait3A_204] : memref<12500x8x32xf32, #tpu.memory_space<hbm>> -> memref<1x1x32xf32, #tpu.memory_space<hbm>>
      %dma_wait3A_206 = tpu.memref_squeeze %dma_wait3A_205 : memref<1x1x32xf32, #tpu.memory_space<hbm>> -> memref<32xf32, #tpu.memory_space<hbm>>
      tpu.wait_dma2 semaphore(%arg10 : memref<!tpu.dma_semaphore, #tpu.memory_space<semaphore_mem>>) src(%dma_wait3A_206 : memref<32xf32, #tpu.memory_space<hbm>>) dst(%dma_wait3A_203 : memref<32xf32, #tpu.memory_space<vmem>>)
      %dma_wait3A_207 = arith.constant 0 : i32
      %dma_wait3A_208 = arith.constant 0 : i32
      %dma_wait3A_209 = arith.constant 0 : i32
      %dma_wait3A_210 = arith.constant 0 : i32
      %dma_wait3A_211 = tpu.memref_slice %arg9[%dma_wait3A_209, %dma_wait3A_210] : memref<512x32xf32, #tpu.memory_space<vmem>> -> memref<1x32xf32, #tpu.memory_space<vmem>>
      %dma_wait3A_212 = tpu.memref_squeeze %dma_wait3A_211 : memref<1x32xf32, #tpu.memory_space<vmem>> -> memref<32xf32, #tpu.memory_space<vmem>>
      %dma_wait3A_213 = arith.constant 0 : i32
      %dma_wait3A_214 = tpu.memref_slice %arg4[%dma_wait3A_207, %dma_wait3A_208, %dma_wait3A_213] : memref<12500x8x32xf32, #tpu.memory_space<hbm>> -> memref<1x1x32xf32, #tpu.memory_space<hbm>>
      %dma_wait3A_215 = tpu.memref_squeeze %dma_wait3A_214 : memref<1x1x32xf32, #tpu.memory_space<hbm>> -> memref<32xf32, #tpu.memory_space<hbm>>
      %dma_wait3A_216 = arith.constant 0 : i32
      %dma_wait3A_217 = tpu.memref_slice %arg9[%dma_wait3A_209, %dma_wait3A_216] : memref<512x32xf32, #tpu.memory_space<vmem>> -> memref<1x32xf32, #tpu.memory_space<vmem>>
      %dma_wait3A_218 = tpu.memref_squeeze %dma_wait3A_217 : memref<1x32xf32, #tpu.memory_space<vmem>> -> memref<32xf32, #tpu.memory_space<vmem>>
      %dma_wait3A_219 = arith.constant 0 : i32
      %dma_wait3A_220 = tpu.memref_slice %arg4[%dma_wait3A_207, %dma_wait3A_208, %dma_wait3A_219] : memref<12500x8x32xf32, #tpu.memory_space<hbm>> -> memref<1x1x32xf32, #tpu.memory_space<hbm>>
      %dma_wait3A_221 = tpu.memref_squeeze %dma_wait3A_220 : memref<1x1x32xf32, #tpu.memory_space<hbm>> -> memref<32xf32, #tpu.memory_space<hbm>>
      tpu.wait_dma2 semaphore(%arg10 : memref<!tpu.dma_semaphore, #tpu.memory_space<semaphore_mem>>) src(%dma_wait3A_221 : memref<32xf32, #tpu.memory_space<hbm>>) dst(%dma_wait3A_218 : memref<32xf32, #tpu.memory_space<vmem>>)
      %dma_wait3A_222 = arith.constant 0 : i32
      %dma_wait3A_223 = arith.constant 0 : i32
      %dma_wait3A_224 = arith.constant 0 : i32
      %dma_wait3A_225 = arith.constant 0 : i32
      %dma_wait3A_226 = tpu.memref_slice %arg9[%dma_wait3A_224, %dma_wait3A_225] : memref<512x32xf32, #tpu.memory_space<vmem>> -> memref<1x32xf32, #tpu.memory_space<vmem>>
      %dma_wait3A_227 = tpu.memref_squeeze %dma_wait3A_226 : memref<1x32xf32, #tpu.memory_space<vmem>> -> memref<32xf32, #tpu.memory_space<vmem>>
      %dma_wait3A_228 = arith.constant 0 : i32
      %dma_wait3A_229 = tpu.memref_slice %arg4[%dma_wait3A_222, %dma_wait3A_223, %dma_wait3A_228] : memref<12500x8x32xf32, #tpu.memory_space<hbm>> -> memref<1x1x32xf32, #tpu.memory_space<hbm>>
      %dma_wait3A_230 = tpu.memref_squeeze %dma_wait3A_229 : memref<1x1x32xf32, #tpu.memory_space<hbm>> -> memref<32xf32, #tpu.memory_space<hbm>>
      %dma_wait3A_231 = arith.constant 0 : i32
      %dma_wait3A_232 = tpu.memref_slice %arg9[%dma_wait3A_224, %dma_wait3A_231] : memref<512x32xf32, #tpu.memory_space<vmem>> -> memref<1x32xf32, #tpu.memory_space<vmem>>
      %dma_wait3A_233 = tpu.memref_squeeze %dma_wait3A_232 : memref<1x32xf32, #tpu.memory_space<vmem>> -> memref<32xf32, #tpu.memory_space<vmem>>
      %dma_wait3A_234 = arith.constant 0 : i32
      %dma_wait3A_235 = tpu.memref_slice %arg4[%dma_wait3A_222, %dma_wait3A_223, %dma_wait3A_234] : memref<12500x8x32xf32, #tpu.memory_space<hbm>> -> memref<1x1x32xf32, #tpu.memory_space<hbm>>
      %dma_wait3A_236 = tpu.memref_squeeze %dma_wait3A_235 : memref<1x1x32xf32, #tpu.memory_space<hbm>> -> memref<32xf32, #tpu.memory_space<hbm>>
      tpu.wait_dma2 semaphore(%arg10 : memref<!tpu.dma_semaphore, #tpu.memory_space<semaphore_mem>>) src(%dma_wait3A_236 : memref<32xf32, #tpu.memory_space<hbm>>) dst(%dma_wait3A_233 : memref<32xf32, #tpu.memory_space<vmem>>)
      %dma_wait3A_237 = arith.constant 0 : i32
      %dma_wait3A_238 = arith.constant 0 : i32
      %dma_wait3A_239 = arith.constant 0 : i32
      %dma_wait3A_240 = arith.constant 0 : i32
      %dma_wait3A_241 = tpu.memref_slice %arg9[%dma_wait3A_239, %dma_wait3A_240] : memref<512x32xf32, #tpu.memory_space<vmem>> -> memref<1x32xf32, #tpu.memory_space<vmem>>
      %dma_wait3A_242 = tpu.memref_squeeze %dma_wait3A_241 : memref<1x32xf32, #tpu.memory_space<vmem>> -> memref<32xf32, #tpu.memory_space<vmem>>
      %dma_wait3A_243 = arith.constant 0 : i32
      %dma_wait3A_244 = tpu.memref_slice %arg4[%dma_wait3A_237, %dma_wait3A_238, %dma_wait3A_243] : memref<12500x8x32xf32, #tpu.memory_space<hbm>> -> memref<1x1x32xf32, #tpu.memory_space<hbm>>
      %dma_wait3A_245 = tpu.memref_squeeze %dma_wait3A_244 : memref<1x1x32xf32, #tpu.memory_space<hbm>> -> memref<32xf32, #tpu.memory_space<hbm>>
      %dma_wait3A_246 = arith.constant 0 : i32
      %dma_wait3A_247 = tpu.memref_slice %arg9[%dma_wait3A_239, %dma_wait3A_246] : memref<512x32xf32, #tpu.memory_space<vmem>> -> memref<1x32xf32, #tpu.memory_space<vmem>>
      %dma_wait3A_248 = tpu.memref_squeeze %dma_wait3A_247 : memref<1x32xf32, #tpu.memory_space<vmem>> -> memref<32xf32, #tpu.memory_space<vmem>>
      %dma_wait3A_249 = arith.constant 0 : i32
      %dma_wait3A_250 = tpu.memref_slice %arg4[%dma_wait3A_237, %dma_wait3A_238, %dma_wait3A_249] : memref<12500x8x32xf32, #tpu.memory_space<hbm>> -> memref<1x1x32xf32, #tpu.memory_space<hbm>>
      %dma_wait3A_251 = tpu.memref_squeeze %dma_wait3A_250 : memref<1x1x32xf32, #tpu.memory_space<hbm>> -> memref<32xf32, #tpu.memory_space<hbm>>
      tpu.wait_dma2 semaphore(%arg10 : memref<!tpu.dma_semaphore, #tpu.memory_space<semaphore_mem>>) src(%dma_wait3A_251 : memref<32xf32, #tpu.memory_space<hbm>>) dst(%dma_wait3A_248 : memref<32xf32, #tpu.memory_space<vmem>>)
      %dma_wait3A_252 = arith.constant 0 : i32
      %dma_wait3A_253 = arith.constant 0 : i32
      %dma_wait3A_254 = arith.constant 0 : i32
      %dma_wait3A_255 = arith.constant 0 : i32
      %dma_wait3A_256 = tpu.memref_slice %arg9[%dma_wait3A_254, %dma_wait3A_255] : memref<512x32xf32, #tpu.memory_space<vmem>> -> memref<1x32xf32, #tpu.memory_space<vmem>>
      %dma_wait3A_257 = tpu.memref_squeeze %dma_wait3A_256 : memref<1x32xf32, #tpu.memory_space<vmem>> -> memref<32xf32, #tpu.memory_space<vmem>>
      %dma_wait3A_258 = arith.constant 0 : i32
      %dma_wait3A_259 = tpu.memref_slice %arg4[%dma_wait3A_252, %dma_wait3A_253, %dma_wait3A_258] : memref<12500x8x32xf32, #tpu.memory_space<hbm>> -> memref<1x1x32xf32, #tpu.memory_space<hbm>>
      %dma_wait3A_260 = tpu.memref_squeeze %dma_wait3A_259 : memref<1x1x32xf32, #tpu.memory_space<hbm>> -> memref<32xf32, #tpu.memory_space<hbm>>
      %dma_wait3A_261 = arith.constant 0 : i32
      %dma_wait3A_262 = tpu.memref_slice %arg9[%dma_wait3A_254, %dma_wait3A_261] : memref<512x32xf32, #tpu.memory_space<vmem>> -> memref<1x32xf32, #tpu.memory_space<vmem>>
      %dma_wait3A_263 = tpu.memref_squeeze %dma_wait3A_262 : memref<1x32xf32, #tpu.memory_space<vmem>> -> memref<32xf32, #tpu.memory_space<vmem>>
      %dma_wait3A_264 = arith.constant 0 : i32
      %dma_wait3A_265 = tpu.memref_slice %arg4[%dma_wait3A_252, %dma_wait3A_253, %dma_wait3A_264] : memref<12500x8x32xf32, #tpu.memory_space<hbm>> -> memref<1x1x32xf32, #tpu.memory_space<hbm>>
      %dma_wait3A_266 = tpu.memref_squeeze %dma_wait3A_265 : memref<1x1x32xf32, #tpu.memory_space<hbm>> -> memref<32xf32, #tpu.memory_space<hbm>>
      tpu.wait_dma2 semaphore(%arg10 : memref<!tpu.dma_semaphore, #tpu.memory_space<semaphore_mem>>) src(%dma_wait3A_266 : memref<32xf32, #tpu.memory_space<hbm>>) dst(%dma_wait3A_263 : memref<32xf32, #tpu.memory_space<vmem>>)
      %dma_wait3A_267 = arith.constant 0 : i32
      %dma_wait3A_268 = arith.constant 0 : i32
      %dma_wait3A_269 = arith.constant 0 : i32
      %dma_wait3A_270 = arith.constant 0 : i32
      %dma_wait3A_271 = tpu.memref_slice %arg9[%dma_wait3A_269, %dma_wait3A_270] : memref<512x32xf32, #tpu.memory_space<vmem>> -> memref<1x32xf32, #tpu.memory_space<vmem>>
      %dma_wait3A_272 = tpu.memref_squeeze %dma_wait3A_271 : memref<1x32xf32, #tpu.memory_space<vmem>> -> memref<32xf32, #tpu.memory_space<vmem>>
      %dma_wait3A_273 = arith.constant 0 : i32
      %dma_wait3A_274 = tpu.memref_slice %arg4[%dma_wait3A_267, %dma_wait3A_268, %dma_wait3A_273] : memref<12500x8x32xf32, #tpu.memory_space<hbm>> -> memref<1x1x32xf32, #tpu.memory_space<hbm>>
      %dma_wait3A_275 = tpu.memref_squeeze %dma_wait3A_274 : memref<1x1x32xf32, #tpu.memory_space<hbm>> -> memref<32xf32, #tpu.memory_space<hbm>>
      %dma_wait3A_276 = arith.constant 0 : i32
      %dma_wait3A_277 = tpu.memref_slice %arg9[%dma_wait3A_269, %dma_wait3A_276] : memref<512x32xf32, #tpu.memory_space<vmem>> -> memref<1x32xf32, #tpu.memory_space<vmem>>
      %dma_wait3A_278 = tpu.memref_squeeze %dma_wait3A_277 : memref<1x32xf32, #tpu.memory_space<vmem>> -> memref<32xf32, #tpu.memory_space<vmem>>
      %dma_wait3A_279 = arith.constant 0 : i32
      %dma_wait3A_280 = tpu.memref_slice %arg4[%dma_wait3A_267, %dma_wait3A_268, %dma_wait3A_279] : memref<12500x8x32xf32, #tpu.memory_space<hbm>> -> memref<1x1x32xf32, #tpu.memory_space<hbm>>
      %dma_wait3A_281 = tpu.memref_squeeze %dma_wait3A_280 : memref<1x1x32xf32, #tpu.memory_space<hbm>> -> memref<32xf32, #tpu.memory_space<hbm>>
      tpu.wait_dma2 semaphore(%arg10 : memref<!tpu.dma_semaphore, #tpu.memory_space<semaphore_mem>>) src(%dma_wait3A_281 : memref<32xf32, #tpu.memory_space<hbm>>) dst(%dma_wait3A_278 : memref<32xf32, #tpu.memory_space<vmem>>)
    }
    %scan3A_11 = arith.constant 32 : i32
    %dma_start3A = arith.constant 0 : i32
    %dma_start3A_12 = tpu.memref_slice %arg6[%mul3A_2, %dma_start3A] : memref<16384x32xf32, #tpu.memory_space<hbm>> -> memref<512x32xf32, #tpu.memory_space<hbm>>
    %dma_start3A_13 = arith.constant 0 : i32
    %dma_start3A_14 = tpu.memref_slice %arg6[%mul3A_2, %dma_start3A_13] : memref<16384x32xf32, #tpu.memory_space<hbm>> -> memref<512x32xf32, #tpu.memory_space<hbm>>
    tpu.enqueue_dma source(%arg9 : memref<512x32xf32, #tpu.memory_space<vmem>>) target(%dma_start3A_14 : memref<512x32xf32, #tpu.memory_space<hbm>>) target_semaphore(%arg11 : memref<!tpu.dma_semaphore, #tpu.memory_space<semaphore_mem>>)
    %dma_wait3A = arith.constant 0 : i32
    %dma_wait3A_15 = tpu.memref_slice %arg6[%mul3A_2, %dma_wait3A] : memref<16384x32xf32, #tpu.memory_space<hbm>> -> memref<512x32xf32, #tpu.memory_space<hbm>>
    %dma_wait3A_16 = arith.constant 0 : i32
    %dma_wait3A_17 = tpu.memref_slice %arg6[%mul3A_2, %dma_wait3A_16] : memref<16384x32xf32, #tpu.memory_space<hbm>> -> memref<512x32xf32, #tpu.memory_space<hbm>>
    tpu.wait_dma2 semaphore(%arg11 : memref<!tpu.dma_semaphore, #tpu.memory_space<semaphore_mem>>) src(%arg9 : memref<512x32xf32, #tpu.memory_space<vmem>>) dst(%dma_wait3A_17 : memref<512x32xf32, #tpu.memory_space<hbm>>)
    %mul3A_18 = arith.constant 2 : i32
    %mul3A_19 = arith.muli %arg1, %mul3A_18 : i32
    %add3A_20 = arith.addi %mul3A_19, %arg0 : i32
    %mul3A_21 = arith.constant 512 : i32
    %mul3A_22 = arith.muli %add3A_20, %mul3A_21 : i32
    "tpu.region"() ({
      %run_scoped3A = tpu.sem_alloc : memref<!tpu.dma_semaphore, #tpu.memory_space<semaphore_mem>>
      %dma_start3A_41 = tpu.memref_slice %arg3[%mul3A_22] : memref<16384xi32, #tpu.memory_space<hbm>> -> memref<512xi32, #tpu.memory_space<hbm>>
      %dma_start3A_42 = tpu.memref_slice %arg3[%mul3A_22] : memref<16384xi32, #tpu.memory_space<hbm>> -> memref<512xi32, #tpu.memory_space<hbm>>
      tpu.enqueue_dma source(%dma_start3A_42 : memref<512xi32, #tpu.memory_space<hbm>>) target(%arg8 : memref<512xi32, #tpu.memory_space<vmem>>) target_semaphore(%run_scoped3A : memref<!tpu.dma_semaphore, #tpu.memory_space<semaphore_mem>>)
      %dma_wait3A_43 = tpu.memref_slice %arg3[%mul3A_22] : memref<16384xi32, #tpu.memory_space<hbm>> -> memref<512xi32, #tpu.memory_space<hbm>>
      %dma_wait3A_44 = tpu.memref_slice %arg3[%mul3A_22] : memref<16384xi32, #tpu.memory_space<hbm>> -> memref<512xi32, #tpu.memory_space<hbm>>
      tpu.wait_dma2 semaphore(%run_scoped3A : memref<!tpu.dma_semaphore, #tpu.memory_space<semaphore_mem>>) src(%dma_wait3A_44 : memref<512xi32, #tpu.memory_space<hbm>>) dst(%arg8 : memref<512xi32, #tpu.memory_space<vmem>>)
      tpu.yield
    }) : () -> ()
    %scan3A_23 = arith.constant 0 : i32
    %scan3A_24 = arith.constant 32 : i32
    %scan3A_25 = arith.addi %scan3A_23, %scan3A_24 : i32
    %scan3A_26 = arith.constant 1 : i32
    scf.for %scan3A_41 = %scan3A_23 to %scan3A_25 step %scan3A_26  : i32 {
      %mul3A_42 = arith.constant 16 : i32
      %mul3A_43 = arith.muli %scan3A_41, %mul3A_42 : i32
      %get3A = arith.index_cast %mul3A_43 : i32 to index
      %get3A_44 = tpu.vector_load %arg8[%get3A] {strides = array<i32>} : memref<512xi32, #tpu.memory_space<vmem>>, vector<16xi32>,
      %slice3A = vector.extract_strided_slice %get3A_44 {offsets = [0], sizes = [1], strides = [1]} : vector<16xi32> to vector<1xi32>
      %squeeze3A = vector.extract %slice3A[0] : i32 from vector<1xi32>
      %shift_right_logical3A = arith.constant 3 : i32
      %shift_right_logical3A_45 = arith.shrui %squeeze3A, %shift_right_logical3A : i32
      %and3A = arith.constant 7 : i32
      %and3A_46 = arith.andi %squeeze3A, %and3A : i32
      %mul3A_47 = arith.constant 16 : i32
      %mul3A_48 = arith.muli %scan3A_41, %mul3A_47 : i32
      %add3A_49 = arith.constant 0 : i32
      %add3A_50 = arith.addi %mul3A_48, %add3A_49 : i32
      %dma_start3A_51 = arith.constant 0 : i32
      %dma_start3A_52 = tpu.memref_slice %arg9[%add3A_50, %dma_start3A_51] : memref<512x32xf32, #tpu.memory_space<vmem>> -> memref<1x32xf32, #tpu.memory_space<vmem>>
      %dma_start3A_53 = tpu.memref_squeeze %dma_start3A_52 : memref<1x32xf32, #tpu.memory_space<vmem>> -> memref<32xf32, #tpu.memory_space<vmem>>
      %dma_start3A_54 = arith.constant 0 : i32
      %dma_start3A_55 = tpu.memref_slice %arg5[%shift_right_logical3A_45, %and3A_46, %dma_start3A_54] : memref<12500x8x32xf32, #tpu.memory_space<hbm>> -> memref<1x1x32xf32, #tpu.memory_space<hbm>>
      %dma_start3A_56 = tpu.memref_squeeze %dma_start3A_55 : memref<1x1x32xf32, #tpu.memory_space<hbm>> -> memref<32xf32, #tpu.memory_space<hbm>>
      %dma_start3A_57 = arith.constant 0 : i32
      %dma_start3A_58 = tpu.memref_slice %arg9[%add3A_50, %dma_start3A_57] : memref<512x32xf32, #tpu.memory_space<vmem>> -> memref<1x32xf32, #tpu.memory_space<vmem>>
      %dma_start3A_59 = tpu.memref_squeeze %dma_start3A_58 : memref<1x32xf32, #tpu.memory_space<vmem>> -> memref<32xf32, #tpu.memory_space<vmem>>
      %dma_start3A_60 = arith.constant 0 : i32
      %dma_start3A_61 = tpu.memref_slice %arg5[%shift_right_logical3A_45, %and3A_46, %dma_start3A_60] : memref<12500x8x32xf32, #tpu.memory_space<hbm>> -> memref<1x1x32xf32, #tpu.memory_space<hbm>>
      %dma_start3A_62 = tpu.memref_squeeze %dma_start3A_61 : memref<1x1x32xf32, #tpu.memory_space<hbm>> -> memref<32xf32, #tpu.memory_space<hbm>>
      tpu.enqueue_dma source(%dma_start3A_62 : memref<32xf32, #tpu.memory_space<hbm>>) target(%dma_start3A_59 : memref<32xf32, #tpu.memory_space<vmem>>) target_semaphore(%arg10 : memref<!tpu.dma_semaphore, #tpu.memory_space<semaphore_mem>>)
      %slice3A_63 = vector.extract_strided_slice %get3A_44 {offsets = [1], sizes = [1], strides = [1]} : vector<16xi32> to vector<1xi32>
      %squeeze3A_64 = vector.extract %slice3A_63[0] : i32 from vector<1xi32>
      %shift_right_logical3A_65 = arith.constant 3 : i32
      %shift_right_logical3A_66 = arith.shrui %squeeze3A_64, %shift_right_logical3A_65 : i32
      %and3A_67 = arith.constant 7 : i32
      %and3A_68 = arith.andi %squeeze3A_64, %and3A_67 : i32
      %mul3A_69 = arith.constant 16 : i32
      %mul3A_70 = arith.muli %scan3A_41, %mul3A_69 : i32
      %add3A_71 = arith.constant 1 : i32
      %add3A_72 = arith.addi %mul3A_70, %add3A_71 : i32
      %dma_start3A_73 = arith.constant 0 : i32
      %dma_start3A_74 = tpu.memref_slice %arg9[%add3A_72, %dma_start3A_73] : memref<512x32xf32, #tpu.memory_space<vmem>> -> memref<1x32xf32, #tpu.memory_space<vmem>>
      %dma_start3A_75 = tpu.memref_squeeze %dma_start3A_74 : memref<1x32xf32, #tpu.memory_space<vmem>> -> memref<32xf32, #tpu.memory_space<vmem>>
      %dma_start3A_76 = arith.constant 0 : i32
      %dma_start3A_77 = tpu.memref_slice %arg5[%shift_right_logical3A_66, %and3A_68, %dma_start3A_76] : memref<12500x8x32xf32, #tpu.memory_space<hbm>> -> memref<1x1x32xf32, #tpu.memory_space<hbm>>
      %dma_start3A_78 = tpu.memref_squeeze %dma_start3A_77 : memref<1x1x32xf32, #tpu.memory_space<hbm>> -> memref<32xf32, #tpu.memory_space<hbm>>
      %dma_start3A_79 = arith.constant 0 : i32
      %dma_start3A_80 = tpu.memref_slice %arg9[%add3A_72, %dma_start3A_79] : memref<512x32xf32, #tpu.memory_space<vmem>> -> memref<1x32xf32, #tpu.memory_space<vmem>>
      %dma_start3A_81 = tpu.memref_squeeze %dma_start3A_80 : memref<1x32xf32, #tpu.memory_space<vmem>> -> memref<32xf32, #tpu.memory_space<vmem>>
      %dma_start3A_82 = arith.constant 0 : i32
      %dma_start3A_83 = tpu.memref_slice %arg5[%shift_right_logical3A_66, %and3A_68, %dma_start3A_82] : memref<12500x8x32xf32, #tpu.memory_space<hbm>> -> memref<1x1x32xf32, #tpu.memory_space<hbm>>
      %dma_start3A_84 = tpu.memref_squeeze %dma_start3A_83 : memref<1x1x32xf32, #tpu.memory_space<hbm>> -> memref<32xf32, #tpu.memory_space<hbm>>
      tpu.enqueue_dma source(%dma_start3A_84 : memref<32xf32, #tpu.memory_space<hbm>>) target(%dma_start3A_81 : memref<32xf32, #tpu.memory_space<vmem>>) target_semaphore(%arg10 : memref<!tpu.dma_semaphore, #tpu.memory_space<semaphore_mem>>)
      %slice3A_85 = vector.extract_strided_slice %get3A_44 {offsets = [2], sizes = [1], strides = [1]} : vector<16xi32> to vector<1xi32>
      %squeeze3A_86 = vector.extract %slice3A_85[0] : i32 from vector<1xi32>
      %shift_right_logical3A_87 = arith.constant 3 : i32
      %shift_right_logical3A_88 = arith.shrui %squeeze3A_86, %shift_right_logical3A_87 : i32
      %and3A_89 = arith.constant 7 : i32
      %and3A_90 = arith.andi %squeeze3A_86, %and3A_89 : i32
      %mul3A_91 = arith.constant 16 : i32
      %mul3A_92 = arith.muli %scan3A_41, %mul3A_91 : i32
      %add3A_93 = arith.constant 2 : i32
      %add3A_94 = arith.addi %mul3A_92, %add3A_93 : i32
      %dma_start3A_95 = arith.constant 0 : i32
      %dma_start3A_96 = tpu.memref_slice %arg9[%add3A_94, %dma_start3A_95] : memref<512x32xf32, #tpu.memory_space<vmem>> -> memref<1x32xf32, #tpu.memory_space<vmem>>
      %dma_start3A_97 = tpu.memref_squeeze %dma_start3A_96 : memref<1x32xf32, #tpu.memory_space<vmem>> -> memref<32xf32, #tpu.memory_space<vmem>>
      %dma_start3A_98 = arith.constant 0 : i32
      %dma_start3A_99 = tpu.memref_slice %arg5[%shift_right_logical3A_88, %and3A_90, %dma_start3A_98] : memref<12500x8x32xf32, #tpu.memory_space<hbm>> -> memref<1x1x32xf32, #tpu.memory_space<hbm>>
      %dma_start3A_100 = tpu.memref_squeeze %dma_start3A_99 : memref<1x1x32xf32, #tpu.memory_space<hbm>> -> memref<32xf32, #tpu.memory_space<hbm>>
      %dma_start3A_101 = arith.constant 0 : i32
      %dma_start3A_102 = tpu.memref_slice %arg9[%add3A_94, %dma_start3A_101] : memref<512x32xf32, #tpu.memory_space<vmem>> -> memref<1x32xf32, #tpu.memory_space<vmem>>
      %dma_start3A_103 = tpu.memref_squeeze %dma_start3A_102 : memref<1x32xf32, #tpu.memory_space<vmem>> -> memref<32xf32, #tpu.memory_space<vmem>>
      %dma_start3A_104 = arith.constant 0 : i32
      %dma_start3A_105 = tpu.memref_slice %arg5[%shift_right_logical3A_88, %and3A_90, %dma_start3A_104] : memref<12500x8x32xf32, #tpu.memory_space<hbm>> -> memref<1x1x32xf32, #tpu.memory_space<hbm>>
      %dma_start3A_106 = tpu.memref_squeeze %dma_start3A_105 : memref<1x1x32xf32, #tpu.memory_space<hbm>> -> memref<32xf32, #tpu.memory_space<hbm>>
      tpu.enqueue_dma source(%dma_start3A_106 : memref<32xf32, #tpu.memory_space<hbm>>) target(%dma_start3A_103 : memref<32xf32, #tpu.memory_space<vmem>>) target_semaphore(%arg10 : memref<!tpu.dma_semaphore, #tpu.memory_space<semaphore_mem>>)
      %slice3A_107 = vector.extract_strided_slice %get3A_44 {offsets = [3], sizes = [1], strides = [1]} : vector<16xi32> to vector<1xi32>
      %squeeze3A_108 = vector.extract %slice3A_107[0] : i32 from vector<1xi32>
      %shift_right_logical3A_109 = arith.constant 3 : i32
      %shift_right_logical3A_110 = arith.shrui %squeeze3A_108, %shift_right_logical3A_109 : i32
      %and3A_111 = arith.constant 7 : i32
      %and3A_112 = arith.andi %squeeze3A_108, %and3A_111 : i32
      %mul3A_113 = arith.constant 16 : i32
      %mul3A_114 = arith.muli %scan3A_41, %mul3A_113 : i32
      %add3A_115 = arith.constant 3 : i32
      %add3A_116 = arith.addi %mul3A_114, %add3A_115 : i32
      %dma_start3A_117 = arith.constant 0 : i32
      %dma_start3A_118 = tpu.memref_slice %arg9[%add3A_116, %dma_start3A_117] : memref<512x32xf32, #tpu.memory_space<vmem>> -> memref<1x32xf32, #tpu.memory_space<vmem>>
      %dma_start3A_119 = tpu.memref_squeeze %dma_start3A_118 : memref<1x32xf32, #tpu.memory_space<vmem>> -> memref<32xf32, #tpu.memory_space<vmem>>
      %dma_start3A_120 = arith.constant 0 : i32
      %dma_start3A_121 = tpu.memref_slice %arg5[%shift_right_logical3A_110, %and3A_112, %dma_start3A_120] : memref<12500x8x32xf32, #tpu.memory_space<hbm>> -> memref<1x1x32xf32, #tpu.memory_space<hbm>>
      %dma_start3A_122 = tpu.memref_squeeze %dma_start3A_121 : memref<1x1x32xf32, #tpu.memory_space<hbm>> -> memref<32xf32, #tpu.memory_space<hbm>>
      %dma_start3A_123 = arith.constant 0 : i32
      %dma_start3A_124 = tpu.memref_slice %arg9[%add3A_116, %dma_start3A_123] : memref<512x32xf32, #tpu.memory_space<vmem>> -> memref<1x32xf32, #tpu.memory_space<vmem>>
      %dma_start3A_125 = tpu.memref_squeeze %dma_start3A_124 : memref<1x32xf32, #tpu.memory_space<vmem>> -> memref<32xf32, #tpu.memory_space<vmem>>
      %dma_start3A_126 = arith.constant 0 : i32
      %dma_start3A_127 = tpu.memref_slice %arg5[%shift_right_logical3A_110, %and3A_112, %dma_start3A_126] : memref<12500x8x32xf32, #tpu.memory_space<hbm>> -> memref<1x1x32xf32, #tpu.memory_space<hbm>>
      %dma_start3A_128 = tpu.memref_squeeze %dma_start3A_127 : memref<1x1x32xf32, #tpu.memory_space<hbm>> -> memref<32xf32, #tpu.memory_space<hbm>>
      tpu.enqueue_dma source(%dma_start3A_128 : memref<32xf32, #tpu.memory_space<hbm>>) target(%dma_start3A_125 : memref<32xf32, #tpu.memory_space<vmem>>) target_semaphore(%arg10 : memref<!tpu.dma_semaphore, #tpu.memory_space<semaphore_mem>>)
      %slice3A_129 = vector.extract_strided_slice %get3A_44 {offsets = [4], sizes = [1], strides = [1]} : vector<16xi32> to vector<1xi32>
      %squeeze3A_130 = vector.extract %slice3A_129[0] : i32 from vector<1xi32>
      %shift_right_logical3A_131 = arith.constant 3 : i32
      %shift_right_logical3A_132 = arith.shrui %squeeze3A_130, %shift_right_logical3A_131 : i32
      %and3A_133 = arith.constant 7 : i32
      %and3A_134 = arith.andi %squeeze3A_130, %and3A_133 : i32
      %mul3A_135 = arith.constant 16 : i32
      %mul3A_136 = arith.muli %scan3A_41, %mul3A_135 : i32
      %add3A_137 = arith.constant 4 : i32
      %add3A_138 = arith.addi %mul3A_136, %add3A_137 : i32
      %dma_start3A_139 = arith.constant 0 : i32
      %dma_start3A_140 = tpu.memref_slice %arg9[%add3A_138, %dma_start3A_139] : memref<512x32xf32, #tpu.memory_space<vmem>> -> memref<1x32xf32, #tpu.memory_space<vmem>>
      %dma_start3A_141 = tpu.memref_squeeze %dma_start3A_140 : memref<1x32xf32, #tpu.memory_space<vmem>> -> memref<32xf32, #tpu.memory_space<vmem>>
      %dma_start3A_142 = arith.constant 0 : i32
      %dma_start3A_143 = tpu.memref_slice %arg5[%shift_right_logical3A_132, %and3A_134, %dma_start3A_142] : memref<12500x8x32xf32, #tpu.memory_space<hbm>> -> memref<1x1x32xf32, #tpu.memory_space<hbm>>
      %dma_start3A_144 = tpu.memref_squeeze %dma_start3A_143 : memref<1x1x32xf32, #tpu.memory_space<hbm>> -> memref<32xf32, #tpu.memory_space<hbm>>
      %dma_start3A_145 = arith.constant 0 : i32
      %dma_start3A_146 = tpu.memref_slice %arg9[%add3A_138, %dma_start3A_145] : memref<512x32xf32, #tpu.memory_space<vmem>> -> memref<1x32xf32, #tpu.memory_space<vmem>>
      %dma_start3A_147 = tpu.memref_squeeze %dma_start3A_146 : memref<1x32xf32, #tpu.memory_space<vmem>> -> memref<32xf32, #tpu.memory_space<vmem>>
      %dma_start3A_148 = arith.constant 0 : i32
      %dma_start3A_149 = tpu.memref_slice %arg5[%shift_right_logical3A_132, %and3A_134, %dma_start3A_148] : memref<12500x8x32xf32, #tpu.memory_space<hbm>> -> memref<1x1x32xf32, #tpu.memory_space<hbm>>
      %dma_start3A_150 = tpu.memref_squeeze %dma_start3A_149 : memref<1x1x32xf32, #tpu.memory_space<hbm>> -> memref<32xf32, #tpu.memory_space<hbm>>
      tpu.enqueue_dma source(%dma_start3A_150 : memref<32xf32, #tpu.memory_space<hbm>>) target(%dma_start3A_147 : memref<32xf32, #tpu.memory_space<vmem>>) target_semaphore(%arg10 : memref<!tpu.dma_semaphore, #tpu.memory_space<semaphore_mem>>)
      %slice3A_151 = vector.extract_strided_slice %get3A_44 {offsets = [5], sizes = [1], strides = [1]} : vector<16xi32> to vector<1xi32>
      %squeeze3A_152 = vector.extract %slice3A_151[0] : i32 from vector<1xi32>
      %shift_right_logical3A_153 = arith.constant 3 : i32
      %shift_right_logical3A_154 = arith.shrui %squeeze3A_152, %shift_right_logical3A_153 : i32
      %and3A_155 = arith.constant 7 : i32
      %and3A_156 = arith.andi %squeeze3A_152, %and3A_155 : i32
      %mul3A_157 = arith.constant 16 : i32
      %mul3A_158 = arith.muli %scan3A_41, %mul3A_157 : i32
      %add3A_159 = arith.constant 5 : i32
      %add3A_160 = arith.addi %mul3A_158, %add3A_159 : i32
      %dma_start3A_161 = arith.constant 0 : i32
      %dma_start3A_162 = tpu.memref_slice %arg9[%add3A_160, %dma_start3A_161] : memref<512x32xf32, #tpu.memory_space<vmem>> -> memref<1x32xf32, #tpu.memory_space<vmem>>
      %dma_start3A_163 = tpu.memref_squeeze %dma_start3A_162 : memref<1x32xf32, #tpu.memory_space<vmem>> -> memref<32xf32, #tpu.memory_space<vmem>>
      %dma_start3A_164 = arith.constant 0 : i32
      %dma_start3A_165 = tpu.memref_slice %arg5[%shift_right_logical3A_154, %and3A_156, %dma_start3A_164] : memref<12500x8x32xf32, #tpu.memory_space<hbm>> -> memref<1x1x32xf32, #tpu.memory_space<hbm>>
      %dma_start3A_166 = tpu.memref_squeeze %dma_start3A_165 : memref<1x1x32xf32, #tpu.memory_space<hbm>> -> memref<32xf32, #tpu.memory_space<hbm>>
      %dma_start3A_167 = arith.constant 0 : i32
      %dma_start3A_168 = tpu.memref_slice %arg9[%add3A_160, %dma_start3A_167] : memref<512x32xf32, #tpu.memory_space<vmem>> -> memref<1x32xf32, #tpu.memory_space<vmem>>
      %dma_start3A_169 = tpu.memref_squeeze %dma_start3A_168 : memref<1x32xf32, #tpu.memory_space<vmem>> -> memref<32xf32, #tpu.memory_space<vmem>>
      %dma_start3A_170 = arith.constant 0 : i32
      %dma_start3A_171 = tpu.memref_slice %arg5[%shift_right_logical3A_154, %and3A_156, %dma_start3A_170] : memref<12500x8x32xf32, #tpu.memory_space<hbm>> -> memref<1x1x32xf32, #tpu.memory_space<hbm>>
      %dma_start3A_172 = tpu.memref_squeeze %dma_start3A_171 : memref<1x1x32xf32, #tpu.memory_space<hbm>> -> memref<32xf32, #tpu.memory_space<hbm>>
      tpu.enqueue_dma source(%dma_start3A_172 : memref<32xf32, #tpu.memory_space<hbm>>) target(%dma_start3A_169 : memref<32xf32, #tpu.memory_space<vmem>>) target_semaphore(%arg10 : memref<!tpu.dma_semaphore, #tpu.memory_space<semaphore_mem>>)
      %slice3A_173 = vector.extract_strided_slice %get3A_44 {offsets = [6], sizes = [1], strides = [1]} : vector<16xi32> to vector<1xi32>
      %squeeze3A_174 = vector.extract %slice3A_173[0] : i32 from vector<1xi32>
      %shift_right_logical3A_175 = arith.constant 3 : i32
      %shift_right_logical3A_176 = arith.shrui %squeeze3A_174, %shift_right_logical3A_175 : i32
      %and3A_177 = arith.constant 7 : i32
      %and3A_178 = arith.andi %squeeze3A_174, %and3A_177 : i32
      %mul3A_179 = arith.constant 16 : i32
      %mul3A_180 = arith.muli %scan3A_41, %mul3A_179 : i32
      %add3A_181 = arith.constant 6 : i32
      %add3A_182 = arith.addi %mul3A_180, %add3A_181 : i32
      %dma_start3A_183 = arith.constant 0 : i32
      %dma_start3A_184 = tpu.memref_slice %arg9[%add3A_182, %dma_start3A_183] : memref<512x32xf32, #tpu.memory_space<vmem>> -> memref<1x32xf32, #tpu.memory_space<vmem>>
      %dma_start3A_185 = tpu.memref_squeeze %dma_start3A_184 : memref<1x32xf32, #tpu.memory_space<vmem>> -> memref<32xf32, #tpu.memory_space<vmem>>
      %dma_start3A_186 = arith.constant 0 : i32
      %dma_start3A_187 = tpu.memref_slice %arg5[%shift_right_logical3A_176, %and3A_178, %dma_start3A_186] : memref<12500x8x32xf32, #tpu.memory_space<hbm>> -> memref<1x1x32xf32, #tpu.memory_space<hbm>>
      %dma_start3A_188 = tpu.memref_squeeze %dma_start3A_187 : memref<1x1x32xf32, #tpu.memory_space<hbm>> -> memref<32xf32, #tpu.memory_space<hbm>>
      %dma_start3A_189 = arith.constant 0 : i32
      %dma_start3A_190 = tpu.memref_slice %arg9[%add3A_182, %dma_start3A_189] : memref<512x32xf32, #tpu.memory_space<vmem>> -> memref<1x32xf32, #tpu.memory_space<vmem>>
      %dma_start3A_191 = tpu.memref_squeeze %dma_start3A_190 : memref<1x32xf32, #tpu.memory_space<vmem>> -> memref<32xf32, #tpu.memory_space<vmem>>
      %dma_start3A_192 = arith.constant 0 : i32
      %dma_start3A_193 = tpu.memref_slice %arg5[%shift_right_logical3A_176, %and3A_178, %dma_start3A_192] : memref<12500x8x32xf32, #tpu.memory_space<hbm>> -> memref<1x1x32xf32, #tpu.memory_space<hbm>>
      %dma_start3A_194 = tpu.memref_squeeze %dma_start3A_193 : memref<1x1x32xf32, #tpu.memory_space<hbm>> -> memref<32xf32, #tpu.memory_space<hbm>>
      tpu.enqueue_dma source(%dma_start3A_194 : memref<32xf32, #tpu.memory_space<hbm>>) target(%dma_start3A_191 : memref<32xf32, #tpu.memory_space<vmem>>) target_semaphore(%arg10 : memref<!tpu.dma_semaphore, #tpu.memory_space<semaphore_mem>>)
      %slice3A_195 = vector.extract_strided_slice %get3A_44 {offsets = [7], sizes = [1], strides = [1]} : vector<16xi32> to vector<1xi32>
      %squeeze3A_196 = vector.extract %slice3A_195[0] : i32 from vector<1xi32>
      %shift_right_logical3A_197 = arith.constant 3 : i32
      %shift_right_logical3A_198 = arith.shrui %squeeze3A_196, %shift_right_logical3A_197 : i32
      %and3A_199 = arith.constant 7 : i32
      %and3A_200 = arith.andi %squeeze3A_196, %and3A_199 : i32
      %mul3A_201 = arith.constant 16 : i32
      %mul3A_202 = arith.muli %scan3A_41, %mul3A_201 : i32
      %add3A_203 = arith.constant 7 : i32
      %add3A_204 = arith.addi %mul3A_202, %add3A_203 : i32
      %dma_start3A_205 = arith.constant 0 : i32
      %dma_start3A_206 = tpu.memref_slice %arg9[%add3A_204, %dma_start3A_205] : memref<512x32xf32, #tpu.memory_space<vmem>> -> memref<1x32xf32, #tpu.memory_space<vmem>>
      %dma_start3A_207 = tpu.memref_squeeze %dma_start3A_206 : memref<1x32xf32, #tpu.memory_space<vmem>> -> memref<32xf32, #tpu.memory_space<vmem>>
      %dma_start3A_208 = arith.constant 0 : i32
      %dma_start3A_209 = tpu.memref_slice %arg5[%shift_right_logical3A_198, %and3A_200, %dma_start3A_208] : memref<12500x8x32xf32, #tpu.memory_space<hbm>> -> memref<1x1x32xf32, #tpu.memory_space<hbm>>
      %dma_start3A_210 = tpu.memref_squeeze %dma_start3A_209 : memref<1x1x32xf32, #tpu.memory_space<hbm>> -> memref<32xf32, #tpu.memory_space<hbm>>
      %dma_start3A_211 = arith.constant 0 : i32
      %dma_start3A_212 = tpu.memref_slice %arg9[%add3A_204, %dma_start3A_211] : memref<512x32xf32, #tpu.memory_space<vmem>> -> memref<1x32xf32, #tpu.memory_space<vmem>>
      %dma_start3A_213 = tpu.memref_squeeze %dma_start3A_212 : memref<1x32xf32, #tpu.memory_space<vmem>> -> memref<32xf32, #tpu.memory_space<vmem>>
      %dma_start3A_214 = arith.constant 0 : i32
      %dma_start3A_215 = tpu.memref_slice %arg5[%shift_right_logical3A_198, %and3A_200, %dma_start3A_214] : memref<12500x8x32xf32, #tpu.memory_space<hbm>> -> memref<1x1x32xf32, #tpu.memory_space<hbm>>
      %dma_start3A_216 = tpu.memref_squeeze %dma_start3A_215 : memref<1x1x32xf32, #tpu.memory_space<hbm>> -> memref<32xf32, #tpu.memory_space<hbm>>
      tpu.enqueue_dma source(%dma_start3A_216 : memref<32xf32, #tpu.memory_space<hbm>>) target(%dma_start3A_213 : memref<32xf32, #tpu.memory_space<vmem>>) target_semaphore(%arg10 : memref<!tpu.dma_semaphore, #tpu.memory_space<semaphore_mem>>)
      %slice3A_217 = vector.extract_strided_slice %get3A_44 {offsets = [8], sizes = [1], strides = [1]} : vector<16xi32> to vector<1xi32>
      %squeeze3A_218 = vector.extract %slice3A_217[0] : i32 from vector<1xi32>
      %shift_right_logical3A_219 = arith.constant 3 : i32
      %shift_right_logical3A_220 = arith.shrui %squeeze3A_218, %shift_right_logical3A_219 : i32
      %and3A_221 = arith.constant 7 : i32
      %and3A_222 = arith.andi %squeeze3A_218, %and3A_221 : i32
      %mul3A_223 = arith.constant 16 : i32
      %mul3A_224 = arith.muli %scan3A_41, %mul3A_223 : i32
      %add3A_225 = arith.constant 8 : i32
      %add3A_226 = arith.addi %mul3A_224, %add3A_225 : i32
      %dma_start3A_227 = arith.constant 0 : i32
      %dma_start3A_228 = tpu.memref_slice %arg9[%add3A_226, %dma_start3A_227] : memref<512x32xf32, #tpu.memory_space<vmem>> -> memref<1x32xf32, #tpu.memory_space<vmem>>
      %dma_start3A_229 = tpu.memref_squeeze %dma_start3A_228 : memref<1x32xf32, #tpu.memory_space<vmem>> -> memref<32xf32, #tpu.memory_space<vmem>>
      %dma_start3A_230 = arith.constant 0 : i32
      %dma_start3A_231 = tpu.memref_slice %arg5[%shift_right_logical3A_220, %and3A_222, %dma_start3A_230] : memref<12500x8x32xf32, #tpu.memory_space<hbm>> -> memref<1x1x32xf32, #tpu.memory_space<hbm>>
      %dma_start3A_232 = tpu.memref_squeeze %dma_start3A_231 : memref<1x1x32xf32, #tpu.memory_space<hbm>> -> memref<32xf32, #tpu.memory_space<hbm>>
      %dma_start3A_233 = arith.constant 0 : i32
      %dma_start3A_234 = tpu.memref_slice %arg9[%add3A_226, %dma_start3A_233] : memref<512x32xf32, #tpu.memory_space<vmem>> -> memref<1x32xf32, #tpu.memory_space<vmem>>
      %dma_start3A_235 = tpu.memref_squeeze %dma_start3A_234 : memref<1x32xf32, #tpu.memory_space<vmem>> -> memref<32xf32, #tpu.memory_space<vmem>>
      %dma_start3A_236 = arith.constant 0 : i32
      %dma_start3A_237 = tpu.memref_slice %arg5[%shift_right_logical3A_220, %and3A_222, %dma_start3A_236] : memref<12500x8x32xf32, #tpu.memory_space<hbm>> -> memref<1x1x32xf32, #tpu.memory_space<hbm>>
      %dma_start3A_238 = tpu.memref_squeeze %dma_start3A_237 : memref<1x1x32xf32, #tpu.memory_space<hbm>> -> memref<32xf32, #tpu.memory_space<hbm>>
      tpu.enqueue_dma source(%dma_start3A_238 : memref<32xf32, #tpu.memory_space<hbm>>) target(%dma_start3A_235 : memref<32xf32, #tpu.memory_space<vmem>>) target_semaphore(%arg10 : memref<!tpu.dma_semaphore, #tpu.memory_space<semaphore_mem>>)
      %slice3A_239 = vector.extract_strided_slice %get3A_44 {offsets = [9], sizes = [1], strides = [1]} : vector<16xi32> to vector<1xi32>
      %squeeze3A_240 = vector.extract %slice3A_239[0] : i32 from vector<1xi32>
      %shift_right_logical3A_241 = arith.constant 3 : i32
      %shift_right_logical3A_242 = arith.shrui %squeeze3A_240, %shift_right_logical3A_241 : i32
      %and3A_243 = arith.constant 7 : i32
      %and3A_244 = arith.andi %squeeze3A_240, %and3A_243 : i32
      %mul3A_245 = arith.constant 16 : i32
      %mul3A_246 = arith.muli %scan3A_41, %mul3A_245 : i32
      %add3A_247 = arith.constant 9 : i32
      %add3A_248 = arith.addi %mul3A_246, %add3A_247 : i32
      %dma_start3A_249 = arith.constant 0 : i32
      %dma_start3A_250 = tpu.memref_slice %arg9[%add3A_248, %dma_start3A_249] : memref<512x32xf32, #tpu.memory_space<vmem>> -> memref<1x32xf32, #tpu.memory_space<vmem>>
      %dma_start3A_251 = tpu.memref_squeeze %dma_start3A_250 : memref<1x32xf32, #tpu.memory_space<vmem>> -> memref<32xf32, #tpu.memory_space<vmem>>
      %dma_start3A_252 = arith.constant 0 : i32
      %dma_start3A_253 = tpu.memref_slice %arg5[%shift_right_logical3A_242, %and3A_244, %dma_start3A_252] : memref<12500x8x32xf32, #tpu.memory_space<hbm>> -> memref<1x1x32xf32, #tpu.memory_space<hbm>>
      %dma_start3A_254 = tpu.memref_squeeze %dma_start3A_253 : memref<1x1x32xf32, #tpu.memory_space<hbm>> -> memref<32xf32, #tpu.memory_space<hbm>>
      %dma_start3A_255 = arith.constant 0 : i32
      %dma_start3A_256 = tpu.memref_slice %arg9[%add3A_248, %dma_start3A_255] : memref<512x32xf32, #tpu.memory_space<vmem>> -> memref<1x32xf32, #tpu.memory_space<vmem>>
      %dma_start3A_257 = tpu.memref_squeeze %dma_start3A_256 : memref<1x32xf32, #tpu.memory_space<vmem>> -> memref<32xf32, #tpu.memory_space<vmem>>
      %dma_start3A_258 = arith.constant 0 : i32
      %dma_start3A_259 = tpu.memref_slice %arg5[%shift_right_logical3A_242, %and3A_244, %dma_start3A_258] : memref<12500x8x32xf32, #tpu.memory_space<hbm>> -> memref<1x1x32xf32, #tpu.memory_space<hbm>>
      %dma_start3A_260 = tpu.memref_squeeze %dma_start3A_259 : memref<1x1x32xf32, #tpu.memory_space<hbm>> -> memref<32xf32, #tpu.memory_space<hbm>>
      tpu.enqueue_dma source(%dma_start3A_260 : memref<32xf32, #tpu.memory_space<hbm>>) target(%dma_start3A_257 : memref<32xf32, #tpu.memory_space<vmem>>) target_semaphore(%arg10 : memref<!tpu.dma_semaphore, #tpu.memory_space<semaphore_mem>>)
      %slice3A_261 = vector.extract_strided_slice %get3A_44 {offsets = [10], sizes = [1], strides = [1]} : vector<16xi32> to vector<1xi32>
      %squeeze3A_262 = vector.extract %slice3A_261[0] : i32 from vector<1xi32>
      %shift_right_logical3A_263 = arith.constant 3 : i32
      %shift_right_logical3A_264 = arith.shrui %squeeze3A_262, %shift_right_logical3A_263 : i32
      %and3A_265 = arith.constant 7 : i32
      %and3A_266 = arith.andi %squeeze3A_262, %and3A_265 : i32
      %mul3A_267 = arith.constant 16 : i32
      %mul3A_268 = arith.muli %scan3A_41, %mul3A_267 : i32
      %add3A_269 = arith.constant 10 : i32
      %add3A_270 = arith.addi %mul3A_268, %add3A_269 : i32
      %dma_start3A_271 = arith.constant 0 : i32
      %dma_start3A_272 = tpu.memref_slice %arg9[%add3A_270, %dma_start3A_271] : memref<512x32xf32, #tpu.memory_space<vmem>> -> memref<1x32xf32, #tpu.memory_space<vmem>>
      %dma_start3A_273 = tpu.memref_squeeze %dma_start3A_272 : memref<1x32xf32, #tpu.memory_space<vmem>> -> memref<32xf32, #tpu.memory_space<vmem>>
      %dma_start3A_274 = arith.constant 0 : i32
      %dma_start3A_275 = tpu.memref_slice %arg5[%shift_right_logical3A_264, %and3A_266, %dma_start3A_274] : memref<12500x8x32xf32, #tpu.memory_space<hbm>> -> memref<1x1x32xf32, #tpu.memory_space<hbm>>
      %dma_start3A_276 = tpu.memref_squeeze %dma_start3A_275 : memref<1x1x32xf32, #tpu.memory_space<hbm>> -> memref<32xf32, #tpu.memory_space<hbm>>
      %dma_start3A_277 = arith.constant 0 : i32
      %dma_start3A_278 = tpu.memref_slice %arg9[%add3A_270, %dma_start3A_277] : memref<512x32xf32, #tpu.memory_space<vmem>> -> memref<1x32xf32, #tpu.memory_space<vmem>>
      %dma_start3A_279 = tpu.memref_squeeze %dma_start3A_278 : memref<1x32xf32, #tpu.memory_space<vmem>> -> memref<32xf32, #tpu.memory_space<vmem>>
      %dma_start3A_280 = arith.constant 0 : i32
      %dma_start3A_281 = tpu.memref_slice %arg5[%shift_right_logical3A_264, %and3A_266, %dma_start3A_280] : memref<12500x8x32xf32, #tpu.memory_space<hbm>> -> memref<1x1x32xf32, #tpu.memory_space<hbm>>
      %dma_start3A_282 = tpu.memref_squeeze %dma_start3A_281 : memref<1x1x32xf32, #tpu.memory_space<hbm>> -> memref<32xf32, #tpu.memory_space<hbm>>
      tpu.enqueue_dma source(%dma_start3A_282 : memref<32xf32, #tpu.memory_space<hbm>>) target(%dma_start3A_279 : memref<32xf32, #tpu.memory_space<vmem>>) target_semaphore(%arg10 : memref<!tpu.dma_semaphore, #tpu.memory_space<semaphore_mem>>)
      %slice3A_283 = vector.extract_strided_slice %get3A_44 {offsets = [11], sizes = [1], strides = [1]} : vector<16xi32> to vector<1xi32>
      %squeeze3A_284 = vector.extract %slice3A_283[0] : i32 from vector<1xi32>
      %shift_right_logical3A_285 = arith.constant 3 : i32
      %shift_right_logical3A_286 = arith.shrui %squeeze3A_284, %shift_right_logical3A_285 : i32
      %and3A_287 = arith.constant 7 : i32
      %and3A_288 = arith.andi %squeeze3A_284, %and3A_287 : i32
      %mul3A_289 = arith.constant 16 : i32
      %mul3A_290 = arith.muli %scan3A_41, %mul3A_289 : i32
      %add3A_291 = arith.constant 11 : i32
      %add3A_292 = arith.addi %mul3A_290, %add3A_291 : i32
      %dma_start3A_293 = arith.constant 0 : i32
      %dma_start3A_294 = tpu.memref_slice %arg9[%add3A_292, %dma_start3A_293] : memref<512x32xf32, #tpu.memory_space<vmem>> -> memref<1x32xf32, #tpu.memory_space<vmem>>
      %dma_start3A_295 = tpu.memref_squeeze %dma_start3A_294 : memref<1x32xf32, #tpu.memory_space<vmem>> -> memref<32xf32, #tpu.memory_space<vmem>>
      %dma_start3A_296 = arith.constant 0 : i32
      %dma_start3A_297 = tpu.memref_slice %arg5[%shift_right_logical3A_286, %and3A_288, %dma_start3A_296] : memref<12500x8x32xf32, #tpu.memory_space<hbm>> -> memref<1x1x32xf32, #tpu.memory_space<hbm>>
      %dma_start3A_298 = tpu.memref_squeeze %dma_start3A_297 : memref<1x1x32xf32, #tpu.memory_space<hbm>> -> memref<32xf32, #tpu.memory_space<hbm>>
      %dma_start3A_299 = arith.constant 0 : i32
      %dma_start3A_300 = tpu.memref_slice %arg9[%add3A_292, %dma_start3A_299] : memref<512x32xf32, #tpu.memory_space<vmem>> -> memref<1x32xf32, #tpu.memory_space<vmem>>
      %dma_start3A_301 = tpu.memref_squeeze %dma_start3A_300 : memref<1x32xf32, #tpu.memory_space<vmem>> -> memref<32xf32, #tpu.memory_space<vmem>>
      %dma_start3A_302 = arith.constant 0 : i32
      %dma_start3A_303 = tpu.memref_slice %arg5[%shift_right_logical3A_286, %and3A_288, %dma_start3A_302] : memref<12500x8x32xf32, #tpu.memory_space<hbm>> -> memref<1x1x32xf32, #tpu.memory_space<hbm>>
      %dma_start3A_304 = tpu.memref_squeeze %dma_start3A_303 : memref<1x1x32xf32, #tpu.memory_space<hbm>> -> memref<32xf32, #tpu.memory_space<hbm>>
      tpu.enqueue_dma source(%dma_start3A_304 : memref<32xf32, #tpu.memory_space<hbm>>) target(%dma_start3A_301 : memref<32xf32, #tpu.memory_space<vmem>>) target_semaphore(%arg10 : memref<!tpu.dma_semaphore, #tpu.memory_space<semaphore_mem>>)
      %slice3A_305 = vector.extract_strided_slice %get3A_44 {offsets = [12], sizes = [1], strides = [1]} : vector<16xi32> to vector<1xi32>
      %squeeze3A_306 = vector.extract %slice3A_305[0] : i32 from vector<1xi32>
      %shift_right_logical3A_307 = arith.constant 3 : i32
      %shift_right_logical3A_308 = arith.shrui %squeeze3A_306, %shift_right_logical3A_307 : i32
      %and3A_309 = arith.constant 7 : i32
      %and3A_310 = arith.andi %squeeze3A_306, %and3A_309 : i32
      %mul3A_311 = arith.constant 16 : i32
      %mul3A_312 = arith.muli %scan3A_41, %mul3A_311 : i32
      %add3A_313 = arith.constant 12 : i32
      %add3A_314 = arith.addi %mul3A_312, %add3A_313 : i32
      %dma_start3A_315 = arith.constant 0 : i32
      %dma_start3A_316 = tpu.memref_slice %arg9[%add3A_314, %dma_start3A_315] : memref<512x32xf32, #tpu.memory_space<vmem>> -> memref<1x32xf32, #tpu.memory_space<vmem>>
      %dma_start3A_317 = tpu.memref_squeeze %dma_start3A_316 : memref<1x32xf32, #tpu.memory_space<vmem>> -> memref<32xf32, #tpu.memory_space<vmem>>
      %dma_start3A_318 = arith.constant 0 : i32
      %dma_start3A_319 = tpu.memref_slice %arg5[%shift_right_logical3A_308, %and3A_310, %dma_start3A_318] : memref<12500x8x32xf32, #tpu.memory_space<hbm>> -> memref<1x1x32xf32, #tpu.memory_space<hbm>>
      %dma_start3A_320 = tpu.memref_squeeze %dma_start3A_319 : memref<1x1x32xf32, #tpu.memory_space<hbm>> -> memref<32xf32, #tpu.memory_space<hbm>>
      %dma_start3A_321 = arith.constant 0 : i32
      %dma_start3A_322 = tpu.memref_slice %arg9[%add3A_314, %dma_start3A_321] : memref<512x32xf32, #tpu.memory_space<vmem>> -> memref<1x32xf32, #tpu.memory_space<vmem>>
      %dma_start3A_323 = tpu.memref_squeeze %dma_start3A_322 : memref<1x32xf32, #tpu.memory_space<vmem>> -> memref<32xf32, #tpu.memory_space<vmem>>
      %dma_start3A_324 = arith.constant 0 : i32
      %dma_start3A_325 = tpu.memref_slice %arg5[%shift_right_logical3A_308, %and3A_310, %dma_start3A_324] : memref<12500x8x32xf32, #tpu.memory_space<hbm>> -> memref<1x1x32xf32, #tpu.memory_space<hbm>>
      %dma_start3A_326 = tpu.memref_squeeze %dma_start3A_325 : memref<1x1x32xf32, #tpu.memory_space<hbm>> -> memref<32xf32, #tpu.memory_space<hbm>>
      tpu.enqueue_dma source(%dma_start3A_326 : memref<32xf32, #tpu.memory_space<hbm>>) target(%dma_start3A_323 : memref<32xf32, #tpu.memory_space<vmem>>) target_semaphore(%arg10 : memref<!tpu.dma_semaphore, #tpu.memory_space<semaphore_mem>>)
      %slice3A_327 = vector.extract_strided_slice %get3A_44 {offsets = [13], sizes = [1], strides = [1]} : vector<16xi32> to vector<1xi32>
      %squeeze3A_328 = vector.extract %slice3A_327[0] : i32 from vector<1xi32>
      %shift_right_logical3A_329 = arith.constant 3 : i32
      %shift_right_logical3A_330 = arith.shrui %squeeze3A_328, %shift_right_logical3A_329 : i32
      %and3A_331 = arith.constant 7 : i32
      %and3A_332 = arith.andi %squeeze3A_328, %and3A_331 : i32
      %mul3A_333 = arith.constant 16 : i32
      %mul3A_334 = arith.muli %scan3A_41, %mul3A_333 : i32
      %add3A_335 = arith.constant 13 : i32
      %add3A_336 = arith.addi %mul3A_334, %add3A_335 : i32
      %dma_start3A_337 = arith.constant 0 : i32
      %dma_start3A_338 = tpu.memref_slice %arg9[%add3A_336, %dma_start3A_337] : memref<512x32xf32, #tpu.memory_space<vmem>> -> memref<1x32xf32, #tpu.memory_space<vmem>>
      %dma_start3A_339 = tpu.memref_squeeze %dma_start3A_338 : memref<1x32xf32, #tpu.memory_space<vmem>> -> memref<32xf32, #tpu.memory_space<vmem>>
      %dma_start3A_340 = arith.constant 0 : i32
      %dma_start3A_341 = tpu.memref_slice %arg5[%shift_right_logical3A_330, %and3A_332, %dma_start3A_340] : memref<12500x8x32xf32, #tpu.memory_space<hbm>> -> memref<1x1x32xf32, #tpu.memory_space<hbm>>
      %dma_start3A_342 = tpu.memref_squeeze %dma_start3A_341 : memref<1x1x32xf32, #tpu.memory_space<hbm>> -> memref<32xf32, #tpu.memory_space<hbm>>
      %dma_start3A_343 = arith.constant 0 : i32
      %dma_start3A_344 = tpu.memref_slice %arg9[%add3A_336, %dma_start3A_343] : memref<512x32xf32, #tpu.memory_space<vmem>> -> memref<1x32xf32, #tpu.memory_space<vmem>>
      %dma_start3A_345 = tpu.memref_squeeze %dma_start3A_344 : memref<1x32xf32, #tpu.memory_space<vmem>> -> memref<32xf32, #tpu.memory_space<vmem>>
      %dma_start3A_346 = arith.constant 0 : i32
      %dma_start3A_347 = tpu.memref_slice %arg5[%shift_right_logical3A_330, %and3A_332, %dma_start3A_346] : memref<12500x8x32xf32, #tpu.memory_space<hbm>> -> memref<1x1x32xf32, #tpu.memory_space<hbm>>
      %dma_start3A_348 = tpu.memref_squeeze %dma_start3A_347 : memref<1x1x32xf32, #tpu.memory_space<hbm>> -> memref<32xf32, #tpu.memory_space<hbm>>
      tpu.enqueue_dma source(%dma_start3A_348 : memref<32xf32, #tpu.memory_space<hbm>>) target(%dma_start3A_345 : memref<32xf32, #tpu.memory_space<vmem>>) target_semaphore(%arg10 : memref<!tpu.dma_semaphore, #tpu.memory_space<semaphore_mem>>)
      %slice3A_349 = vector.extract_strided_slice %get3A_44 {offsets = [14], sizes = [1], strides = [1]} : vector<16xi32> to vector<1xi32>
      %squeeze3A_350 = vector.extract %slice3A_349[0] : i32 from vector<1xi32>
      %shift_right_logical3A_351 = arith.constant 3 : i32
      %shift_right_logical3A_352 = arith.shrui %squeeze3A_350, %shift_right_logical3A_351 : i32
      %and3A_353 = arith.constant 7 : i32
      %and3A_354 = arith.andi %squeeze3A_350, %and3A_353 : i32
      %mul3A_355 = arith.constant 16 : i32
      %mul3A_356 = arith.muli %scan3A_41, %mul3A_355 : i32
      %add3A_357 = arith.constant 14 : i32
      %add3A_358 = arith.addi %mul3A_356, %add3A_357 : i32
      %dma_start3A_359 = arith.constant 0 : i32
      %dma_start3A_360 = tpu.memref_slice %arg9[%add3A_358, %dma_start3A_359] : memref<512x32xf32, #tpu.memory_space<vmem>> -> memref<1x32xf32, #tpu.memory_space<vmem>>
      %dma_start3A_361 = tpu.memref_squeeze %dma_start3A_360 : memref<1x32xf32, #tpu.memory_space<vmem>> -> memref<32xf32, #tpu.memory_space<vmem>>
      %dma_start3A_362 = arith.constant 0 : i32
      %dma_start3A_363 = tpu.memref_slice %arg5[%shift_right_logical3A_352, %and3A_354, %dma_start3A_362] : memref<12500x8x32xf32, #tpu.memory_space<hbm>> -> memref<1x1x32xf32, #tpu.memory_space<hbm>>
      %dma_start3A_364 = tpu.memref_squeeze %dma_start3A_363 : memref<1x1x32xf32, #tpu.memory_space<hbm>> -> memref<32xf32, #tpu.memory_space<hbm>>
      %dma_start3A_365 = arith.constant 0 : i32
      %dma_start3A_366 = tpu.memref_slice %arg9[%add3A_358, %dma_start3A_365] : memref<512x32xf32, #tpu.memory_space<vmem>> -> memref<1x32xf32, #tpu.memory_space<vmem>>
      %dma_start3A_367 = tpu.memref_squeeze %dma_start3A_366 : memref<1x32xf32, #tpu.memory_space<vmem>> -> memref<32xf32, #tpu.memory_space<vmem>>
      %dma_start3A_368 = arith.constant 0 : i32
      %dma_start3A_369 = tpu.memref_slice %arg5[%shift_right_logical3A_352, %and3A_354, %dma_start3A_368] : memref<12500x8x32xf32, #tpu.memory_space<hbm>> -> memref<1x1x32xf32, #tpu.memory_space<hbm>>
      %dma_start3A_370 = tpu.memref_squeeze %dma_start3A_369 : memref<1x1x32xf32, #tpu.memory_space<hbm>> -> memref<32xf32, #tpu.memory_space<hbm>>
      tpu.enqueue_dma source(%dma_start3A_370 : memref<32xf32, #tpu.memory_space<hbm>>) target(%dma_start3A_367 : memref<32xf32, #tpu.memory_space<vmem>>) target_semaphore(%arg10 : memref<!tpu.dma_semaphore, #tpu.memory_space<semaphore_mem>>)
      %slice3A_371 = vector.extract_strided_slice %get3A_44 {offsets = [15], sizes = [1], strides = [1]} : vector<16xi32> to vector<1xi32>
      %squeeze3A_372 = vector.extract %slice3A_371[0] : i32 from vector<1xi32>
      %shift_right_logical3A_373 = arith.constant 3 : i32
      %shift_right_logical3A_374 = arith.shrui %squeeze3A_372, %shift_right_logical3A_373 : i32
      %and3A_375 = arith.constant 7 : i32
      %and3A_376 = arith.andi %squeeze3A_372, %and3A_375 : i32
      %mul3A_377 = arith.constant 16 : i32
      %mul3A_378 = arith.muli %scan3A_41, %mul3A_377 : i32
      %add3A_379 = arith.constant 15 : i32
      %add3A_380 = arith.addi %mul3A_378, %add3A_379 : i32
      %dma_start3A_381 = arith.constant 0 : i32
      %dma_start3A_382 = tpu.memref_slice %arg9[%add3A_380, %dma_start3A_381] : memref<512x32xf32, #tpu.memory_space<vmem>> -> memref<1x32xf32, #tpu.memory_space<vmem>>
      %dma_start3A_383 = tpu.memref_squeeze %dma_start3A_382 : memref<1x32xf32, #tpu.memory_space<vmem>> -> memref<32xf32, #tpu.memory_space<vmem>>
      %dma_start3A_384 = arith.constant 0 : i32
      %dma_start3A_385 = tpu.memref_slice %arg5[%shift_right_logical3A_374, %and3A_376, %dma_start3A_384] : memref<12500x8x32xf32, #tpu.memory_space<hbm>> -> memref<1x1x32xf32, #tpu.memory_space<hbm>>
      %dma_start3A_386 = tpu.memref_squeeze %dma_start3A_385 : memref<1x1x32xf32, #tpu.memory_space<hbm>> -> memref<32xf32, #tpu.memory_space<hbm>>
      %dma_start3A_387 = arith.constant 0 : i32
      %dma_start3A_388 = tpu.memref_slice %arg9[%add3A_380, %dma_start3A_387] : memref<512x32xf32, #tpu.memory_space<vmem>> -> memref<1x32xf32, #tpu.memory_space<vmem>>
      %dma_start3A_389 = tpu.memref_squeeze %dma_start3A_388 : memref<1x32xf32, #tpu.memory_space<vmem>> -> memref<32xf32, #tpu.memory_space<vmem>>
      %dma_start3A_390 = arith.constant 0 : i32
      %dma_start3A_391 = tpu.memref_slice %arg5[%shift_right_logical3A_374, %and3A_376, %dma_start3A_390] : memref<12500x8x32xf32, #tpu.memory_space<hbm>> -> memref<1x1x32xf32, #tpu.memory_space<hbm>>
      %dma_start3A_392 = tpu.memref_squeeze %dma_start3A_391 : memref<1x1x32xf32, #tpu.memory_space<hbm>> -> memref<32xf32, #tpu.memory_space<hbm>>
      tpu.enqueue_dma source(%dma_start3A_392 : memref<32xf32, #tpu.memory_space<hbm>>) target(%dma_start3A_389 : memref<32xf32, #tpu.memory_space<vmem>>) target_semaphore(%arg10 : memref<!tpu.dma_semaphore, #tpu.memory_space<semaphore_mem>>)
    }
    %scan3A_27 = arith.constant 32 : i32
    %scan3A_28 = arith.constant 0 : i32
    %scan3A_29 = arith.constant 32 : i32
    %scan3A_30 = arith.addi %scan3A_28, %scan3A_29 : i32
    %scan3A_31 = arith.constant 1 : i32
    scf.for %scan3A_41 = %scan3A_28 to %scan3A_30 step %scan3A_31  : i32 {
      %dma_wait3A_42 = arith.constant 0 : i32
      %dma_wait3A_43 = arith.constant 0 : i32
      %dma_wait3A_44 = arith.constant 0 : i32
      %dma_wait3A_45 = arith.constant 0 : i32
      %dma_wait3A_46 = tpu.memref_slice %arg9[%dma_wait3A_44, %dma_wait3A_45] : memref<512x32xf32, #tpu.memory_space<vmem>> -> memref<1x32xf32, #tpu.memory_space<vmem>>
      %dma_wait3A_47 = tpu.memref_squeeze %dma_wait3A_46 : memref<1x32xf32, #tpu.memory_space<vmem>> -> memref<32xf32, #tpu.memory_space<vmem>>
      %dma_wait3A_48 = arith.constant 0 : i32
      %dma_wait3A_49 = tpu.memref_slice %arg5[%dma_wait3A_42, %dma_wait3A_43, %dma_wait3A_48] : memref<12500x8x32xf32, #tpu.memory_space<hbm>> -> memref<1x1x32xf32, #tpu.memory_space<hbm>>
      %dma_wait3A_50 = tpu.memref_squeeze %dma_wait3A_49 : memref<1x1x32xf32, #tpu.memory_space<hbm>> -> memref<32xf32, #tpu.memory_space<hbm>>
      %dma_wait3A_51 = arith.constant 0 : i32
      %dma_wait3A_52 = tpu.memref_slice %arg9[%dma_wait3A_44, %dma_wait3A_51] : memref<512x32xf32, #tpu.memory_space<vmem>> -> memref<1x32xf32, #tpu.memory_space<vmem>>
      %dma_wait3A_53 = tpu.memref_squeeze %dma_wait3A_52 : memref<1x32xf32, #tpu.memory_space<vmem>> -> memref<32xf32, #tpu.memory_space<vmem>>
      %dma_wait3A_54 = arith.constant 0 : i32
      %dma_wait3A_55 = tpu.memref_slice %arg5[%dma_wait3A_42, %dma_wait3A_43, %dma_wait3A_54] : memref<12500x8x32xf32, #tpu.memory_space<hbm>> -> memref<1x1x32xf32, #tpu.memory_space<hbm>>
      %dma_wait3A_56 = tpu.memref_squeeze %dma_wait3A_55 : memref<1x1x32xf32, #tpu.memory_space<hbm>> -> memref<32xf32, #tpu.memory_space<hbm>>
      tpu.wait_dma2 semaphore(%arg10 : memref<!tpu.dma_semaphore, #tpu.memory_space<semaphore_mem>>) src(%dma_wait3A_56 : memref<32xf32, #tpu.memory_space<hbm>>) dst(%dma_wait3A_53 : memref<32xf32, #tpu.memory_space<vmem>>)
      %dma_wait3A_57 = arith.constant 0 : i32
      %dma_wait3A_58 = arith.constant 0 : i32
      %dma_wait3A_59 = arith.constant 0 : i32
      %dma_wait3A_60 = arith.constant 0 : i32
      %dma_wait3A_61 = tpu.memref_slice %arg9[%dma_wait3A_59, %dma_wait3A_60] : memref<512x32xf32, #tpu.memory_space<vmem>> -> memref<1x32xf32, #tpu.memory_space<vmem>>
      %dma_wait3A_62 = tpu.memref_squeeze %dma_wait3A_61 : memref<1x32xf32, #tpu.memory_space<vmem>> -> memref<32xf32, #tpu.memory_space<vmem>>
      %dma_wait3A_63 = arith.constant 0 : i32
      %dma_wait3A_64 = tpu.memref_slice %arg5[%dma_wait3A_57, %dma_wait3A_58, %dma_wait3A_63] : memref<12500x8x32xf32, #tpu.memory_space<hbm>> -> memref<1x1x32xf32, #tpu.memory_space<hbm>>
      %dma_wait3A_65 = tpu.memref_squeeze %dma_wait3A_64 : memref<1x1x32xf32, #tpu.memory_space<hbm>> -> memref<32xf32, #tpu.memory_space<hbm>>
      %dma_wait3A_66 = arith.constant 0 : i32
      %dma_wait3A_67 = tpu.memref_slice %arg9[%dma_wait3A_59, %dma_wait3A_66] : memref<512x32xf32, #tpu.memory_space<vmem>> -> memref<1x32xf32, #tpu.memory_space<vmem>>
      %dma_wait3A_68 = tpu.memref_squeeze %dma_wait3A_67 : memref<1x32xf32, #tpu.memory_space<vmem>> -> memref<32xf32, #tpu.memory_space<vmem>>
      %dma_wait3A_69 = arith.constant 0 : i32
      %dma_wait3A_70 = tpu.memref_slice %arg5[%dma_wait3A_57, %dma_wait3A_58, %dma_wait3A_69] : memref<12500x8x32xf32, #tpu.memory_space<hbm>> -> memref<1x1x32xf32, #tpu.memory_space<hbm>>
      %dma_wait3A_71 = tpu.memref_squeeze %dma_wait3A_70 : memref<1x1x32xf32, #tpu.memory_space<hbm>> -> memref<32xf32, #tpu.memory_space<hbm>>
      tpu.wait_dma2 semaphore(%arg10 : memref<!tpu.dma_semaphore, #tpu.memory_space<semaphore_mem>>) src(%dma_wait3A_71 : memref<32xf32, #tpu.memory_space<hbm>>) dst(%dma_wait3A_68 : memref<32xf32, #tpu.memory_space<vmem>>)
      %dma_wait3A_72 = arith.constant 0 : i32
      %dma_wait3A_73 = arith.constant 0 : i32
      %dma_wait3A_74 = arith.constant 0 : i32
      %dma_wait3A_75 = arith.constant 0 : i32
      %dma_wait3A_76 = tpu.memref_slice %arg9[%dma_wait3A_74, %dma_wait3A_75] : memref<512x32xf32, #tpu.memory_space<vmem>> -> memref<1x32xf32, #tpu.memory_space<vmem>>
      %dma_wait3A_77 = tpu.memref_squeeze %dma_wait3A_76 : memref<1x32xf32, #tpu.memory_space<vmem>> -> memref<32xf32, #tpu.memory_space<vmem>>
      %dma_wait3A_78 = arith.constant 0 : i32
      %dma_wait3A_79 = tpu.memref_slice %arg5[%dma_wait3A_72, %dma_wait3A_73, %dma_wait3A_78] : memref<12500x8x32xf32, #tpu.memory_space<hbm>> -> memref<1x1x32xf32, #tpu.memory_space<hbm>>
      %dma_wait3A_80 = tpu.memref_squeeze %dma_wait3A_79 : memref<1x1x32xf32, #tpu.memory_space<hbm>> -> memref<32xf32, #tpu.memory_space<hbm>>
      %dma_wait3A_81 = arith.constant 0 : i32
      %dma_wait3A_82 = tpu.memref_slice %arg9[%dma_wait3A_74, %dma_wait3A_81] : memref<512x32xf32, #tpu.memory_space<vmem>> -> memref<1x32xf32, #tpu.memory_space<vmem>>
      %dma_wait3A_83 = tpu.memref_squeeze %dma_wait3A_82 : memref<1x32xf32, #tpu.memory_space<vmem>> -> memref<32xf32, #tpu.memory_space<vmem>>
      %dma_wait3A_84 = arith.constant 0 : i32
      %dma_wait3A_85 = tpu.memref_slice %arg5[%dma_wait3A_72, %dma_wait3A_73, %dma_wait3A_84] : memref<12500x8x32xf32, #tpu.memory_space<hbm>> -> memref<1x1x32xf32, #tpu.memory_space<hbm>>
      %dma_wait3A_86 = tpu.memref_squeeze %dma_wait3A_85 : memref<1x1x32xf32, #tpu.memory_space<hbm>> -> memref<32xf32, #tpu.memory_space<hbm>>
      tpu.wait_dma2 semaphore(%arg10 : memref<!tpu.dma_semaphore, #tpu.memory_space<semaphore_mem>>) src(%dma_wait3A_86 : memref<32xf32, #tpu.memory_space<hbm>>) dst(%dma_wait3A_83 : memref<32xf32, #tpu.memory_space<vmem>>)
      %dma_wait3A_87 = arith.constant 0 : i32
      %dma_wait3A_88 = arith.constant 0 : i32
      %dma_wait3A_89 = arith.constant 0 : i32
      %dma_wait3A_90 = arith.constant 0 : i32
      %dma_wait3A_91 = tpu.memref_slice %arg9[%dma_wait3A_89, %dma_wait3A_90] : memref<512x32xf32, #tpu.memory_space<vmem>> -> memref<1x32xf32, #tpu.memory_space<vmem>>
      %dma_wait3A_92 = tpu.memref_squeeze %dma_wait3A_91 : memref<1x32xf32, #tpu.memory_space<vmem>> -> memref<32xf32, #tpu.memory_space<vmem>>
      %dma_wait3A_93 = arith.constant 0 : i32
      %dma_wait3A_94 = tpu.memref_slice %arg5[%dma_wait3A_87, %dma_wait3A_88, %dma_wait3A_93] : memref<12500x8x32xf32, #tpu.memory_space<hbm>> -> memref<1x1x32xf32, #tpu.memory_space<hbm>>
      %dma_wait3A_95 = tpu.memref_squeeze %dma_wait3A_94 : memref<1x1x32xf32, #tpu.memory_space<hbm>> -> memref<32xf32, #tpu.memory_space<hbm>>
      %dma_wait3A_96 = arith.constant 0 : i32
      %dma_wait3A_97 = tpu.memref_slice %arg9[%dma_wait3A_89, %dma_wait3A_96] : memref<512x32xf32, #tpu.memory_space<vmem>> -> memref<1x32xf32, #tpu.memory_space<vmem>>
      %dma_wait3A_98 = tpu.memref_squeeze %dma_wait3A_97 : memref<1x32xf32, #tpu.memory_space<vmem>> -> memref<32xf32, #tpu.memory_space<vmem>>
      %dma_wait3A_99 = arith.constant 0 : i32
      %dma_wait3A_100 = tpu.memref_slice %arg5[%dma_wait3A_87, %dma_wait3A_88, %dma_wait3A_99] : memref<12500x8x32xf32, #tpu.memory_space<hbm>> -> memref<1x1x32xf32, #tpu.memory_space<hbm>>
      %dma_wait3A_101 = tpu.memref_squeeze %dma_wait3A_100 : memref<1x1x32xf32, #tpu.memory_space<hbm>> -> memref<32xf32, #tpu.memory_space<hbm>>
      tpu.wait_dma2 semaphore(%arg10 : memref<!tpu.dma_semaphore, #tpu.memory_space<semaphore_mem>>) src(%dma_wait3A_101 : memref<32xf32, #tpu.memory_space<hbm>>) dst(%dma_wait3A_98 : memref<32xf32, #tpu.memory_space<vmem>>)
      %dma_wait3A_102 = arith.constant 0 : i32
      %dma_wait3A_103 = arith.constant 0 : i32
      %dma_wait3A_104 = arith.constant 0 : i32
      %dma_wait3A_105 = arith.constant 0 : i32
      %dma_wait3A_106 = tpu.memref_slice %arg9[%dma_wait3A_104, %dma_wait3A_105] : memref<512x32xf32, #tpu.memory_space<vmem>> -> memref<1x32xf32, #tpu.memory_space<vmem>>
      %dma_wait3A_107 = tpu.memref_squeeze %dma_wait3A_106 : memref<1x32xf32, #tpu.memory_space<vmem>> -> memref<32xf32, #tpu.memory_space<vmem>>
      %dma_wait3A_108 = arith.constant 0 : i32
      %dma_wait3A_109 = tpu.memref_slice %arg5[%dma_wait3A_102, %dma_wait3A_103, %dma_wait3A_108] : memref<12500x8x32xf32, #tpu.memory_space<hbm>> -> memref<1x1x32xf32, #tpu.memory_space<hbm>>
      %dma_wait3A_110 = tpu.memref_squeeze %dma_wait3A_109 : memref<1x1x32xf32, #tpu.memory_space<hbm>> -> memref<32xf32, #tpu.memory_space<hbm>>
      %dma_wait3A_111 = arith.constant 0 : i32
      %dma_wait3A_112 = tpu.memref_slice %arg9[%dma_wait3A_104, %dma_wait3A_111] : memref<512x32xf32, #tpu.memory_space<vmem>> -> memref<1x32xf32, #tpu.memory_space<vmem>>
      %dma_wait3A_113 = tpu.memref_squeeze %dma_wait3A_112 : memref<1x32xf32, #tpu.memory_space<vmem>> -> memref<32xf32, #tpu.memory_space<vmem>>
      %dma_wait3A_114 = arith.constant 0 : i32
      %dma_wait3A_115 = tpu.memref_slice %arg5[%dma_wait3A_102, %dma_wait3A_103, %dma_wait3A_114] : memref<12500x8x32xf32, #tpu.memory_space<hbm>> -> memref<1x1x32xf32, #tpu.memory_space<hbm>>
      %dma_wait3A_116 = tpu.memref_squeeze %dma_wait3A_115 : memref<1x1x32xf32, #tpu.memory_space<hbm>> -> memref<32xf32, #tpu.memory_space<hbm>>
      tpu.wait_dma2 semaphore(%arg10 : memref<!tpu.dma_semaphore, #tpu.memory_space<semaphore_mem>>) src(%dma_wait3A_116 : memref<32xf32, #tpu.memory_space<hbm>>) dst(%dma_wait3A_113 : memref<32xf32, #tpu.memory_space<vmem>>)
      %dma_wait3A_117 = arith.constant 0 : i32
      %dma_wait3A_118 = arith.constant 0 : i32
      %dma_wait3A_119 = arith.constant 0 : i32
      %dma_wait3A_120 = arith.constant 0 : i32
      %dma_wait3A_121 = tpu.memref_slice %arg9[%dma_wait3A_119, %dma_wait3A_120] : memref<512x32xf32, #tpu.memory_space<vmem>> -> memref<1x32xf32, #tpu.memory_space<vmem>>
      %dma_wait3A_122 = tpu.memref_squeeze %dma_wait3A_121 : memref<1x32xf32, #tpu.memory_space<vmem>> -> memref<32xf32, #tpu.memory_space<vmem>>
      %dma_wait3A_123 = arith.constant 0 : i32
      %dma_wait3A_124 = tpu.memref_slice %arg5[%dma_wait3A_117, %dma_wait3A_118, %dma_wait3A_123] : memref<12500x8x32xf32, #tpu.memory_space<hbm>> -> memref<1x1x32xf32, #tpu.memory_space<hbm>>
      %dma_wait3A_125 = tpu.memref_squeeze %dma_wait3A_124 : memref<1x1x32xf32, #tpu.memory_space<hbm>> -> memref<32xf32, #tpu.memory_space<hbm>>
      %dma_wait3A_126 = arith.constant 0 : i32
      %dma_wait3A_127 = tpu.memref_slice %arg9[%dma_wait3A_119, %dma_wait3A_126] : memref<512x32xf32, #tpu.memory_space<vmem>> -> memref<1x32xf32, #tpu.memory_space<vmem>>
      %dma_wait3A_128 = tpu.memref_squeeze %dma_wait3A_127 : memref<1x32xf32, #tpu.memory_space<vmem>> -> memref<32xf32, #tpu.memory_space<vmem>>
      %dma_wait3A_129 = arith.constant 0 : i32
      %dma_wait3A_130 = tpu.memref_slice %arg5[%dma_wait3A_117, %dma_wait3A_118, %dma_wait3A_129] : memref<12500x8x32xf32, #tpu.memory_space<hbm>> -> memref<1x1x32xf32, #tpu.memory_space<hbm>>
      %dma_wait3A_131 = tpu.memref_squeeze %dma_wait3A_130 : memref<1x1x32xf32, #tpu.memory_space<hbm>> -> memref<32xf32, #tpu.memory_space<hbm>>
      tpu.wait_dma2 semaphore(%arg10 : memref<!tpu.dma_semaphore, #tpu.memory_space<semaphore_mem>>) src(%dma_wait3A_131 : memref<32xf32, #tpu.memory_space<hbm>>) dst(%dma_wait3A_128 : memref<32xf32, #tpu.memory_space<vmem>>)
      %dma_wait3A_132 = arith.constant 0 : i32
      %dma_wait3A_133 = arith.constant 0 : i32
      %dma_wait3A_134 = arith.constant 0 : i32
      %dma_wait3A_135 = arith.constant 0 : i32
      %dma_wait3A_136 = tpu.memref_slice %arg9[%dma_wait3A_134, %dma_wait3A_135] : memref<512x32xf32, #tpu.memory_space<vmem>> -> memref<1x32xf32, #tpu.memory_space<vmem>>
      %dma_wait3A_137 = tpu.memref_squeeze %dma_wait3A_136 : memref<1x32xf32, #tpu.memory_space<vmem>> -> memref<32xf32, #tpu.memory_space<vmem>>
      %dma_wait3A_138 = arith.constant 0 : i32
      %dma_wait3A_139 = tpu.memref_slice %arg5[%dma_wait3A_132, %dma_wait3A_133, %dma_wait3A_138] : memref<12500x8x32xf32, #tpu.memory_space<hbm>> -> memref<1x1x32xf32, #tpu.memory_space<hbm>>
      %dma_wait3A_140 = tpu.memref_squeeze %dma_wait3A_139 : memref<1x1x32xf32, #tpu.memory_space<hbm>> -> memref<32xf32, #tpu.memory_space<hbm>>
      %dma_wait3A_141 = arith.constant 0 : i32
      %dma_wait3A_142 = tpu.memref_slice %arg9[%dma_wait3A_134, %dma_wait3A_141] : memref<512x32xf32, #tpu.memory_space<vmem>> -> memref<1x32xf32, #tpu.memory_space<vmem>>
      %dma_wait3A_143 = tpu.memref_squeeze %dma_wait3A_142 : memref<1x32xf32, #tpu.memory_space<vmem>> -> memref<32xf32, #tpu.memory_space<vmem>>
      %dma_wait3A_144 = arith.constant 0 : i32
      %dma_wait3A_145 = tpu.memref_slice %arg5[%dma_wait3A_132, %dma_wait3A_133, %dma_wait3A_144] : memref<12500x8x32xf32, #tpu.memory_space<hbm>> -> memref<1x1x32xf32, #tpu.memory_space<hbm>>
      %dma_wait3A_146 = tpu.memref_squeeze %dma_wait3A_145 : memref<1x1x32xf32, #tpu.memory_space<hbm>> -> memref<32xf32, #tpu.memory_space<hbm>>
      tpu.wait_dma2 semaphore(%arg10 : memref<!tpu.dma_semaphore, #tpu.memory_space<semaphore_mem>>) src(%dma_wait3A_146 : memref<32xf32, #tpu.memory_space<hbm>>) dst(%dma_wait3A_143 : memref<32xf32, #tpu.memory_space<vmem>>)
      %dma_wait3A_147 = arith.constant 0 : i32
      %dma_wait3A_148 = arith.constant 0 : i32
      %dma_wait3A_149 = arith.constant 0 : i32
      %dma_wait3A_150 = arith.constant 0 : i32
      %dma_wait3A_151 = tpu.memref_slice %arg9[%dma_wait3A_149, %dma_wait3A_150] : memref<512x32xf32, #tpu.memory_space<vmem>> -> memref<1x32xf32, #tpu.memory_space<vmem>>
      %dma_wait3A_152 = tpu.memref_squeeze %dma_wait3A_151 : memref<1x32xf32, #tpu.memory_space<vmem>> -> memref<32xf32, #tpu.memory_space<vmem>>
      %dma_wait3A_153 = arith.constant 0 : i32
      %dma_wait3A_154 = tpu.memref_slice %arg5[%dma_wait3A_147, %dma_wait3A_148, %dma_wait3A_153] : memref<12500x8x32xf32, #tpu.memory_space<hbm>> -> memref<1x1x32xf32, #tpu.memory_space<hbm>>
      %dma_wait3A_155 = tpu.memref_squeeze %dma_wait3A_154 : memref<1x1x32xf32, #tpu.memory_space<hbm>> -> memref<32xf32, #tpu.memory_space<hbm>>
      %dma_wait3A_156 = arith.constant 0 : i32
      %dma_wait3A_157 = tpu.memref_slice %arg9[%dma_wait3A_149, %dma_wait3A_156] : memref<512x32xf32, #tpu.memory_space<vmem>> -> memref<1x32xf32, #tpu.memory_space<vmem>>
      %dma_wait3A_158 = tpu.memref_squeeze %dma_wait3A_157 : memref<1x32xf32, #tpu.memory_space<vmem>> -> memref<32xf32, #tpu.memory_space<vmem>>
      %dma_wait3A_159 = arith.constant 0 : i32
      %dma_wait3A_160 = tpu.memref_slice %arg5[%dma_wait3A_147, %dma_wait3A_148, %dma_wait3A_159] : memref<12500x8x32xf32, #tpu.memory_space<hbm>> -> memref<1x1x32xf32, #tpu.memory_space<hbm>>
      %dma_wait3A_161 = tpu.memref_squeeze %dma_wait3A_160 : memref<1x1x32xf32, #tpu.memory_space<hbm>> -> memref<32xf32, #tpu.memory_space<hbm>>
      tpu.wait_dma2 semaphore(%arg10 : memref<!tpu.dma_semaphore, #tpu.memory_space<semaphore_mem>>) src(%dma_wait3A_161 : memref<32xf32, #tpu.memory_space<hbm>>) dst(%dma_wait3A_158 : memref<32xf32, #tpu.memory_space<vmem>>)
      %dma_wait3A_162 = arith.constant 0 : i32
      %dma_wait3A_163 = arith.constant 0 : i32
      %dma_wait3A_164 = arith.constant 0 : i32
      %dma_wait3A_165 = arith.constant 0 : i32
      %dma_wait3A_166 = tpu.memref_slice %arg9[%dma_wait3A_164, %dma_wait3A_165] : memref<512x32xf32, #tpu.memory_space<vmem>> -> memref<1x32xf32, #tpu.memory_space<vmem>>
      %dma_wait3A_167 = tpu.memref_squeeze %dma_wait3A_166 : memref<1x32xf32, #tpu.memory_space<vmem>> -> memref<32xf32, #tpu.memory_space<vmem>>
      %dma_wait3A_168 = arith.constant 0 : i32
      %dma_wait3A_169 = tpu.memref_slice %arg5[%dma_wait3A_162, %dma_wait3A_163, %dma_wait3A_168] : memref<12500x8x32xf32, #tpu.memory_space<hbm>> -> memref<1x1x32xf32, #tpu.memory_space<hbm>>
      %dma_wait3A_170 = tpu.memref_squeeze %dma_wait3A_169 : memref<1x1x32xf32, #tpu.memory_space<hbm>> -> memref<32xf32, #tpu.memory_space<hbm>>
      %dma_wait3A_171 = arith.constant 0 : i32
      %dma_wait3A_172 = tpu.memref_slice %arg9[%dma_wait3A_164, %dma_wait3A_171] : memref<512x32xf32, #tpu.memory_space<vmem>> -> memref<1x32xf32, #tpu.memory_space<vmem>>
      %dma_wait3A_173 = tpu.memref_squeeze %dma_wait3A_172 : memref<1x32xf32, #tpu.memory_space<vmem>> -> memref<32xf32, #tpu.memory_space<vmem>>
      %dma_wait3A_174 = arith.constant 0 : i32
      %dma_wait3A_175 = tpu.memref_slice %arg5[%dma_wait3A_162, %dma_wait3A_163, %dma_wait3A_174] : memref<12500x8x32xf32, #tpu.memory_space<hbm>> -> memref<1x1x32xf32, #tpu.memory_space<hbm>>
      %dma_wait3A_176 = tpu.memref_squeeze %dma_wait3A_175 : memref<1x1x32xf32, #tpu.memory_space<hbm>> -> memref<32xf32, #tpu.memory_space<hbm>>
      tpu.wait_dma2 semaphore(%arg10 : memref<!tpu.dma_semaphore, #tpu.memory_space<semaphore_mem>>) src(%dma_wait3A_176 : memref<32xf32, #tpu.memory_space<hbm>>) dst(%dma_wait3A_173 : memref<32xf32, #tpu.memory_space<vmem>>)
      %dma_wait3A_177 = arith.constant 0 : i32
      %dma_wait3A_178 = arith.constant 0 : i32
      %dma_wait3A_179 = arith.constant 0 : i32
      %dma_wait3A_180 = arith.constant 0 : i32
      %dma_wait3A_181 = tpu.memref_slice %arg9[%dma_wait3A_179, %dma_wait3A_180] : memref<512x32xf32, #tpu.memory_space<vmem>> -> memref<1x32xf32, #tpu.memory_space<vmem>>
      %dma_wait3A_182 = tpu.memref_squeeze %dma_wait3A_181 : memref<1x32xf32, #tpu.memory_space<vmem>> -> memref<32xf32, #tpu.memory_space<vmem>>
      %dma_wait3A_183 = arith.constant 0 : i32
      %dma_wait3A_184 = tpu.memref_slice %arg5[%dma_wait3A_177, %dma_wait3A_178, %dma_wait3A_183] : memref<12500x8x32xf32, #tpu.memory_space<hbm>> -> memref<1x1x32xf32, #tpu.memory_space<hbm>>
      %dma_wait3A_185 = tpu.memref_squeeze %dma_wait3A_184 : memref<1x1x32xf32, #tpu.memory_space<hbm>> -> memref<32xf32, #tpu.memory_space<hbm>>
      %dma_wait3A_186 = arith.constant 0 : i32
      %dma_wait3A_187 = tpu.memref_slice %arg9[%dma_wait3A_179, %dma_wait3A_186] : memref<512x32xf32, #tpu.memory_space<vmem>> -> memref<1x32xf32, #tpu.memory_space<vmem>>
      %dma_wait3A_188 = tpu.memref_squeeze %dma_wait3A_187 : memref<1x32xf32, #tpu.memory_space<vmem>> -> memref<32xf32, #tpu.memory_space<vmem>>
      %dma_wait3A_189 = arith.constant 0 : i32
      %dma_wait3A_190 = tpu.memref_slice %arg5[%dma_wait3A_177, %dma_wait3A_178, %dma_wait3A_189] : memref<12500x8x32xf32, #tpu.memory_space<hbm>> -> memref<1x1x32xf32, #tpu.memory_space<hbm>>
      %dma_wait3A_191 = tpu.memref_squeeze %dma_wait3A_190 : memref<1x1x32xf32, #tpu.memory_space<hbm>> -> memref<32xf32, #tpu.memory_space<hbm>>
      tpu.wait_dma2 semaphore(%arg10 : memref<!tpu.dma_semaphore, #tpu.memory_space<semaphore_mem>>) src(%dma_wait3A_191 : memref<32xf32, #tpu.memory_space<hbm>>) dst(%dma_wait3A_188 : memref<32xf32, #tpu.memory_space<vmem>>)
      %dma_wait3A_192 = arith.constant 0 : i32
      %dma_wait3A_193 = arith.constant 0 : i32
      %dma_wait3A_194 = arith.constant 0 : i32
      %dma_wait3A_195 = arith.constant 0 : i32
      %dma_wait3A_196 = tpu.memref_slice %arg9[%dma_wait3A_194, %dma_wait3A_195] : memref<512x32xf32, #tpu.memory_space<vmem>> -> memref<1x32xf32, #tpu.memory_space<vmem>>
      %dma_wait3A_197 = tpu.memref_squeeze %dma_wait3A_196 : memref<1x32xf32, #tpu.memory_space<vmem>> -> memref<32xf32, #tpu.memory_space<vmem>>
      %dma_wait3A_198 = arith.constant 0 : i32
      %dma_wait3A_199 = tpu.memref_slice %arg5[%dma_wait3A_192, %dma_wait3A_193, %dma_wait3A_198] : memref<12500x8x32xf32, #tpu.memory_space<hbm>> -> memref<1x1x32xf32, #tpu.memory_space<hbm>>
      %dma_wait3A_200 = tpu.memref_squeeze %dma_wait3A_199 : memref<1x1x32xf32, #tpu.memory_space<hbm>> -> memref<32xf32, #tpu.memory_space<hbm>>
      %dma_wait3A_201 = arith.constant 0 : i32
      %dma_wait3A_202 = tpu.memref_slice %arg9[%dma_wait3A_194, %dma_wait3A_201] : memref<512x32xf32, #tpu.memory_space<vmem>> -> memref<1x32xf32, #tpu.memory_space<vmem>>
      %dma_wait3A_203 = tpu.memref_squeeze %dma_wait3A_202 : memref<1x32xf32, #tpu.memory_space<vmem>> -> memref<32xf32, #tpu.memory_space<vmem>>
      %dma_wait3A_204 = arith.constant 0 : i32
      %dma_wait3A_205 = tpu.memref_slice %arg5[%dma_wait3A_192, %dma_wait3A_193, %dma_wait3A_204] : memref<12500x8x32xf32, #tpu.memory_space<hbm>> -> memref<1x1x32xf32, #tpu.memory_space<hbm>>
      %dma_wait3A_206 = tpu.memref_squeeze %dma_wait3A_205 : memref<1x1x32xf32, #tpu.memory_space<hbm>> -> memref<32xf32, #tpu.memory_space<hbm>>
      tpu.wait_dma2 semaphore(%arg10 : memref<!tpu.dma_semaphore, #tpu.memory_space<semaphore_mem>>) src(%dma_wait3A_206 : memref<32xf32, #tpu.memory_space<hbm>>) dst(%dma_wait3A_203 : memref<32xf32, #tpu.memory_space<vmem>>)
      %dma_wait3A_207 = arith.constant 0 : i32
      %dma_wait3A_208 = arith.constant 0 : i32
      %dma_wait3A_209 = arith.constant 0 : i32
      %dma_wait3A_210 = arith.constant 0 : i32
      %dma_wait3A_211 = tpu.memref_slice %arg9[%dma_wait3A_209, %dma_wait3A_210] : memref<512x32xf32, #tpu.memory_space<vmem>> -> memref<1x32xf32, #tpu.memory_space<vmem>>
      %dma_wait3A_212 = tpu.memref_squeeze %dma_wait3A_211 : memref<1x32xf32, #tpu.memory_space<vmem>> -> memref<32xf32, #tpu.memory_space<vmem>>
      %dma_wait3A_213 = arith.constant 0 : i32
      %dma_wait3A_214 = tpu.memref_slice %arg5[%dma_wait3A_207, %dma_wait3A_208, %dma_wait3A_213] : memref<12500x8x32xf32, #tpu.memory_space<hbm>> -> memref<1x1x32xf32, #tpu.memory_space<hbm>>
      %dma_wait3A_215 = tpu.memref_squeeze %dma_wait3A_214 : memref<1x1x32xf32, #tpu.memory_space<hbm>> -> memref<32xf32, #tpu.memory_space<hbm>>
      %dma_wait3A_216 = arith.constant 0 : i32
      %dma_wait3A_217 = tpu.memref_slice %arg9[%dma_wait3A_209, %dma_wait3A_216] : memref<512x32xf32, #tpu.memory_space<vmem>> -> memref<1x32xf32, #tpu.memory_space<vmem>>
      %dma_wait3A_218 = tpu.memref_squeeze %dma_wait3A_217 : memref<1x32xf32, #tpu.memory_space<vmem>> -> memref<32xf32, #tpu.memory_space<vmem>>
      %dma_wait3A_219 = arith.constant 0 : i32
      %dma_wait3A_220 = tpu.memref_slice %arg5[%dma_wait3A_207, %dma_wait3A_208, %dma_wait3A_219] : memref<12500x8x32xf32, #tpu.memory_space<hbm>> -> memref<1x1x32xf32, #tpu.memory_space<hbm>>
      %dma_wait3A_221 = tpu.memref_squeeze %dma_wait3A_220 : memref<1x1x32xf32, #tpu.memory_space<hbm>> -> memref<32xf32, #tpu.memory_space<hbm>>
      tpu.wait_dma2 semaphore(%arg10 : memref<!tpu.dma_semaphore, #tpu.memory_space<semaphore_mem>>) src(%dma_wait3A_221 : memref<32xf32, #tpu.memory_space<hbm>>) dst(%dma_wait3A_218 : memref<32xf32, #tpu.memory_space<vmem>>)
      %dma_wait3A_222 = arith.constant 0 : i32
      %dma_wait3A_223 = arith.constant 0 : i32
      %dma_wait3A_224 = arith.constant 0 : i32
      %dma_wait3A_225 = arith.constant 0 : i32
      %dma_wait3A_226 = tpu.memref_slice %arg9[%dma_wait3A_224, %dma_wait3A_225] : memref<512x32xf32, #tpu.memory_space<vmem>> -> memref<1x32xf32, #tpu.memory_space<vmem>>
      %dma_wait3A_227 = tpu.memref_squeeze %dma_wait3A_226 : memref<1x32xf32, #tpu.memory_space<vmem>> -> memref<32xf32, #tpu.memory_space<vmem>>
      %dma_wait3A_228 = arith.constant 0 : i32
      %dma_wait3A_229 = tpu.memref_slice %arg5[%dma_wait3A_222, %dma_wait3A_223, %dma_wait3A_228] : memref<12500x8x32xf32, #tpu.memory_space<hbm>> -> memref<1x1x32xf32, #tpu.memory_space<hbm>>
      %dma_wait3A_230 = tpu.memref_squeeze %dma_wait3A_229 : memref<1x1x32xf32, #tpu.memory_space<hbm>> -> memref<32xf32, #tpu.memory_space<hbm>>
      %dma_wait3A_231 = arith.constant 0 : i32
      %dma_wait3A_232 = tpu.memref_slice %arg9[%dma_wait3A_224, %dma_wait3A_231] : memref<512x32xf32, #tpu.memory_space<vmem>> -> memref<1x32xf32, #tpu.memory_space<vmem>>
      %dma_wait3A_233 = tpu.memref_squeeze %dma_wait3A_232 : memref<1x32xf32, #tpu.memory_space<vmem>> -> memref<32xf32, #tpu.memory_space<vmem>>
      %dma_wait3A_234 = arith.constant 0 : i32
      %dma_wait3A_235 = tpu.memref_slice %arg5[%dma_wait3A_222, %dma_wait3A_223, %dma_wait3A_234] : memref<12500x8x32xf32, #tpu.memory_space<hbm>> -> memref<1x1x32xf32, #tpu.memory_space<hbm>>
      %dma_wait3A_236 = tpu.memref_squeeze %dma_wait3A_235 : memref<1x1x32xf32, #tpu.memory_space<hbm>> -> memref<32xf32, #tpu.memory_space<hbm>>
      tpu.wait_dma2 semaphore(%arg10 : memref<!tpu.dma_semaphore, #tpu.memory_space<semaphore_mem>>) src(%dma_wait3A_236 : memref<32xf32, #tpu.memory_space<hbm>>) dst(%dma_wait3A_233 : memref<32xf32, #tpu.memory_space<vmem>>)
      %dma_wait3A_237 = arith.constant 0 : i32
      %dma_wait3A_238 = arith.constant 0 : i32
      %dma_wait3A_239 = arith.constant 0 : i32
      %dma_wait3A_240 = arith.constant 0 : i32
      %dma_wait3A_241 = tpu.memref_slice %arg9[%dma_wait3A_239, %dma_wait3A_240] : memref<512x32xf32, #tpu.memory_space<vmem>> -> memref<1x32xf32, #tpu.memory_space<vmem>>
      %dma_wait3A_242 = tpu.memref_squeeze %dma_wait3A_241 : memref<1x32xf32, #tpu.memory_space<vmem>> -> memref<32xf32, #tpu.memory_space<vmem>>
      %dma_wait3A_243 = arith.constant 0 : i32
      %dma_wait3A_244 = tpu.memref_slice %arg5[%dma_wait3A_237, %dma_wait3A_238, %dma_wait3A_243] : memref<12500x8x32xf32, #tpu.memory_space<hbm>> -> memref<1x1x32xf32, #tpu.memory_space<hbm>>
      %dma_wait3A_245 = tpu.memref_squeeze %dma_wait3A_244 : memref<1x1x32xf32, #tpu.memory_space<hbm>> -> memref<32xf32, #tpu.memory_space<hbm>>
      %dma_wait3A_246 = arith.constant 0 : i32
      %dma_wait3A_247 = tpu.memref_slice %arg9[%dma_wait3A_239, %dma_wait3A_246] : memref<512x32xf32, #tpu.memory_space<vmem>> -> memref<1x32xf32, #tpu.memory_space<vmem>>
      %dma_wait3A_248 = tpu.memref_squeeze %dma_wait3A_247 : memref<1x32xf32, #tpu.memory_space<vmem>> -> memref<32xf32, #tpu.memory_space<vmem>>
      %dma_wait3A_249 = arith.constant 0 : i32
      %dma_wait3A_250 = tpu.memref_slice %arg5[%dma_wait3A_237, %dma_wait3A_238, %dma_wait3A_249] : memref<12500x8x32xf32, #tpu.memory_space<hbm>> -> memref<1x1x32xf32, #tpu.memory_space<hbm>>
      %dma_wait3A_251 = tpu.memref_squeeze %dma_wait3A_250 : memref<1x1x32xf32, #tpu.memory_space<hbm>> -> memref<32xf32, #tpu.memory_space<hbm>>
      tpu.wait_dma2 semaphore(%arg10 : memref<!tpu.dma_semaphore, #tpu.memory_space<semaphore_mem>>) src(%dma_wait3A_251 : memref<32xf32, #tpu.memory_space<hbm>>) dst(%dma_wait3A_248 : memref<32xf32, #tpu.memory_space<vmem>>)
      %dma_wait3A_252 = arith.constant 0 : i32
      %dma_wait3A_253 = arith.constant 0 : i32
      %dma_wait3A_254 = arith.constant 0 : i32
      %dma_wait3A_255 = arith.constant 0 : i32
      %dma_wait3A_256 = tpu.memref_slice %arg9[%dma_wait3A_254, %dma_wait3A_255] : memref<512x32xf32, #tpu.memory_space<vmem>> -> memref<1x32xf32, #tpu.memory_space<vmem>>
      %dma_wait3A_257 = tpu.memref_squeeze %dma_wait3A_256 : memref<1x32xf32, #tpu.memory_space<vmem>> -> memref<32xf32, #tpu.memory_space<vmem>>
      %dma_wait3A_258 = arith.constant 0 : i32
      %dma_wait3A_259 = tpu.memref_slice %arg5[%dma_wait3A_252, %dma_wait3A_253, %dma_wait3A_258] : memref<12500x8x32xf32, #tpu.memory_space<hbm>> -> memref<1x1x32xf32, #tpu.memory_space<hbm>>
      %dma_wait3A_260 = tpu.memref_squeeze %dma_wait3A_259 : memref<1x1x32xf32, #tpu.memory_space<hbm>> -> memref<32xf32, #tpu.memory_space<hbm>>
      %dma_wait3A_261 = arith.constant 0 : i32
      %dma_wait3A_262 = tpu.memref_slice %arg9[%dma_wait3A_254, %dma_wait3A_261] : memref<512x32xf32, #tpu.memory_space<vmem>> -> memref<1x32xf32, #tpu.memory_space<vmem>>
      %dma_wait3A_263 = tpu.memref_squeeze %dma_wait3A_262 : memref<1x32xf32, #tpu.memory_space<vmem>> -> memref<32xf32, #tpu.memory_space<vmem>>
      %dma_wait3A_264 = arith.constant 0 : i32
      %dma_wait3A_265 = tpu.memref_slice %arg5[%dma_wait3A_252, %dma_wait3A_253, %dma_wait3A_264] : memref<12500x8x32xf32, #tpu.memory_space<hbm>> -> memref<1x1x32xf32, #tpu.memory_space<hbm>>
      %dma_wait3A_266 = tpu.memref_squeeze %dma_wait3A_265 : memref<1x1x32xf32, #tpu.memory_space<hbm>> -> memref<32xf32, #tpu.memory_space<hbm>>
      tpu.wait_dma2 semaphore(%arg10 : memref<!tpu.dma_semaphore, #tpu.memory_space<semaphore_mem>>) src(%dma_wait3A_266 : memref<32xf32, #tpu.memory_space<hbm>>) dst(%dma_wait3A_263 : memref<32xf32, #tpu.memory_space<vmem>>)
      %dma_wait3A_267 = arith.constant 0 : i32
      %dma_wait3A_268 = arith.constant 0 : i32
      %dma_wait3A_269 = arith.constant 0 : i32
      %dma_wait3A_270 = arith.constant 0 : i32
      %dma_wait3A_271 = tpu.memref_slice %arg9[%dma_wait3A_269, %dma_wait3A_270] : memref<512x32xf32, #tpu.memory_space<vmem>> -> memref<1x32xf32, #tpu.memory_space<vmem>>
      %dma_wait3A_272 = tpu.memref_squeeze %dma_wait3A_271 : memref<1x32xf32, #tpu.memory_space<vmem>> -> memref<32xf32, #tpu.memory_space<vmem>>
      %dma_wait3A_273 = arith.constant 0 : i32
      %dma_wait3A_274 = tpu.memref_slice %arg5[%dma_wait3A_267, %dma_wait3A_268, %dma_wait3A_273] : memref<12500x8x32xf32, #tpu.memory_space<hbm>> -> memref<1x1x32xf32, #tpu.memory_space<hbm>>
      %dma_wait3A_275 = tpu.memref_squeeze %dma_wait3A_274 : memref<1x1x32xf32, #tpu.memory_space<hbm>> -> memref<32xf32, #tpu.memory_space<hbm>>
      %dma_wait3A_276 = arith.constant 0 : i32
      %dma_wait3A_277 = tpu.memref_slice %arg9[%dma_wait3A_269, %dma_wait3A_276] : memref<512x32xf32, #tpu.memory_space<vmem>> -> memref<1x32xf32, #tpu.memory_space<vmem>>
      %dma_wait3A_278 = tpu.memref_squeeze %dma_wait3A_277 : memref<1x32xf32, #tpu.memory_space<vmem>> -> memref<32xf32, #tpu.memory_space<vmem>>
      %dma_wait3A_279 = arith.constant 0 : i32
      %dma_wait3A_280 = tpu.memref_slice %arg5[%dma_wait3A_267, %dma_wait3A_268, %dma_wait3A_279] : memref<12500x8x32xf32, #tpu.memory_space<hbm>> -> memref<1x1x32xf32, #tpu.memory_space<hbm>>
      %dma_wait3A_281 = tpu.memref_squeeze %dma_wait3A_280 : memref<1x1x32xf32, #tpu.memory_space<hbm>> -> memref<32xf32, #tpu.memory_space<hbm>>
      tpu.wait_dma2 semaphore(%arg10 : memref<!tpu.dma_semaphore, #tpu.memory_space<semaphore_mem>>) src(%dma_wait3A_281 : memref<32xf32, #tpu.memory_space<hbm>>) dst(%dma_wait3A_278 : memref<32xf32, #tpu.memory_space<vmem>>)
    }
    %scan3A_32 = arith.constant 32 : i32
    %dma_start3A_33 = arith.constant 0 : i32
    %dma_start3A_34 = tpu.memref_slice %arg7[%mul3A_22, %dma_start3A_33] : memref<16384x32xf32, #tpu.memory_space<hbm>> -> memref<512x32xf32, #tpu.memory_space<hbm>>
    %dma_start3A_35 = arith.constant 0 : i32
    %dma_start3A_36 = tpu.memref_slice %arg7[%mul3A_22, %dma_start3A_35] : memref<16384x32xf32, #tpu.memory_space<hbm>> -> memref<512x32xf32, #tpu.memory_space<hbm>>
    tpu.enqueue_dma source(%arg9 : memref<512x32xf32, #tpu.memory_space<vmem>>) target(%dma_start3A_36 : memref<512x32xf32, #tpu.memory_space<hbm>>) target_semaphore(%arg11 : memref<!tpu.dma_semaphore, #tpu.memory_space<semaphore_mem>>)
    %dma_wait3A_37 = arith.constant 0 : i32
    %dma_wait3A_38 = tpu.memref_slice %arg7[%mul3A_22, %dma_wait3A_37] : memref<16384x32xf32, #tpu.memory_space<hbm>> -> memref<512x32xf32, #tpu.memory_space<hbm>>
    %dma_wait3A_39 = arith.constant 0 : i32
    %dma_wait3A_40 = tpu.memref_slice %arg7[%mul3A_22, %dma_wait3A_39] : memref<16384x32xf32, #tpu.memory_space<hbm>> -> memref<512x32xf32, #tpu.memory_space<hbm>>
    tpu.wait_dma2 semaphore(%arg11 : memref<!tpu.dma_semaphore, #tpu.memory_space<semaphore_mem>>) src(%arg9 : memref<512x32xf32, #tpu.memory_space<vmem>>) dst(%dma_wait3A_40 : memref<512x32xf32, #tpu.memory_space<hbm>>)
    return
  }
}

#map = affine_map<(d0, d1) -> (0)>
#map1 = affine_map<(d0, d1) -> (0, 0, 0)>
#map2 = affine_map<(d0, d1) -> (0, 0)>
module attributes {stable_mosaic.version = 14 : i64} {
  func.func @_gather_user(%arg0: i32, %arg1: i32, %arg2: memref<16384xi32, #tpu.memory_space<hbm>>, %arg3: memref<125000x8x32xf32, #tpu.memory_space<hbm>>, %arg4: memref<16384x32xf32, #tpu.memory_space<hbm>>, %arg5: memref<512xi32, #tpu.memory_space<vmem>>, %arg6: memref<512x32xf32, #tpu.memory_space<vmem>>, %arg7: memref<!tpu.dma_semaphore, #tpu.memory_space<semaphore_mem>>, %arg8: memref<!tpu.dma_semaphore, #tpu.memory_space<semaphore_mem>>) attributes {dimension_semantics = [#tpu.dimension_semantics<core_parallel>, #tpu.dimension_semantics<subcore_parallel>], iteration_bounds = array<i64: 2, 16>, scalar_prefetch = 0 : i64, scratch_operands = 4 : i64, tpu.core_type = #tpu.core_type<sc_vector_subcore>, window_params = [{transform_indices = #map}, {transform_indices = #map1}, {transform_indices = #map2}]} {
    %mul3A = arith.constant 2 : i32
    %mul3A_0 = arith.muli %arg1, %mul3A : i32
    %add3A = arith.addi %mul3A_0, %arg0 : i32
    %mul3A_1 = arith.constant 512 : i32
    %mul3A_2 = arith.muli %add3A, %mul3A_1 : i32
    "tpu.region"() ({
      %run_scoped3A = tpu.sem_alloc : memref<!tpu.dma_semaphore, #tpu.memory_space<semaphore_mem>>
      %dma_start3A_18 = tpu.memref_slice %arg2[%mul3A_2] : memref<16384xi32, #tpu.memory_space<hbm>> -> memref<512xi32, #tpu.memory_space<hbm>>
      %dma_start3A_19 = tpu.memref_slice %arg2[%mul3A_2] : memref<16384xi32, #tpu.memory_space<hbm>> -> memref<512xi32, #tpu.memory_space<hbm>>
      tpu.enqueue_dma source(%dma_start3A_19 : memref<512xi32, #tpu.memory_space<hbm>>) target(%arg5 : memref<512xi32, #tpu.memory_space<vmem>>) target_semaphore(%run_scoped3A : memref<!tpu.dma_semaphore, #tpu.memory_space<semaphore_mem>>)
      %dma_wait3A_20 = tpu.memref_slice %arg2[%mul3A_2] : memref<16384xi32, #tpu.memory_space<hbm>> -> memref<512xi32, #tpu.memory_space<hbm>>
      %dma_wait3A_21 = tpu.memref_slice %arg2[%mul3A_2] : memref<16384xi32, #tpu.memory_space<hbm>> -> memref<512xi32, #tpu.memory_space<hbm>>
      tpu.wait_dma2 semaphore(%run_scoped3A : memref<!tpu.dma_semaphore, #tpu.memory_space<semaphore_mem>>) src(%dma_wait3A_21 : memref<512xi32, #tpu.memory_space<hbm>>) dst(%arg5 : memref<512xi32, #tpu.memory_space<vmem>>)
      tpu.yield
    }) : () -> ()
    %scan3A = arith.constant 0 : i32
    %scan3A_3 = arith.constant 32 : i32
    %scan3A_4 = arith.addi %scan3A, %scan3A_3 : i32
    %scan3A_5 = arith.constant 1 : i32
    scf.for %scan3A_18 = %scan3A to %scan3A_4 step %scan3A_5  : i32 {
      %mul3A_19 = arith.constant 16 : i32
      %mul3A_20 = arith.muli %scan3A_18, %mul3A_19 : i32
      %get3A = arith.index_cast %mul3A_20 : i32 to index
      %get3A_21 = tpu.vector_load %arg5[%get3A] {strides = array<i32>} : memref<512xi32, #tpu.memory_space<vmem>>, vector<16xi32>,
      %slice3A = vector.extract_strided_slice %get3A_21 {offsets = [0], sizes = [1], strides = [1]} : vector<16xi32> to vector<1xi32>
      %squeeze3A = vector.extract %slice3A[0] : i32 from vector<1xi32>
      %shift_right_logical3A = arith.constant 3 : i32
      %shift_right_logical3A_22 = arith.shrui %squeeze3A, %shift_right_logical3A : i32
      %and3A = arith.constant 7 : i32
      %and3A_23 = arith.andi %squeeze3A, %and3A : i32
      %mul3A_24 = arith.constant 16 : i32
      %mul3A_25 = arith.muli %scan3A_18, %mul3A_24 : i32
      %add3A_26 = arith.constant 0 : i32
      %add3A_27 = arith.addi %mul3A_25, %add3A_26 : i32
      %dma_start3A_28 = arith.constant 0 : i32
      %dma_start3A_29 = tpu.memref_slice %arg6[%add3A_27, %dma_start3A_28] : memref<512x32xf32, #tpu.memory_space<vmem>> -> memref<1x32xf32, #tpu.memory_space<vmem>>
      %dma_start3A_30 = tpu.memref_squeeze %dma_start3A_29 : memref<1x32xf32, #tpu.memory_space<vmem>> -> memref<32xf32, #tpu.memory_space<vmem>>
      %dma_start3A_31 = arith.constant 0 : i32
      %dma_start3A_32 = tpu.memref_slice %arg3[%shift_right_logical3A_22, %and3A_23, %dma_start3A_31] : memref<125000x8x32xf32, #tpu.memory_space<hbm>> -> memref<1x1x32xf32, #tpu.memory_space<hbm>>
      %dma_start3A_33 = tpu.memref_squeeze %dma_start3A_32 : memref<1x1x32xf32, #tpu.memory_space<hbm>> -> memref<32xf32, #tpu.memory_space<hbm>>
      %dma_start3A_34 = arith.constant 0 : i32
      %dma_start3A_35 = tpu.memref_slice %arg6[%add3A_27, %dma_start3A_34] : memref<512x32xf32, #tpu.memory_space<vmem>> -> memref<1x32xf32, #tpu.memory_space<vmem>>
      %dma_start3A_36 = tpu.memref_squeeze %dma_start3A_35 : memref<1x32xf32, #tpu.memory_space<vmem>> -> memref<32xf32, #tpu.memory_space<vmem>>
      %dma_start3A_37 = arith.constant 0 : i32
      %dma_start3A_38 = tpu.memref_slice %arg3[%shift_right_logical3A_22, %and3A_23, %dma_start3A_37] : memref<125000x8x32xf32, #tpu.memory_space<hbm>> -> memref<1x1x32xf32, #tpu.memory_space<hbm>>
      %dma_start3A_39 = tpu.memref_squeeze %dma_start3A_38 : memref<1x1x32xf32, #tpu.memory_space<hbm>> -> memref<32xf32, #tpu.memory_space<hbm>>
      tpu.enqueue_dma source(%dma_start3A_39 : memref<32xf32, #tpu.memory_space<hbm>>) target(%dma_start3A_36 : memref<32xf32, #tpu.memory_space<vmem>>) target_semaphore(%arg7 : memref<!tpu.dma_semaphore, #tpu.memory_space<semaphore_mem>>)
      %slice3A_40 = vector.extract_strided_slice %get3A_21 {offsets = [1], sizes = [1], strides = [1]} : vector<16xi32> to vector<1xi32>
      %squeeze3A_41 = vector.extract %slice3A_40[0] : i32 from vector<1xi32>
      %shift_right_logical3A_42 = arith.constant 3 : i32
      %shift_right_logical3A_43 = arith.shrui %squeeze3A_41, %shift_right_logical3A_42 : i32
      %and3A_44 = arith.constant 7 : i32
      %and3A_45 = arith.andi %squeeze3A_41, %and3A_44 : i32
      %mul3A_46 = arith.constant 16 : i32
      %mul3A_47 = arith.muli %scan3A_18, %mul3A_46 : i32
      %add3A_48 = arith.constant 1 : i32
      %add3A_49 = arith.addi %mul3A_47, %add3A_48 : i32
      %dma_start3A_50 = arith.constant 0 : i32
      %dma_start3A_51 = tpu.memref_slice %arg6[%add3A_49, %dma_start3A_50] : memref<512x32xf32, #tpu.memory_space<vmem>> -> memref<1x32xf32, #tpu.memory_space<vmem>>
      %dma_start3A_52 = tpu.memref_squeeze %dma_start3A_51 : memref<1x32xf32, #tpu.memory_space<vmem>> -> memref<32xf32, #tpu.memory_space<vmem>>
      %dma_start3A_53 = arith.constant 0 : i32
      %dma_start3A_54 = tpu.memref_slice %arg3[%shift_right_logical3A_43, %and3A_45, %dma_start3A_53] : memref<125000x8x32xf32, #tpu.memory_space<hbm>> -> memref<1x1x32xf32, #tpu.memory_space<hbm>>
      %dma_start3A_55 = tpu.memref_squeeze %dma_start3A_54 : memref<1x1x32xf32, #tpu.memory_space<hbm>> -> memref<32xf32, #tpu.memory_space<hbm>>
      %dma_start3A_56 = arith.constant 0 : i32
      %dma_start3A_57 = tpu.memref_slice %arg6[%add3A_49, %dma_start3A_56] : memref<512x32xf32, #tpu.memory_space<vmem>> -> memref<1x32xf32, #tpu.memory_space<vmem>>
      %dma_start3A_58 = tpu.memref_squeeze %dma_start3A_57 : memref<1x32xf32, #tpu.memory_space<vmem>> -> memref<32xf32, #tpu.memory_space<vmem>>
      %dma_start3A_59 = arith.constant 0 : i32
      %dma_start3A_60 = tpu.memref_slice %arg3[%shift_right_logical3A_43, %and3A_45, %dma_start3A_59] : memref<125000x8x32xf32, #tpu.memory_space<hbm>> -> memref<1x1x32xf32, #tpu.memory_space<hbm>>
      %dma_start3A_61 = tpu.memref_squeeze %dma_start3A_60 : memref<1x1x32xf32, #tpu.memory_space<hbm>> -> memref<32xf32, #tpu.memory_space<hbm>>
      tpu.enqueue_dma source(%dma_start3A_61 : memref<32xf32, #tpu.memory_space<hbm>>) target(%dma_start3A_58 : memref<32xf32, #tpu.memory_space<vmem>>) target_semaphore(%arg7 : memref<!tpu.dma_semaphore, #tpu.memory_space<semaphore_mem>>)
      %slice3A_62 = vector.extract_strided_slice %get3A_21 {offsets = [2], sizes = [1], strides = [1]} : vector<16xi32> to vector<1xi32>
      %squeeze3A_63 = vector.extract %slice3A_62[0] : i32 from vector<1xi32>
      %shift_right_logical3A_64 = arith.constant 3 : i32
      %shift_right_logical3A_65 = arith.shrui %squeeze3A_63, %shift_right_logical3A_64 : i32
      %and3A_66 = arith.constant 7 : i32
      %and3A_67 = arith.andi %squeeze3A_63, %and3A_66 : i32
      %mul3A_68 = arith.constant 16 : i32
      %mul3A_69 = arith.muli %scan3A_18, %mul3A_68 : i32
      %add3A_70 = arith.constant 2 : i32
      %add3A_71 = arith.addi %mul3A_69, %add3A_70 : i32
      %dma_start3A_72 = arith.constant 0 : i32
      %dma_start3A_73 = tpu.memref_slice %arg6[%add3A_71, %dma_start3A_72] : memref<512x32xf32, #tpu.memory_space<vmem>> -> memref<1x32xf32, #tpu.memory_space<vmem>>
      %dma_start3A_74 = tpu.memref_squeeze %dma_start3A_73 : memref<1x32xf32, #tpu.memory_space<vmem>> -> memref<32xf32, #tpu.memory_space<vmem>>
      %dma_start3A_75 = arith.constant 0 : i32
      %dma_start3A_76 = tpu.memref_slice %arg3[%shift_right_logical3A_65, %and3A_67, %dma_start3A_75] : memref<125000x8x32xf32, #tpu.memory_space<hbm>> -> memref<1x1x32xf32, #tpu.memory_space<hbm>>
      %dma_start3A_77 = tpu.memref_squeeze %dma_start3A_76 : memref<1x1x32xf32, #tpu.memory_space<hbm>> -> memref<32xf32, #tpu.memory_space<hbm>>
      %dma_start3A_78 = arith.constant 0 : i32
      %dma_start3A_79 = tpu.memref_slice %arg6[%add3A_71, %dma_start3A_78] : memref<512x32xf32, #tpu.memory_space<vmem>> -> memref<1x32xf32, #tpu.memory_space<vmem>>
      %dma_start3A_80 = tpu.memref_squeeze %dma_start3A_79 : memref<1x32xf32, #tpu.memory_space<vmem>> -> memref<32xf32, #tpu.memory_space<vmem>>
      %dma_start3A_81 = arith.constant 0 : i32
      %dma_start3A_82 = tpu.memref_slice %arg3[%shift_right_logical3A_65, %and3A_67, %dma_start3A_81] : memref<125000x8x32xf32, #tpu.memory_space<hbm>> -> memref<1x1x32xf32, #tpu.memory_space<hbm>>
      %dma_start3A_83 = tpu.memref_squeeze %dma_start3A_82 : memref<1x1x32xf32, #tpu.memory_space<hbm>> -> memref<32xf32, #tpu.memory_space<hbm>>
      tpu.enqueue_dma source(%dma_start3A_83 : memref<32xf32, #tpu.memory_space<hbm>>) target(%dma_start3A_80 : memref<32xf32, #tpu.memory_space<vmem>>) target_semaphore(%arg7 : memref<!tpu.dma_semaphore, #tpu.memory_space<semaphore_mem>>)
      %slice3A_84 = vector.extract_strided_slice %get3A_21 {offsets = [3], sizes = [1], strides = [1]} : vector<16xi32> to vector<1xi32>
      %squeeze3A_85 = vector.extract %slice3A_84[0] : i32 from vector<1xi32>
      %shift_right_logical3A_86 = arith.constant 3 : i32
      %shift_right_logical3A_87 = arith.shrui %squeeze3A_85, %shift_right_logical3A_86 : i32
      %and3A_88 = arith.constant 7 : i32
      %and3A_89 = arith.andi %squeeze3A_85, %and3A_88 : i32
      %mul3A_90 = arith.constant 16 : i32
      %mul3A_91 = arith.muli %scan3A_18, %mul3A_90 : i32
      %add3A_92 = arith.constant 3 : i32
      %add3A_93 = arith.addi %mul3A_91, %add3A_92 : i32
      %dma_start3A_94 = arith.constant 0 : i32
      %dma_start3A_95 = tpu.memref_slice %arg6[%add3A_93, %dma_start3A_94] : memref<512x32xf32, #tpu.memory_space<vmem>> -> memref<1x32xf32, #tpu.memory_space<vmem>>
      %dma_start3A_96 = tpu.memref_squeeze %dma_start3A_95 : memref<1x32xf32, #tpu.memory_space<vmem>> -> memref<32xf32, #tpu.memory_space<vmem>>
      %dma_start3A_97 = arith.constant 0 : i32
      %dma_start3A_98 = tpu.memref_slice %arg3[%shift_right_logical3A_87, %and3A_89, %dma_start3A_97] : memref<125000x8x32xf32, #tpu.memory_space<hbm>> -> memref<1x1x32xf32, #tpu.memory_space<hbm>>
      %dma_start3A_99 = tpu.memref_squeeze %dma_start3A_98 : memref<1x1x32xf32, #tpu.memory_space<hbm>> -> memref<32xf32, #tpu.memory_space<hbm>>
      %dma_start3A_100 = arith.constant 0 : i32
      %dma_start3A_101 = tpu.memref_slice %arg6[%add3A_93, %dma_start3A_100] : memref<512x32xf32, #tpu.memory_space<vmem>> -> memref<1x32xf32, #tpu.memory_space<vmem>>
      %dma_start3A_102 = tpu.memref_squeeze %dma_start3A_101 : memref<1x32xf32, #tpu.memory_space<vmem>> -> memref<32xf32, #tpu.memory_space<vmem>>
      %dma_start3A_103 = arith.constant 0 : i32
      %dma_start3A_104 = tpu.memref_slice %arg3[%shift_right_logical3A_87, %and3A_89, %dma_start3A_103] : memref<125000x8x32xf32, #tpu.memory_space<hbm>> -> memref<1x1x32xf32, #tpu.memory_space<hbm>>
      %dma_start3A_105 = tpu.memref_squeeze %dma_start3A_104 : memref<1x1x32xf32, #tpu.memory_space<hbm>> -> memref<32xf32, #tpu.memory_space<hbm>>
      tpu.enqueue_dma source(%dma_start3A_105 : memref<32xf32, #tpu.memory_space<hbm>>) target(%dma_start3A_102 : memref<32xf32, #tpu.memory_space<vmem>>) target_semaphore(%arg7 : memref<!tpu.dma_semaphore, #tpu.memory_space<semaphore_mem>>)
      %slice3A_106 = vector.extract_strided_slice %get3A_21 {offsets = [4], sizes = [1], strides = [1]} : vector<16xi32> to vector<1xi32>
      %squeeze3A_107 = vector.extract %slice3A_106[0] : i32 from vector<1xi32>
      %shift_right_logical3A_108 = arith.constant 3 : i32
      %shift_right_logical3A_109 = arith.shrui %squeeze3A_107, %shift_right_logical3A_108 : i32
      %and3A_110 = arith.constant 7 : i32
      %and3A_111 = arith.andi %squeeze3A_107, %and3A_110 : i32
      %mul3A_112 = arith.constant 16 : i32
      %mul3A_113 = arith.muli %scan3A_18, %mul3A_112 : i32
      %add3A_114 = arith.constant 4 : i32
      %add3A_115 = arith.addi %mul3A_113, %add3A_114 : i32
      %dma_start3A_116 = arith.constant 0 : i32
      %dma_start3A_117 = tpu.memref_slice %arg6[%add3A_115, %dma_start3A_116] : memref<512x32xf32, #tpu.memory_space<vmem>> -> memref<1x32xf32, #tpu.memory_space<vmem>>
      %dma_start3A_118 = tpu.memref_squeeze %dma_start3A_117 : memref<1x32xf32, #tpu.memory_space<vmem>> -> memref<32xf32, #tpu.memory_space<vmem>>
      %dma_start3A_119 = arith.constant 0 : i32
      %dma_start3A_120 = tpu.memref_slice %arg3[%shift_right_logical3A_109, %and3A_111, %dma_start3A_119] : memref<125000x8x32xf32, #tpu.memory_space<hbm>> -> memref<1x1x32xf32, #tpu.memory_space<hbm>>
      %dma_start3A_121 = tpu.memref_squeeze %dma_start3A_120 : memref<1x1x32xf32, #tpu.memory_space<hbm>> -> memref<32xf32, #tpu.memory_space<hbm>>
      %dma_start3A_122 = arith.constant 0 : i32
      %dma_start3A_123 = tpu.memref_slice %arg6[%add3A_115, %dma_start3A_122] : memref<512x32xf32, #tpu.memory_space<vmem>> -> memref<1x32xf32, #tpu.memory_space<vmem>>
      %dma_start3A_124 = tpu.memref_squeeze %dma_start3A_123 : memref<1x32xf32, #tpu.memory_space<vmem>> -> memref<32xf32, #tpu.memory_space<vmem>>
      %dma_start3A_125 = arith.constant 0 : i32
      %dma_start3A_126 = tpu.memref_slice %arg3[%shift_right_logical3A_109, %and3A_111, %dma_start3A_125] : memref<125000x8x32xf32, #tpu.memory_space<hbm>> -> memref<1x1x32xf32, #tpu.memory_space<hbm>>
      %dma_start3A_127 = tpu.memref_squeeze %dma_start3A_126 : memref<1x1x32xf32, #tpu.memory_space<hbm>> -> memref<32xf32, #tpu.memory_space<hbm>>
      tpu.enqueue_dma source(%dma_start3A_127 : memref<32xf32, #tpu.memory_space<hbm>>) target(%dma_start3A_124 : memref<32xf32, #tpu.memory_space<vmem>>) target_semaphore(%arg7 : memref<!tpu.dma_semaphore, #tpu.memory_space<semaphore_mem>>)
      %slice3A_128 = vector.extract_strided_slice %get3A_21 {offsets = [5], sizes = [1], strides = [1]} : vector<16xi32> to vector<1xi32>
      %squeeze3A_129 = vector.extract %slice3A_128[0] : i32 from vector<1xi32>
      %shift_right_logical3A_130 = arith.constant 3 : i32
      %shift_right_logical3A_131 = arith.shrui %squeeze3A_129, %shift_right_logical3A_130 : i32
      %and3A_132 = arith.constant 7 : i32
      %and3A_133 = arith.andi %squeeze3A_129, %and3A_132 : i32
      %mul3A_134 = arith.constant 16 : i32
      %mul3A_135 = arith.muli %scan3A_18, %mul3A_134 : i32
      %add3A_136 = arith.constant 5 : i32
      %add3A_137 = arith.addi %mul3A_135, %add3A_136 : i32
      %dma_start3A_138 = arith.constant 0 : i32
      %dma_start3A_139 = tpu.memref_slice %arg6[%add3A_137, %dma_start3A_138] : memref<512x32xf32, #tpu.memory_space<vmem>> -> memref<1x32xf32, #tpu.memory_space<vmem>>
      %dma_start3A_140 = tpu.memref_squeeze %dma_start3A_139 : memref<1x32xf32, #tpu.memory_space<vmem>> -> memref<32xf32, #tpu.memory_space<vmem>>
      %dma_start3A_141 = arith.constant 0 : i32
      %dma_start3A_142 = tpu.memref_slice %arg3[%shift_right_logical3A_131, %and3A_133, %dma_start3A_141] : memref<125000x8x32xf32, #tpu.memory_space<hbm>> -> memref<1x1x32xf32, #tpu.memory_space<hbm>>
      %dma_start3A_143 = tpu.memref_squeeze %dma_start3A_142 : memref<1x1x32xf32, #tpu.memory_space<hbm>> -> memref<32xf32, #tpu.memory_space<hbm>>
      %dma_start3A_144 = arith.constant 0 : i32
      %dma_start3A_145 = tpu.memref_slice %arg6[%add3A_137, %dma_start3A_144] : memref<512x32xf32, #tpu.memory_space<vmem>> -> memref<1x32xf32, #tpu.memory_space<vmem>>
      %dma_start3A_146 = tpu.memref_squeeze %dma_start3A_145 : memref<1x32xf32, #tpu.memory_space<vmem>> -> memref<32xf32, #tpu.memory_space<vmem>>
      %dma_start3A_147 = arith.constant 0 : i32
      %dma_start3A_148 = tpu.memref_slice %arg3[%shift_right_logical3A_131, %and3A_133, %dma_start3A_147] : memref<125000x8x32xf32, #tpu.memory_space<hbm>> -> memref<1x1x32xf32, #tpu.memory_space<hbm>>
      %dma_start3A_149 = tpu.memref_squeeze %dma_start3A_148 : memref<1x1x32xf32, #tpu.memory_space<hbm>> -> memref<32xf32, #tpu.memory_space<hbm>>
      tpu.enqueue_dma source(%dma_start3A_149 : memref<32xf32, #tpu.memory_space<hbm>>) target(%dma_start3A_146 : memref<32xf32, #tpu.memory_space<vmem>>) target_semaphore(%arg7 : memref<!tpu.dma_semaphore, #tpu.memory_space<semaphore_mem>>)
      %slice3A_150 = vector.extract_strided_slice %get3A_21 {offsets = [6], sizes = [1], strides = [1]} : vector<16xi32> to vector<1xi32>
      %squeeze3A_151 = vector.extract %slice3A_150[0] : i32 from vector<1xi32>
      %shift_right_logical3A_152 = arith.constant 3 : i32
      %shift_right_logical3A_153 = arith.shrui %squeeze3A_151, %shift_right_logical3A_152 : i32
      %and3A_154 = arith.constant 7 : i32
      %and3A_155 = arith.andi %squeeze3A_151, %and3A_154 : i32
      %mul3A_156 = arith.constant 16 : i32
      %mul3A_157 = arith.muli %scan3A_18, %mul3A_156 : i32
      %add3A_158 = arith.constant 6 : i32
      %add3A_159 = arith.addi %mul3A_157, %add3A_158 : i32
      %dma_start3A_160 = arith.constant 0 : i32
      %dma_start3A_161 = tpu.memref_slice %arg6[%add3A_159, %dma_start3A_160] : memref<512x32xf32, #tpu.memory_space<vmem>> -> memref<1x32xf32, #tpu.memory_space<vmem>>
      %dma_start3A_162 = tpu.memref_squeeze %dma_start3A_161 : memref<1x32xf32, #tpu.memory_space<vmem>> -> memref<32xf32, #tpu.memory_space<vmem>>
      %dma_start3A_163 = arith.constant 0 : i32
      %dma_start3A_164 = tpu.memref_slice %arg3[%shift_right_logical3A_153, %and3A_155, %dma_start3A_163] : memref<125000x8x32xf32, #tpu.memory_space<hbm>> -> memref<1x1x32xf32, #tpu.memory_space<hbm>>
      %dma_start3A_165 = tpu.memref_squeeze %dma_start3A_164 : memref<1x1x32xf32, #tpu.memory_space<hbm>> -> memref<32xf32, #tpu.memory_space<hbm>>
      %dma_start3A_166 = arith.constant 0 : i32
      %dma_start3A_167 = tpu.memref_slice %arg6[%add3A_159, %dma_start3A_166] : memref<512x32xf32, #tpu.memory_space<vmem>> -> memref<1x32xf32, #tpu.memory_space<vmem>>
      %dma_start3A_168 = tpu.memref_squeeze %dma_start3A_167 : memref<1x32xf32, #tpu.memory_space<vmem>> -> memref<32xf32, #tpu.memory_space<vmem>>
      %dma_start3A_169 = arith.constant 0 : i32
      %dma_start3A_170 = tpu.memref_slice %arg3[%shift_right_logical3A_153, %and3A_155, %dma_start3A_169] : memref<125000x8x32xf32, #tpu.memory_space<hbm>> -> memref<1x1x32xf32, #tpu.memory_space<hbm>>
      %dma_start3A_171 = tpu.memref_squeeze %dma_start3A_170 : memref<1x1x32xf32, #tpu.memory_space<hbm>> -> memref<32xf32, #tpu.memory_space<hbm>>
      tpu.enqueue_dma source(%dma_start3A_171 : memref<32xf32, #tpu.memory_space<hbm>>) target(%dma_start3A_168 : memref<32xf32, #tpu.memory_space<vmem>>) target_semaphore(%arg7 : memref<!tpu.dma_semaphore, #tpu.memory_space<semaphore_mem>>)
      %slice3A_172 = vector.extract_strided_slice %get3A_21 {offsets = [7], sizes = [1], strides = [1]} : vector<16xi32> to vector<1xi32>
      %squeeze3A_173 = vector.extract %slice3A_172[0] : i32 from vector<1xi32>
      %shift_right_logical3A_174 = arith.constant 3 : i32
      %shift_right_logical3A_175 = arith.shrui %squeeze3A_173, %shift_right_logical3A_174 : i32
      %and3A_176 = arith.constant 7 : i32
      %and3A_177 = arith.andi %squeeze3A_173, %and3A_176 : i32
      %mul3A_178 = arith.constant 16 : i32
      %mul3A_179 = arith.muli %scan3A_18, %mul3A_178 : i32
      %add3A_180 = arith.constant 7 : i32
      %add3A_181 = arith.addi %mul3A_179, %add3A_180 : i32
      %dma_start3A_182 = arith.constant 0 : i32
      %dma_start3A_183 = tpu.memref_slice %arg6[%add3A_181, %dma_start3A_182] : memref<512x32xf32, #tpu.memory_space<vmem>> -> memref<1x32xf32, #tpu.memory_space<vmem>>
      %dma_start3A_184 = tpu.memref_squeeze %dma_start3A_183 : memref<1x32xf32, #tpu.memory_space<vmem>> -> memref<32xf32, #tpu.memory_space<vmem>>
      %dma_start3A_185 = arith.constant 0 : i32
      %dma_start3A_186 = tpu.memref_slice %arg3[%shift_right_logical3A_175, %and3A_177, %dma_start3A_185] : memref<125000x8x32xf32, #tpu.memory_space<hbm>> -> memref<1x1x32xf32, #tpu.memory_space<hbm>>
      %dma_start3A_187 = tpu.memref_squeeze %dma_start3A_186 : memref<1x1x32xf32, #tpu.memory_space<hbm>> -> memref<32xf32, #tpu.memory_space<hbm>>
      %dma_start3A_188 = arith.constant 0 : i32
      %dma_start3A_189 = tpu.memref_slice %arg6[%add3A_181, %dma_start3A_188] : memref<512x32xf32, #tpu.memory_space<vmem>> -> memref<1x32xf32, #tpu.memory_space<vmem>>
      %dma_start3A_190 = tpu.memref_squeeze %dma_start3A_189 : memref<1x32xf32, #tpu.memory_space<vmem>> -> memref<32xf32, #tpu.memory_space<vmem>>
      %dma_start3A_191 = arith.constant 0 : i32
      %dma_start3A_192 = tpu.memref_slice %arg3[%shift_right_logical3A_175, %and3A_177, %dma_start3A_191] : memref<125000x8x32xf32, #tpu.memory_space<hbm>> -> memref<1x1x32xf32, #tpu.memory_space<hbm>>
      %dma_start3A_193 = tpu.memref_squeeze %dma_start3A_192 : memref<1x1x32xf32, #tpu.memory_space<hbm>> -> memref<32xf32, #tpu.memory_space<hbm>>
      tpu.enqueue_dma source(%dma_start3A_193 : memref<32xf32, #tpu.memory_space<hbm>>) target(%dma_start3A_190 : memref<32xf32, #tpu.memory_space<vmem>>) target_semaphore(%arg7 : memref<!tpu.dma_semaphore, #tpu.memory_space<semaphore_mem>>)
      %slice3A_194 = vector.extract_strided_slice %get3A_21 {offsets = [8], sizes = [1], strides = [1]} : vector<16xi32> to vector<1xi32>
      %squeeze3A_195 = vector.extract %slice3A_194[0] : i32 from vector<1xi32>
      %shift_right_logical3A_196 = arith.constant 3 : i32
      %shift_right_logical3A_197 = arith.shrui %squeeze3A_195, %shift_right_logical3A_196 : i32
      %and3A_198 = arith.constant 7 : i32
      %and3A_199 = arith.andi %squeeze3A_195, %and3A_198 : i32
      %mul3A_200 = arith.constant 16 : i32
      %mul3A_201 = arith.muli %scan3A_18, %mul3A_200 : i32
      %add3A_202 = arith.constant 8 : i32
      %add3A_203 = arith.addi %mul3A_201, %add3A_202 : i32
      %dma_start3A_204 = arith.constant 0 : i32
      %dma_start3A_205 = tpu.memref_slice %arg6[%add3A_203, %dma_start3A_204] : memref<512x32xf32, #tpu.memory_space<vmem>> -> memref<1x32xf32, #tpu.memory_space<vmem>>
      %dma_start3A_206 = tpu.memref_squeeze %dma_start3A_205 : memref<1x32xf32, #tpu.memory_space<vmem>> -> memref<32xf32, #tpu.memory_space<vmem>>
      %dma_start3A_207 = arith.constant 0 : i32
      %dma_start3A_208 = tpu.memref_slice %arg3[%shift_right_logical3A_197, %and3A_199, %dma_start3A_207] : memref<125000x8x32xf32, #tpu.memory_space<hbm>> -> memref<1x1x32xf32, #tpu.memory_space<hbm>>
      %dma_start3A_209 = tpu.memref_squeeze %dma_start3A_208 : memref<1x1x32xf32, #tpu.memory_space<hbm>> -> memref<32xf32, #tpu.memory_space<hbm>>
      %dma_start3A_210 = arith.constant 0 : i32
      %dma_start3A_211 = tpu.memref_slice %arg6[%add3A_203, %dma_start3A_210] : memref<512x32xf32, #tpu.memory_space<vmem>> -> memref<1x32xf32, #tpu.memory_space<vmem>>
      %dma_start3A_212 = tpu.memref_squeeze %dma_start3A_211 : memref<1x32xf32, #tpu.memory_space<vmem>> -> memref<32xf32, #tpu.memory_space<vmem>>
      %dma_start3A_213 = arith.constant 0 : i32
      %dma_start3A_214 = tpu.memref_slice %arg3[%shift_right_logical3A_197, %and3A_199, %dma_start3A_213] : memref<125000x8x32xf32, #tpu.memory_space<hbm>> -> memref<1x1x32xf32, #tpu.memory_space<hbm>>
      %dma_start3A_215 = tpu.memref_squeeze %dma_start3A_214 : memref<1x1x32xf32, #tpu.memory_space<hbm>> -> memref<32xf32, #tpu.memory_space<hbm>>
      tpu.enqueue_dma source(%dma_start3A_215 : memref<32xf32, #tpu.memory_space<hbm>>) target(%dma_start3A_212 : memref<32xf32, #tpu.memory_space<vmem>>) target_semaphore(%arg7 : memref<!tpu.dma_semaphore, #tpu.memory_space<semaphore_mem>>)
      %slice3A_216 = vector.extract_strided_slice %get3A_21 {offsets = [9], sizes = [1], strides = [1]} : vector<16xi32> to vector<1xi32>
      %squeeze3A_217 = vector.extract %slice3A_216[0] : i32 from vector<1xi32>
      %shift_right_logical3A_218 = arith.constant 3 : i32
      %shift_right_logical3A_219 = arith.shrui %squeeze3A_217, %shift_right_logical3A_218 : i32
      %and3A_220 = arith.constant 7 : i32
      %and3A_221 = arith.andi %squeeze3A_217, %and3A_220 : i32
      %mul3A_222 = arith.constant 16 : i32
      %mul3A_223 = arith.muli %scan3A_18, %mul3A_222 : i32
      %add3A_224 = arith.constant 9 : i32
      %add3A_225 = arith.addi %mul3A_223, %add3A_224 : i32
      %dma_start3A_226 = arith.constant 0 : i32
      %dma_start3A_227 = tpu.memref_slice %arg6[%add3A_225, %dma_start3A_226] : memref<512x32xf32, #tpu.memory_space<vmem>> -> memref<1x32xf32, #tpu.memory_space<vmem>>
      %dma_start3A_228 = tpu.memref_squeeze %dma_start3A_227 : memref<1x32xf32, #tpu.memory_space<vmem>> -> memref<32xf32, #tpu.memory_space<vmem>>
      %dma_start3A_229 = arith.constant 0 : i32
      %dma_start3A_230 = tpu.memref_slice %arg3[%shift_right_logical3A_219, %and3A_221, %dma_start3A_229] : memref<125000x8x32xf32, #tpu.memory_space<hbm>> -> memref<1x1x32xf32, #tpu.memory_space<hbm>>
      %dma_start3A_231 = tpu.memref_squeeze %dma_start3A_230 : memref<1x1x32xf32, #tpu.memory_space<hbm>> -> memref<32xf32, #tpu.memory_space<hbm>>
      %dma_start3A_232 = arith.constant 0 : i32
      %dma_start3A_233 = tpu.memref_slice %arg6[%add3A_225, %dma_start3A_232] : memref<512x32xf32, #tpu.memory_space<vmem>> -> memref<1x32xf32, #tpu.memory_space<vmem>>
      %dma_start3A_234 = tpu.memref_squeeze %dma_start3A_233 : memref<1x32xf32, #tpu.memory_space<vmem>> -> memref<32xf32, #tpu.memory_space<vmem>>
      %dma_start3A_235 = arith.constant 0 : i32
      %dma_start3A_236 = tpu.memref_slice %arg3[%shift_right_logical3A_219, %and3A_221, %dma_start3A_235] : memref<125000x8x32xf32, #tpu.memory_space<hbm>> -> memref<1x1x32xf32, #tpu.memory_space<hbm>>
      %dma_start3A_237 = tpu.memref_squeeze %dma_start3A_236 : memref<1x1x32xf32, #tpu.memory_space<hbm>> -> memref<32xf32, #tpu.memory_space<hbm>>
      tpu.enqueue_dma source(%dma_start3A_237 : memref<32xf32, #tpu.memory_space<hbm>>) target(%dma_start3A_234 : memref<32xf32, #tpu.memory_space<vmem>>) target_semaphore(%arg7 : memref<!tpu.dma_semaphore, #tpu.memory_space<semaphore_mem>>)
      %slice3A_238 = vector.extract_strided_slice %get3A_21 {offsets = [10], sizes = [1], strides = [1]} : vector<16xi32> to vector<1xi32>
      %squeeze3A_239 = vector.extract %slice3A_238[0] : i32 from vector<1xi32>
      %shift_right_logical3A_240 = arith.constant 3 : i32
      %shift_right_logical3A_241 = arith.shrui %squeeze3A_239, %shift_right_logical3A_240 : i32
      %and3A_242 = arith.constant 7 : i32
      %and3A_243 = arith.andi %squeeze3A_239, %and3A_242 : i32
      %mul3A_244 = arith.constant 16 : i32
      %mul3A_245 = arith.muli %scan3A_18, %mul3A_244 : i32
      %add3A_246 = arith.constant 10 : i32
      %add3A_247 = arith.addi %mul3A_245, %add3A_246 : i32
      %dma_start3A_248 = arith.constant 0 : i32
      %dma_start3A_249 = tpu.memref_slice %arg6[%add3A_247, %dma_start3A_248] : memref<512x32xf32, #tpu.memory_space<vmem>> -> memref<1x32xf32, #tpu.memory_space<vmem>>
      %dma_start3A_250 = tpu.memref_squeeze %dma_start3A_249 : memref<1x32xf32, #tpu.memory_space<vmem>> -> memref<32xf32, #tpu.memory_space<vmem>>
      %dma_start3A_251 = arith.constant 0 : i32
      %dma_start3A_252 = tpu.memref_slice %arg3[%shift_right_logical3A_241, %and3A_243, %dma_start3A_251] : memref<125000x8x32xf32, #tpu.memory_space<hbm>> -> memref<1x1x32xf32, #tpu.memory_space<hbm>>
      %dma_start3A_253 = tpu.memref_squeeze %dma_start3A_252 : memref<1x1x32xf32, #tpu.memory_space<hbm>> -> memref<32xf32, #tpu.memory_space<hbm>>
      %dma_start3A_254 = arith.constant 0 : i32
      %dma_start3A_255 = tpu.memref_slice %arg6[%add3A_247, %dma_start3A_254] : memref<512x32xf32, #tpu.memory_space<vmem>> -> memref<1x32xf32, #tpu.memory_space<vmem>>
      %dma_start3A_256 = tpu.memref_squeeze %dma_start3A_255 : memref<1x32xf32, #tpu.memory_space<vmem>> -> memref<32xf32, #tpu.memory_space<vmem>>
      %dma_start3A_257 = arith.constant 0 : i32
      %dma_start3A_258 = tpu.memref_slice %arg3[%shift_right_logical3A_241, %and3A_243, %dma_start3A_257] : memref<125000x8x32xf32, #tpu.memory_space<hbm>> -> memref<1x1x32xf32, #tpu.memory_space<hbm>>
      %dma_start3A_259 = tpu.memref_squeeze %dma_start3A_258 : memref<1x1x32xf32, #tpu.memory_space<hbm>> -> memref<32xf32, #tpu.memory_space<hbm>>
      tpu.enqueue_dma source(%dma_start3A_259 : memref<32xf32, #tpu.memory_space<hbm>>) target(%dma_start3A_256 : memref<32xf32, #tpu.memory_space<vmem>>) target_semaphore(%arg7 : memref<!tpu.dma_semaphore, #tpu.memory_space<semaphore_mem>>)
      %slice3A_260 = vector.extract_strided_slice %get3A_21 {offsets = [11], sizes = [1], strides = [1]} : vector<16xi32> to vector<1xi32>
      %squeeze3A_261 = vector.extract %slice3A_260[0] : i32 from vector<1xi32>
      %shift_right_logical3A_262 = arith.constant 3 : i32
      %shift_right_logical3A_263 = arith.shrui %squeeze3A_261, %shift_right_logical3A_262 : i32
      %and3A_264 = arith.constant 7 : i32
      %and3A_265 = arith.andi %squeeze3A_261, %and3A_264 : i32
      %mul3A_266 = arith.constant 16 : i32
      %mul3A_267 = arith.muli %scan3A_18, %mul3A_266 : i32
      %add3A_268 = arith.constant 11 : i32
      %add3A_269 = arith.addi %mul3A_267, %add3A_268 : i32
      %dma_start3A_270 = arith.constant 0 : i32
      %dma_start3A_271 = tpu.memref_slice %arg6[%add3A_269, %dma_start3A_270] : memref<512x32xf32, #tpu.memory_space<vmem>> -> memref<1x32xf32, #tpu.memory_space<vmem>>
      %dma_start3A_272 = tpu.memref_squeeze %dma_start3A_271 : memref<1x32xf32, #tpu.memory_space<vmem>> -> memref<32xf32, #tpu.memory_space<vmem>>
      %dma_start3A_273 = arith.constant 0 : i32
      %dma_start3A_274 = tpu.memref_slice %arg3[%shift_right_logical3A_263, %and3A_265, %dma_start3A_273] : memref<125000x8x32xf32, #tpu.memory_space<hbm>> -> memref<1x1x32xf32, #tpu.memory_space<hbm>>
      %dma_start3A_275 = tpu.memref_squeeze %dma_start3A_274 : memref<1x1x32xf32, #tpu.memory_space<hbm>> -> memref<32xf32, #tpu.memory_space<hbm>>
      %dma_start3A_276 = arith.constant 0 : i32
      %dma_start3A_277 = tpu.memref_slice %arg6[%add3A_269, %dma_start3A_276] : memref<512x32xf32, #tpu.memory_space<vmem>> -> memref<1x32xf32, #tpu.memory_space<vmem>>
      %dma_start3A_278 = tpu.memref_squeeze %dma_start3A_277 : memref<1x32xf32, #tpu.memory_space<vmem>> -> memref<32xf32, #tpu.memory_space<vmem>>
      %dma_start3A_279 = arith.constant 0 : i32
      %dma_start3A_280 = tpu.memref_slice %arg3[%shift_right_logical3A_263, %and3A_265, %dma_start3A_279] : memref<125000x8x32xf32, #tpu.memory_space<hbm>> -> memref<1x1x32xf32, #tpu.memory_space<hbm>>
      %dma_start3A_281 = tpu.memref_squeeze %dma_start3A_280 : memref<1x1x32xf32, #tpu.memory_space<hbm>> -> memref<32xf32, #tpu.memory_space<hbm>>
      tpu.enqueue_dma source(%dma_start3A_281 : memref<32xf32, #tpu.memory_space<hbm>>) target(%dma_start3A_278 : memref<32xf32, #tpu.memory_space<vmem>>) target_semaphore(%arg7 : memref<!tpu.dma_semaphore, #tpu.memory_space<semaphore_mem>>)
      %slice3A_282 = vector.extract_strided_slice %get3A_21 {offsets = [12], sizes = [1], strides = [1]} : vector<16xi32> to vector<1xi32>
      %squeeze3A_283 = vector.extract %slice3A_282[0] : i32 from vector<1xi32>
      %shift_right_logical3A_284 = arith.constant 3 : i32
      %shift_right_logical3A_285 = arith.shrui %squeeze3A_283, %shift_right_logical3A_284 : i32
      %and3A_286 = arith.constant 7 : i32
      %and3A_287 = arith.andi %squeeze3A_283, %and3A_286 : i32
      %mul3A_288 = arith.constant 16 : i32
      %mul3A_289 = arith.muli %scan3A_18, %mul3A_288 : i32
      %add3A_290 = arith.constant 12 : i32
      %add3A_291 = arith.addi %mul3A_289, %add3A_290 : i32
      %dma_start3A_292 = arith.constant 0 : i32
      %dma_start3A_293 = tpu.memref_slice %arg6[%add3A_291, %dma_start3A_292] : memref<512x32xf32, #tpu.memory_space<vmem>> -> memref<1x32xf32, #tpu.memory_space<vmem>>
      %dma_start3A_294 = tpu.memref_squeeze %dma_start3A_293 : memref<1x32xf32, #tpu.memory_space<vmem>> -> memref<32xf32, #tpu.memory_space<vmem>>
      %dma_start3A_295 = arith.constant 0 : i32
      %dma_start3A_296 = tpu.memref_slice %arg3[%shift_right_logical3A_285, %and3A_287, %dma_start3A_295] : memref<125000x8x32xf32, #tpu.memory_space<hbm>> -> memref<1x1x32xf32, #tpu.memory_space<hbm>>
      %dma_start3A_297 = tpu.memref_squeeze %dma_start3A_296 : memref<1x1x32xf32, #tpu.memory_space<hbm>> -> memref<32xf32, #tpu.memory_space<hbm>>
      %dma_start3A_298 = arith.constant 0 : i32
      %dma_start3A_299 = tpu.memref_slice %arg6[%add3A_291, %dma_start3A_298] : memref<512x32xf32, #tpu.memory_space<vmem>> -> memref<1x32xf32, #tpu.memory_space<vmem>>
      %dma_start3A_300 = tpu.memref_squeeze %dma_start3A_299 : memref<1x32xf32, #tpu.memory_space<vmem>> -> memref<32xf32, #tpu.memory_space<vmem>>
      %dma_start3A_301 = arith.constant 0 : i32
      %dma_start3A_302 = tpu.memref_slice %arg3[%shift_right_logical3A_285, %and3A_287, %dma_start3A_301] : memref<125000x8x32xf32, #tpu.memory_space<hbm>> -> memref<1x1x32xf32, #tpu.memory_space<hbm>>
      %dma_start3A_303 = tpu.memref_squeeze %dma_start3A_302 : memref<1x1x32xf32, #tpu.memory_space<hbm>> -> memref<32xf32, #tpu.memory_space<hbm>>
      tpu.enqueue_dma source(%dma_start3A_303 : memref<32xf32, #tpu.memory_space<hbm>>) target(%dma_start3A_300 : memref<32xf32, #tpu.memory_space<vmem>>) target_semaphore(%arg7 : memref<!tpu.dma_semaphore, #tpu.memory_space<semaphore_mem>>)
      %slice3A_304 = vector.extract_strided_slice %get3A_21 {offsets = [13], sizes = [1], strides = [1]} : vector<16xi32> to vector<1xi32>
      %squeeze3A_305 = vector.extract %slice3A_304[0] : i32 from vector<1xi32>
      %shift_right_logical3A_306 = arith.constant 3 : i32
      %shift_right_logical3A_307 = arith.shrui %squeeze3A_305, %shift_right_logical3A_306 : i32
      %and3A_308 = arith.constant 7 : i32
      %and3A_309 = arith.andi %squeeze3A_305, %and3A_308 : i32
      %mul3A_310 = arith.constant 16 : i32
      %mul3A_311 = arith.muli %scan3A_18, %mul3A_310 : i32
      %add3A_312 = arith.constant 13 : i32
      %add3A_313 = arith.addi %mul3A_311, %add3A_312 : i32
      %dma_start3A_314 = arith.constant 0 : i32
      %dma_start3A_315 = tpu.memref_slice %arg6[%add3A_313, %dma_start3A_314] : memref<512x32xf32, #tpu.memory_space<vmem>> -> memref<1x32xf32, #tpu.memory_space<vmem>>
      %dma_start3A_316 = tpu.memref_squeeze %dma_start3A_315 : memref<1x32xf32, #tpu.memory_space<vmem>> -> memref<32xf32, #tpu.memory_space<vmem>>
      %dma_start3A_317 = arith.constant 0 : i32
      %dma_start3A_318 = tpu.memref_slice %arg3[%shift_right_logical3A_307, %and3A_309, %dma_start3A_317] : memref<125000x8x32xf32, #tpu.memory_space<hbm>> -> memref<1x1x32xf32, #tpu.memory_space<hbm>>
      %dma_start3A_319 = tpu.memref_squeeze %dma_start3A_318 : memref<1x1x32xf32, #tpu.memory_space<hbm>> -> memref<32xf32, #tpu.memory_space<hbm>>
      %dma_start3A_320 = arith.constant 0 : i32
      %dma_start3A_321 = tpu.memref_slice %arg6[%add3A_313, %dma_start3A_320] : memref<512x32xf32, #tpu.memory_space<vmem>> -> memref<1x32xf32, #tpu.memory_space<vmem>>
      %dma_start3A_322 = tpu.memref_squeeze %dma_start3A_321 : memref<1x32xf32, #tpu.memory_space<vmem>> -> memref<32xf32, #tpu.memory_space<vmem>>
      %dma_start3A_323 = arith.constant 0 : i32
      %dma_start3A_324 = tpu.memref_slice %arg3[%shift_right_logical3A_307, %and3A_309, %dma_start3A_323] : memref<125000x8x32xf32, #tpu.memory_space<hbm>> -> memref<1x1x32xf32, #tpu.memory_space<hbm>>
      %dma_start3A_325 = tpu.memref_squeeze %dma_start3A_324 : memref<1x1x32xf32, #tpu.memory_space<hbm>> -> memref<32xf32, #tpu.memory_space<hbm>>
      tpu.enqueue_dma source(%dma_start3A_325 : memref<32xf32, #tpu.memory_space<hbm>>) target(%dma_start3A_322 : memref<32xf32, #tpu.memory_space<vmem>>) target_semaphore(%arg7 : memref<!tpu.dma_semaphore, #tpu.memory_space<semaphore_mem>>)
      %slice3A_326 = vector.extract_strided_slice %get3A_21 {offsets = [14], sizes = [1], strides = [1]} : vector<16xi32> to vector<1xi32>
      %squeeze3A_327 = vector.extract %slice3A_326[0] : i32 from vector<1xi32>
      %shift_right_logical3A_328 = arith.constant 3 : i32
      %shift_right_logical3A_329 = arith.shrui %squeeze3A_327, %shift_right_logical3A_328 : i32
      %and3A_330 = arith.constant 7 : i32
      %and3A_331 = arith.andi %squeeze3A_327, %and3A_330 : i32
      %mul3A_332 = arith.constant 16 : i32
      %mul3A_333 = arith.muli %scan3A_18, %mul3A_332 : i32
      %add3A_334 = arith.constant 14 : i32
      %add3A_335 = arith.addi %mul3A_333, %add3A_334 : i32
      %dma_start3A_336 = arith.constant 0 : i32
      %dma_start3A_337 = tpu.memref_slice %arg6[%add3A_335, %dma_start3A_336] : memref<512x32xf32, #tpu.memory_space<vmem>> -> memref<1x32xf32, #tpu.memory_space<vmem>>
      %dma_start3A_338 = tpu.memref_squeeze %dma_start3A_337 : memref<1x32xf32, #tpu.memory_space<vmem>> -> memref<32xf32, #tpu.memory_space<vmem>>
      %dma_start3A_339 = arith.constant 0 : i32
      %dma_start3A_340 = tpu.memref_slice %arg3[%shift_right_logical3A_329, %and3A_331, %dma_start3A_339] : memref<125000x8x32xf32, #tpu.memory_space<hbm>> -> memref<1x1x32xf32, #tpu.memory_space<hbm>>
      %dma_start3A_341 = tpu.memref_squeeze %dma_start3A_340 : memref<1x1x32xf32, #tpu.memory_space<hbm>> -> memref<32xf32, #tpu.memory_space<hbm>>
      %dma_start3A_342 = arith.constant 0 : i32
      %dma_start3A_343 = tpu.memref_slice %arg6[%add3A_335, %dma_start3A_342] : memref<512x32xf32, #tpu.memory_space<vmem>> -> memref<1x32xf32, #tpu.memory_space<vmem>>
      %dma_start3A_344 = tpu.memref_squeeze %dma_start3A_343 : memref<1x32xf32, #tpu.memory_space<vmem>> -> memref<32xf32, #tpu.memory_space<vmem>>
      %dma_start3A_345 = arith.constant 0 : i32
      %dma_start3A_346 = tpu.memref_slice %arg3[%shift_right_logical3A_329, %and3A_331, %dma_start3A_345] : memref<125000x8x32xf32, #tpu.memory_space<hbm>> -> memref<1x1x32xf32, #tpu.memory_space<hbm>>
      %dma_start3A_347 = tpu.memref_squeeze %dma_start3A_346 : memref<1x1x32xf32, #tpu.memory_space<hbm>> -> memref<32xf32, #tpu.memory_space<hbm>>
      tpu.enqueue_dma source(%dma_start3A_347 : memref<32xf32, #tpu.memory_space<hbm>>) target(%dma_start3A_344 : memref<32xf32, #tpu.memory_space<vmem>>) target_semaphore(%arg7 : memref<!tpu.dma_semaphore, #tpu.memory_space<semaphore_mem>>)
      %slice3A_348 = vector.extract_strided_slice %get3A_21 {offsets = [15], sizes = [1], strides = [1]} : vector<16xi32> to vector<1xi32>
      %squeeze3A_349 = vector.extract %slice3A_348[0] : i32 from vector<1xi32>
      %shift_right_logical3A_350 = arith.constant 3 : i32
      %shift_right_logical3A_351 = arith.shrui %squeeze3A_349, %shift_right_logical3A_350 : i32
      %and3A_352 = arith.constant 7 : i32
      %and3A_353 = arith.andi %squeeze3A_349, %and3A_352 : i32
      %mul3A_354 = arith.constant 16 : i32
      %mul3A_355 = arith.muli %scan3A_18, %mul3A_354 : i32
      %add3A_356 = arith.constant 15 : i32
      %add3A_357 = arith.addi %mul3A_355, %add3A_356 : i32
      %dma_start3A_358 = arith.constant 0 : i32
      %dma_start3A_359 = tpu.memref_slice %arg6[%add3A_357, %dma_start3A_358] : memref<512x32xf32, #tpu.memory_space<vmem>> -> memref<1x32xf32, #tpu.memory_space<vmem>>
      %dma_start3A_360 = tpu.memref_squeeze %dma_start3A_359 : memref<1x32xf32, #tpu.memory_space<vmem>> -> memref<32xf32, #tpu.memory_space<vmem>>
      %dma_start3A_361 = arith.constant 0 : i32
      %dma_start3A_362 = tpu.memref_slice %arg3[%shift_right_logical3A_351, %and3A_353, %dma_start3A_361] : memref<125000x8x32xf32, #tpu.memory_space<hbm>> -> memref<1x1x32xf32, #tpu.memory_space<hbm>>
      %dma_start3A_363 = tpu.memref_squeeze %dma_start3A_362 : memref<1x1x32xf32, #tpu.memory_space<hbm>> -> memref<32xf32, #tpu.memory_space<hbm>>
      %dma_start3A_364 = arith.constant 0 : i32
      %dma_start3A_365 = tpu.memref_slice %arg6[%add3A_357, %dma_start3A_364] : memref<512x32xf32, #tpu.memory_space<vmem>> -> memref<1x32xf32, #tpu.memory_space<vmem>>
      %dma_start3A_366 = tpu.memref_squeeze %dma_start3A_365 : memref<1x32xf32, #tpu.memory_space<vmem>> -> memref<32xf32, #tpu.memory_space<vmem>>
      %dma_start3A_367 = arith.constant 0 : i32
      %dma_start3A_368 = tpu.memref_slice %arg3[%shift_right_logical3A_351, %and3A_353, %dma_start3A_367] : memref<125000x8x32xf32, #tpu.memory_space<hbm>> -> memref<1x1x32xf32, #tpu.memory_space<hbm>>
      %dma_start3A_369 = tpu.memref_squeeze %dma_start3A_368 : memref<1x1x32xf32, #tpu.memory_space<hbm>> -> memref<32xf32, #tpu.memory_space<hbm>>
      tpu.enqueue_dma source(%dma_start3A_369 : memref<32xf32, #tpu.memory_space<hbm>>) target(%dma_start3A_366 : memref<32xf32, #tpu.memory_space<vmem>>) target_semaphore(%arg7 : memref<!tpu.dma_semaphore, #tpu.memory_space<semaphore_mem>>)
    }
    %scan3A_6 = arith.constant 32 : i32
    %scan3A_7 = arith.constant 0 : i32
    %scan3A_8 = arith.constant 32 : i32
    %scan3A_9 = arith.addi %scan3A_7, %scan3A_8 : i32
    %scan3A_10 = arith.constant 1 : i32
    scf.for %scan3A_18 = %scan3A_7 to %scan3A_9 step %scan3A_10  : i32 {
      %dma_wait3A_19 = arith.constant 0 : i32
      %dma_wait3A_20 = arith.constant 0 : i32
      %dma_wait3A_21 = arith.constant 0 : i32
      %dma_wait3A_22 = arith.constant 0 : i32
      %dma_wait3A_23 = tpu.memref_slice %arg6[%dma_wait3A_21, %dma_wait3A_22] : memref<512x32xf32, #tpu.memory_space<vmem>> -> memref<1x32xf32, #tpu.memory_space<vmem>>
      %dma_wait3A_24 = tpu.memref_squeeze %dma_wait3A_23 : memref<1x32xf32, #tpu.memory_space<vmem>> -> memref<32xf32, #tpu.memory_space<vmem>>
      %dma_wait3A_25 = arith.constant 0 : i32
      %dma_wait3A_26 = tpu.memref_slice %arg3[%dma_wait3A_19, %dma_wait3A_20, %dma_wait3A_25] : memref<125000x8x32xf32, #tpu.memory_space<hbm>> -> memref<1x1x32xf32, #tpu.memory_space<hbm>>
      %dma_wait3A_27 = tpu.memref_squeeze %dma_wait3A_26 : memref<1x1x32xf32, #tpu.memory_space<hbm>> -> memref<32xf32, #tpu.memory_space<hbm>>
      %dma_wait3A_28 = arith.constant 0 : i32
      %dma_wait3A_29 = tpu.memref_slice %arg6[%dma_wait3A_21, %dma_wait3A_28] : memref<512x32xf32, #tpu.memory_space<vmem>> -> memref<1x32xf32, #tpu.memory_space<vmem>>
      %dma_wait3A_30 = tpu.memref_squeeze %dma_wait3A_29 : memref<1x32xf32, #tpu.memory_space<vmem>> -> memref<32xf32, #tpu.memory_space<vmem>>
      %dma_wait3A_31 = arith.constant 0 : i32
      %dma_wait3A_32 = tpu.memref_slice %arg3[%dma_wait3A_19, %dma_wait3A_20, %dma_wait3A_31] : memref<125000x8x32xf32, #tpu.memory_space<hbm>> -> memref<1x1x32xf32, #tpu.memory_space<hbm>>
      %dma_wait3A_33 = tpu.memref_squeeze %dma_wait3A_32 : memref<1x1x32xf32, #tpu.memory_space<hbm>> -> memref<32xf32, #tpu.memory_space<hbm>>
      tpu.wait_dma2 semaphore(%arg7 : memref<!tpu.dma_semaphore, #tpu.memory_space<semaphore_mem>>) src(%dma_wait3A_33 : memref<32xf32, #tpu.memory_space<hbm>>) dst(%dma_wait3A_30 : memref<32xf32, #tpu.memory_space<vmem>>)
      %dma_wait3A_34 = arith.constant 0 : i32
      %dma_wait3A_35 = arith.constant 0 : i32
      %dma_wait3A_36 = arith.constant 0 : i32
      %dma_wait3A_37 = arith.constant 0 : i32
      %dma_wait3A_38 = tpu.memref_slice %arg6[%dma_wait3A_36, %dma_wait3A_37] : memref<512x32xf32, #tpu.memory_space<vmem>> -> memref<1x32xf32, #tpu.memory_space<vmem>>
      %dma_wait3A_39 = tpu.memref_squeeze %dma_wait3A_38 : memref<1x32xf32, #tpu.memory_space<vmem>> -> memref<32xf32, #tpu.memory_space<vmem>>
      %dma_wait3A_40 = arith.constant 0 : i32
      %dma_wait3A_41 = tpu.memref_slice %arg3[%dma_wait3A_34, %dma_wait3A_35, %dma_wait3A_40] : memref<125000x8x32xf32, #tpu.memory_space<hbm>> -> memref<1x1x32xf32, #tpu.memory_space<hbm>>
      %dma_wait3A_42 = tpu.memref_squeeze %dma_wait3A_41 : memref<1x1x32xf32, #tpu.memory_space<hbm>> -> memref<32xf32, #tpu.memory_space<hbm>>
      %dma_wait3A_43 = arith.constant 0 : i32
      %dma_wait3A_44 = tpu.memref_slice %arg6[%dma_wait3A_36, %dma_wait3A_43] : memref<512x32xf32, #tpu.memory_space<vmem>> -> memref<1x32xf32, #tpu.memory_space<vmem>>
      %dma_wait3A_45 = tpu.memref_squeeze %dma_wait3A_44 : memref<1x32xf32, #tpu.memory_space<vmem>> -> memref<32xf32, #tpu.memory_space<vmem>>
      %dma_wait3A_46 = arith.constant 0 : i32
      %dma_wait3A_47 = tpu.memref_slice %arg3[%dma_wait3A_34, %dma_wait3A_35, %dma_wait3A_46] : memref<125000x8x32xf32, #tpu.memory_space<hbm>> -> memref<1x1x32xf32, #tpu.memory_space<hbm>>
      %dma_wait3A_48 = tpu.memref_squeeze %dma_wait3A_47 : memref<1x1x32xf32, #tpu.memory_space<hbm>> -> memref<32xf32, #tpu.memory_space<hbm>>
      tpu.wait_dma2 semaphore(%arg7 : memref<!tpu.dma_semaphore, #tpu.memory_space<semaphore_mem>>) src(%dma_wait3A_48 : memref<32xf32, #tpu.memory_space<hbm>>) dst(%dma_wait3A_45 : memref<32xf32, #tpu.memory_space<vmem>>)
      %dma_wait3A_49 = arith.constant 0 : i32
      %dma_wait3A_50 = arith.constant 0 : i32
      %dma_wait3A_51 = arith.constant 0 : i32
      %dma_wait3A_52 = arith.constant 0 : i32
      %dma_wait3A_53 = tpu.memref_slice %arg6[%dma_wait3A_51, %dma_wait3A_52] : memref<512x32xf32, #tpu.memory_space<vmem>> -> memref<1x32xf32, #tpu.memory_space<vmem>>
      %dma_wait3A_54 = tpu.memref_squeeze %dma_wait3A_53 : memref<1x32xf32, #tpu.memory_space<vmem>> -> memref<32xf32, #tpu.memory_space<vmem>>
      %dma_wait3A_55 = arith.constant 0 : i32
      %dma_wait3A_56 = tpu.memref_slice %arg3[%dma_wait3A_49, %dma_wait3A_50, %dma_wait3A_55] : memref<125000x8x32xf32, #tpu.memory_space<hbm>> -> memref<1x1x32xf32, #tpu.memory_space<hbm>>
      %dma_wait3A_57 = tpu.memref_squeeze %dma_wait3A_56 : memref<1x1x32xf32, #tpu.memory_space<hbm>> -> memref<32xf32, #tpu.memory_space<hbm>>
      %dma_wait3A_58 = arith.constant 0 : i32
      %dma_wait3A_59 = tpu.memref_slice %arg6[%dma_wait3A_51, %dma_wait3A_58] : memref<512x32xf32, #tpu.memory_space<vmem>> -> memref<1x32xf32, #tpu.memory_space<vmem>>
      %dma_wait3A_60 = tpu.memref_squeeze %dma_wait3A_59 : memref<1x32xf32, #tpu.memory_space<vmem>> -> memref<32xf32, #tpu.memory_space<vmem>>
      %dma_wait3A_61 = arith.constant 0 : i32
      %dma_wait3A_62 = tpu.memref_slice %arg3[%dma_wait3A_49, %dma_wait3A_50, %dma_wait3A_61] : memref<125000x8x32xf32, #tpu.memory_space<hbm>> -> memref<1x1x32xf32, #tpu.memory_space<hbm>>
      %dma_wait3A_63 = tpu.memref_squeeze %dma_wait3A_62 : memref<1x1x32xf32, #tpu.memory_space<hbm>> -> memref<32xf32, #tpu.memory_space<hbm>>
      tpu.wait_dma2 semaphore(%arg7 : memref<!tpu.dma_semaphore, #tpu.memory_space<semaphore_mem>>) src(%dma_wait3A_63 : memref<32xf32, #tpu.memory_space<hbm>>) dst(%dma_wait3A_60 : memref<32xf32, #tpu.memory_space<vmem>>)
      %dma_wait3A_64 = arith.constant 0 : i32
      %dma_wait3A_65 = arith.constant 0 : i32
      %dma_wait3A_66 = arith.constant 0 : i32
      %dma_wait3A_67 = arith.constant 0 : i32
      %dma_wait3A_68 = tpu.memref_slice %arg6[%dma_wait3A_66, %dma_wait3A_67] : memref<512x32xf32, #tpu.memory_space<vmem>> -> memref<1x32xf32, #tpu.memory_space<vmem>>
      %dma_wait3A_69 = tpu.memref_squeeze %dma_wait3A_68 : memref<1x32xf32, #tpu.memory_space<vmem>> -> memref<32xf32, #tpu.memory_space<vmem>>
      %dma_wait3A_70 = arith.constant 0 : i32
      %dma_wait3A_71 = tpu.memref_slice %arg3[%dma_wait3A_64, %dma_wait3A_65, %dma_wait3A_70] : memref<125000x8x32xf32, #tpu.memory_space<hbm>> -> memref<1x1x32xf32, #tpu.memory_space<hbm>>
      %dma_wait3A_72 = tpu.memref_squeeze %dma_wait3A_71 : memref<1x1x32xf32, #tpu.memory_space<hbm>> -> memref<32xf32, #tpu.memory_space<hbm>>
      %dma_wait3A_73 = arith.constant 0 : i32
      %dma_wait3A_74 = tpu.memref_slice %arg6[%dma_wait3A_66, %dma_wait3A_73] : memref<512x32xf32, #tpu.memory_space<vmem>> -> memref<1x32xf32, #tpu.memory_space<vmem>>
      %dma_wait3A_75 = tpu.memref_squeeze %dma_wait3A_74 : memref<1x32xf32, #tpu.memory_space<vmem>> -> memref<32xf32, #tpu.memory_space<vmem>>
      %dma_wait3A_76 = arith.constant 0 : i32
      %dma_wait3A_77 = tpu.memref_slice %arg3[%dma_wait3A_64, %dma_wait3A_65, %dma_wait3A_76] : memref<125000x8x32xf32, #tpu.memory_space<hbm>> -> memref<1x1x32xf32, #tpu.memory_space<hbm>>
      %dma_wait3A_78 = tpu.memref_squeeze %dma_wait3A_77 : memref<1x1x32xf32, #tpu.memory_space<hbm>> -> memref<32xf32, #tpu.memory_space<hbm>>
      tpu.wait_dma2 semaphore(%arg7 : memref<!tpu.dma_semaphore, #tpu.memory_space<semaphore_mem>>) src(%dma_wait3A_78 : memref<32xf32, #tpu.memory_space<hbm>>) dst(%dma_wait3A_75 : memref<32xf32, #tpu.memory_space<vmem>>)
      %dma_wait3A_79 = arith.constant 0 : i32
      %dma_wait3A_80 = arith.constant 0 : i32
      %dma_wait3A_81 = arith.constant 0 : i32
      %dma_wait3A_82 = arith.constant 0 : i32
      %dma_wait3A_83 = tpu.memref_slice %arg6[%dma_wait3A_81, %dma_wait3A_82] : memref<512x32xf32, #tpu.memory_space<vmem>> -> memref<1x32xf32, #tpu.memory_space<vmem>>
      %dma_wait3A_84 = tpu.memref_squeeze %dma_wait3A_83 : memref<1x32xf32, #tpu.memory_space<vmem>> -> memref<32xf32, #tpu.memory_space<vmem>>
      %dma_wait3A_85 = arith.constant 0 : i32
      %dma_wait3A_86 = tpu.memref_slice %arg3[%dma_wait3A_79, %dma_wait3A_80, %dma_wait3A_85] : memref<125000x8x32xf32, #tpu.memory_space<hbm>> -> memref<1x1x32xf32, #tpu.memory_space<hbm>>
      %dma_wait3A_87 = tpu.memref_squeeze %dma_wait3A_86 : memref<1x1x32xf32, #tpu.memory_space<hbm>> -> memref<32xf32, #tpu.memory_space<hbm>>
      %dma_wait3A_88 = arith.constant 0 : i32
      %dma_wait3A_89 = tpu.memref_slice %arg6[%dma_wait3A_81, %dma_wait3A_88] : memref<512x32xf32, #tpu.memory_space<vmem>> -> memref<1x32xf32, #tpu.memory_space<vmem>>
      %dma_wait3A_90 = tpu.memref_squeeze %dma_wait3A_89 : memref<1x32xf32, #tpu.memory_space<vmem>> -> memref<32xf32, #tpu.memory_space<vmem>>
      %dma_wait3A_91 = arith.constant 0 : i32
      %dma_wait3A_92 = tpu.memref_slice %arg3[%dma_wait3A_79, %dma_wait3A_80, %dma_wait3A_91] : memref<125000x8x32xf32, #tpu.memory_space<hbm>> -> memref<1x1x32xf32, #tpu.memory_space<hbm>>
      %dma_wait3A_93 = tpu.memref_squeeze %dma_wait3A_92 : memref<1x1x32xf32, #tpu.memory_space<hbm>> -> memref<32xf32, #tpu.memory_space<hbm>>
      tpu.wait_dma2 semaphore(%arg7 : memref<!tpu.dma_semaphore, #tpu.memory_space<semaphore_mem>>) src(%dma_wait3A_93 : memref<32xf32, #tpu.memory_space<hbm>>) dst(%dma_wait3A_90 : memref<32xf32, #tpu.memory_space<vmem>>)
      %dma_wait3A_94 = arith.constant 0 : i32
      %dma_wait3A_95 = arith.constant 0 : i32
      %dma_wait3A_96 = arith.constant 0 : i32
      %dma_wait3A_97 = arith.constant 0 : i32
      %dma_wait3A_98 = tpu.memref_slice %arg6[%dma_wait3A_96, %dma_wait3A_97] : memref<512x32xf32, #tpu.memory_space<vmem>> -> memref<1x32xf32, #tpu.memory_space<vmem>>
      %dma_wait3A_99 = tpu.memref_squeeze %dma_wait3A_98 : memref<1x32xf32, #tpu.memory_space<vmem>> -> memref<32xf32, #tpu.memory_space<vmem>>
      %dma_wait3A_100 = arith.constant 0 : i32
      %dma_wait3A_101 = tpu.memref_slice %arg3[%dma_wait3A_94, %dma_wait3A_95, %dma_wait3A_100] : memref<125000x8x32xf32, #tpu.memory_space<hbm>> -> memref<1x1x32xf32, #tpu.memory_space<hbm>>
      %dma_wait3A_102 = tpu.memref_squeeze %dma_wait3A_101 : memref<1x1x32xf32, #tpu.memory_space<hbm>> -> memref<32xf32, #tpu.memory_space<hbm>>
      %dma_wait3A_103 = arith.constant 0 : i32
      %dma_wait3A_104 = tpu.memref_slice %arg6[%dma_wait3A_96, %dma_wait3A_103] : memref<512x32xf32, #tpu.memory_space<vmem>> -> memref<1x32xf32, #tpu.memory_space<vmem>>
      %dma_wait3A_105 = tpu.memref_squeeze %dma_wait3A_104 : memref<1x32xf32, #tpu.memory_space<vmem>> -> memref<32xf32, #tpu.memory_space<vmem>>
      %dma_wait3A_106 = arith.constant 0 : i32
      %dma_wait3A_107 = tpu.memref_slice %arg3[%dma_wait3A_94, %dma_wait3A_95, %dma_wait3A_106] : memref<125000x8x32xf32, #tpu.memory_space<hbm>> -> memref<1x1x32xf32, #tpu.memory_space<hbm>>
      %dma_wait3A_108 = tpu.memref_squeeze %dma_wait3A_107 : memref<1x1x32xf32, #tpu.memory_space<hbm>> -> memref<32xf32, #tpu.memory_space<hbm>>
      tpu.wait_dma2 semaphore(%arg7 : memref<!tpu.dma_semaphore, #tpu.memory_space<semaphore_mem>>) src(%dma_wait3A_108 : memref<32xf32, #tpu.memory_space<hbm>>) dst(%dma_wait3A_105 : memref<32xf32, #tpu.memory_space<vmem>>)
      %dma_wait3A_109 = arith.constant 0 : i32
      %dma_wait3A_110 = arith.constant 0 : i32
      %dma_wait3A_111 = arith.constant 0 : i32
      %dma_wait3A_112 = arith.constant 0 : i32
      %dma_wait3A_113 = tpu.memref_slice %arg6[%dma_wait3A_111, %dma_wait3A_112] : memref<512x32xf32, #tpu.memory_space<vmem>> -> memref<1x32xf32, #tpu.memory_space<vmem>>
      %dma_wait3A_114 = tpu.memref_squeeze %dma_wait3A_113 : memref<1x32xf32, #tpu.memory_space<vmem>> -> memref<32xf32, #tpu.memory_space<vmem>>
      %dma_wait3A_115 = arith.constant 0 : i32
      %dma_wait3A_116 = tpu.memref_slice %arg3[%dma_wait3A_109, %dma_wait3A_110, %dma_wait3A_115] : memref<125000x8x32xf32, #tpu.memory_space<hbm>> -> memref<1x1x32xf32, #tpu.memory_space<hbm>>
      %dma_wait3A_117 = tpu.memref_squeeze %dma_wait3A_116 : memref<1x1x32xf32, #tpu.memory_space<hbm>> -> memref<32xf32, #tpu.memory_space<hbm>>
      %dma_wait3A_118 = arith.constant 0 : i32
      %dma_wait3A_119 = tpu.memref_slice %arg6[%dma_wait3A_111, %dma_wait3A_118] : memref<512x32xf32, #tpu.memory_space<vmem>> -> memref<1x32xf32, #tpu.memory_space<vmem>>
      %dma_wait3A_120 = tpu.memref_squeeze %dma_wait3A_119 : memref<1x32xf32, #tpu.memory_space<vmem>> -> memref<32xf32, #tpu.memory_space<vmem>>
      %dma_wait3A_121 = arith.constant 0 : i32
      %dma_wait3A_122 = tpu.memref_slice %arg3[%dma_wait3A_109, %dma_wait3A_110, %dma_wait3A_121] : memref<125000x8x32xf32, #tpu.memory_space<hbm>> -> memref<1x1x32xf32, #tpu.memory_space<hbm>>
      %dma_wait3A_123 = tpu.memref_squeeze %dma_wait3A_122 : memref<1x1x32xf32, #tpu.memory_space<hbm>> -> memref<32xf32, #tpu.memory_space<hbm>>
      tpu.wait_dma2 semaphore(%arg7 : memref<!tpu.dma_semaphore, #tpu.memory_space<semaphore_mem>>) src(%dma_wait3A_123 : memref<32xf32, #tpu.memory_space<hbm>>) dst(%dma_wait3A_120 : memref<32xf32, #tpu.memory_space<vmem>>)
      %dma_wait3A_124 = arith.constant 0 : i32
      %dma_wait3A_125 = arith.constant 0 : i32
      %dma_wait3A_126 = arith.constant 0 : i32
      %dma_wait3A_127 = arith.constant 0 : i32
      %dma_wait3A_128 = tpu.memref_slice %arg6[%dma_wait3A_126, %dma_wait3A_127] : memref<512x32xf32, #tpu.memory_space<vmem>> -> memref<1x32xf32, #tpu.memory_space<vmem>>
      %dma_wait3A_129 = tpu.memref_squeeze %dma_wait3A_128 : memref<1x32xf32, #tpu.memory_space<vmem>> -> memref<32xf32, #tpu.memory_space<vmem>>
      %dma_wait3A_130 = arith.constant 0 : i32
      %dma_wait3A_131 = tpu.memref_slice %arg3[%dma_wait3A_124, %dma_wait3A_125, %dma_wait3A_130] : memref<125000x8x32xf32, #tpu.memory_space<hbm>> -> memref<1x1x32xf32, #tpu.memory_space<hbm>>
      %dma_wait3A_132 = tpu.memref_squeeze %dma_wait3A_131 : memref<1x1x32xf32, #tpu.memory_space<hbm>> -> memref<32xf32, #tpu.memory_space<hbm>>
      %dma_wait3A_133 = arith.constant 0 : i32
      %dma_wait3A_134 = tpu.memref_slice %arg6[%dma_wait3A_126, %dma_wait3A_133] : memref<512x32xf32, #tpu.memory_space<vmem>> -> memref<1x32xf32, #tpu.memory_space<vmem>>
      %dma_wait3A_135 = tpu.memref_squeeze %dma_wait3A_134 : memref<1x32xf32, #tpu.memory_space<vmem>> -> memref<32xf32, #tpu.memory_space<vmem>>
      %dma_wait3A_136 = arith.constant 0 : i32
      %dma_wait3A_137 = tpu.memref_slice %arg3[%dma_wait3A_124, %dma_wait3A_125, %dma_wait3A_136] : memref<125000x8x32xf32, #tpu.memory_space<hbm>> -> memref<1x1x32xf32, #tpu.memory_space<hbm>>
      %dma_wait3A_138 = tpu.memref_squeeze %dma_wait3A_137 : memref<1x1x32xf32, #tpu.memory_space<hbm>> -> memref<32xf32, #tpu.memory_space<hbm>>
      tpu.wait_dma2 semaphore(%arg7 : memref<!tpu.dma_semaphore, #tpu.memory_space<semaphore_mem>>) src(%dma_wait3A_138 : memref<32xf32, #tpu.memory_space<hbm>>) dst(%dma_wait3A_135 : memref<32xf32, #tpu.memory_space<vmem>>)
      %dma_wait3A_139 = arith.constant 0 : i32
      %dma_wait3A_140 = arith.constant 0 : i32
      %dma_wait3A_141 = arith.constant 0 : i32
      %dma_wait3A_142 = arith.constant 0 : i32
      %dma_wait3A_143 = tpu.memref_slice %arg6[%dma_wait3A_141, %dma_wait3A_142] : memref<512x32xf32, #tpu.memory_space<vmem>> -> memref<1x32xf32, #tpu.memory_space<vmem>>
      %dma_wait3A_144 = tpu.memref_squeeze %dma_wait3A_143 : memref<1x32xf32, #tpu.memory_space<vmem>> -> memref<32xf32, #tpu.memory_space<vmem>>
      %dma_wait3A_145 = arith.constant 0 : i32
      %dma_wait3A_146 = tpu.memref_slice %arg3[%dma_wait3A_139, %dma_wait3A_140, %dma_wait3A_145] : memref<125000x8x32xf32, #tpu.memory_space<hbm>> -> memref<1x1x32xf32, #tpu.memory_space<hbm>>
      %dma_wait3A_147 = tpu.memref_squeeze %dma_wait3A_146 : memref<1x1x32xf32, #tpu.memory_space<hbm>> -> memref<32xf32, #tpu.memory_space<hbm>>
      %dma_wait3A_148 = arith.constant 0 : i32
      %dma_wait3A_149 = tpu.memref_slice %arg6[%dma_wait3A_141, %dma_wait3A_148] : memref<512x32xf32, #tpu.memory_space<vmem>> -> memref<1x32xf32, #tpu.memory_space<vmem>>
      %dma_wait3A_150 = tpu.memref_squeeze %dma_wait3A_149 : memref<1x32xf32, #tpu.memory_space<vmem>> -> memref<32xf32, #tpu.memory_space<vmem>>
      %dma_wait3A_151 = arith.constant 0 : i32
      %dma_wait3A_152 = tpu.memref_slice %arg3[%dma_wait3A_139, %dma_wait3A_140, %dma_wait3A_151] : memref<125000x8x32xf32, #tpu.memory_space<hbm>> -> memref<1x1x32xf32, #tpu.memory_space<hbm>>
      %dma_wait3A_153 = tpu.memref_squeeze %dma_wait3A_152 : memref<1x1x32xf32, #tpu.memory_space<hbm>> -> memref<32xf32, #tpu.memory_space<hbm>>
      tpu.wait_dma2 semaphore(%arg7 : memref<!tpu.dma_semaphore, #tpu.memory_space<semaphore_mem>>) src(%dma_wait3A_153 : memref<32xf32, #tpu.memory_space<hbm>>) dst(%dma_wait3A_150 : memref<32xf32, #tpu.memory_space<vmem>>)
      %dma_wait3A_154 = arith.constant 0 : i32
      %dma_wait3A_155 = arith.constant 0 : i32
      %dma_wait3A_156 = arith.constant 0 : i32
      %dma_wait3A_157 = arith.constant 0 : i32
      %dma_wait3A_158 = tpu.memref_slice %arg6[%dma_wait3A_156, %dma_wait3A_157] : memref<512x32xf32, #tpu.memory_space<vmem>> -> memref<1x32xf32, #tpu.memory_space<vmem>>
      %dma_wait3A_159 = tpu.memref_squeeze %dma_wait3A_158 : memref<1x32xf32, #tpu.memory_space<vmem>> -> memref<32xf32, #tpu.memory_space<vmem>>
      %dma_wait3A_160 = arith.constant 0 : i32
      %dma_wait3A_161 = tpu.memref_slice %arg3[%dma_wait3A_154, %dma_wait3A_155, %dma_wait3A_160] : memref<125000x8x32xf32, #tpu.memory_space<hbm>> -> memref<1x1x32xf32, #tpu.memory_space<hbm>>
      %dma_wait3A_162 = tpu.memref_squeeze %dma_wait3A_161 : memref<1x1x32xf32, #tpu.memory_space<hbm>> -> memref<32xf32, #tpu.memory_space<hbm>>
      %dma_wait3A_163 = arith.constant 0 : i32
      %dma_wait3A_164 = tpu.memref_slice %arg6[%dma_wait3A_156, %dma_wait3A_163] : memref<512x32xf32, #tpu.memory_space<vmem>> -> memref<1x32xf32, #tpu.memory_space<vmem>>
      %dma_wait3A_165 = tpu.memref_squeeze %dma_wait3A_164 : memref<1x32xf32, #tpu.memory_space<vmem>> -> memref<32xf32, #tpu.memory_space<vmem>>
      %dma_wait3A_166 = arith.constant 0 : i32
      %dma_wait3A_167 = tpu.memref_slice %arg3[%dma_wait3A_154, %dma_wait3A_155, %dma_wait3A_166] : memref<125000x8x32xf32, #tpu.memory_space<hbm>> -> memref<1x1x32xf32, #tpu.memory_space<hbm>>
      %dma_wait3A_168 = tpu.memref_squeeze %dma_wait3A_167 : memref<1x1x32xf32, #tpu.memory_space<hbm>> -> memref<32xf32, #tpu.memory_space<hbm>>
      tpu.wait_dma2 semaphore(%arg7 : memref<!tpu.dma_semaphore, #tpu.memory_space<semaphore_mem>>) src(%dma_wait3A_168 : memref<32xf32, #tpu.memory_space<hbm>>) dst(%dma_wait3A_165 : memref<32xf32, #tpu.memory_space<vmem>>)
      %dma_wait3A_169 = arith.constant 0 : i32
      %dma_wait3A_170 = arith.constant 0 : i32
      %dma_wait3A_171 = arith.constant 0 : i32
      %dma_wait3A_172 = arith.constant 0 : i32
      %dma_wait3A_173 = tpu.memref_slice %arg6[%dma_wait3A_171, %dma_wait3A_172] : memref<512x32xf32, #tpu.memory_space<vmem>> -> memref<1x32xf32, #tpu.memory_space<vmem>>
      %dma_wait3A_174 = tpu.memref_squeeze %dma_wait3A_173 : memref<1x32xf32, #tpu.memory_space<vmem>> -> memref<32xf32, #tpu.memory_space<vmem>>
      %dma_wait3A_175 = arith.constant 0 : i32
      %dma_wait3A_176 = tpu.memref_slice %arg3[%dma_wait3A_169, %dma_wait3A_170, %dma_wait3A_175] : memref<125000x8x32xf32, #tpu.memory_space<hbm>> -> memref<1x1x32xf32, #tpu.memory_space<hbm>>
      %dma_wait3A_177 = tpu.memref_squeeze %dma_wait3A_176 : memref<1x1x32xf32, #tpu.memory_space<hbm>> -> memref<32xf32, #tpu.memory_space<hbm>>
      %dma_wait3A_178 = arith.constant 0 : i32
      %dma_wait3A_179 = tpu.memref_slice %arg6[%dma_wait3A_171, %dma_wait3A_178] : memref<512x32xf32, #tpu.memory_space<vmem>> -> memref<1x32xf32, #tpu.memory_space<vmem>>
      %dma_wait3A_180 = tpu.memref_squeeze %dma_wait3A_179 : memref<1x32xf32, #tpu.memory_space<vmem>> -> memref<32xf32, #tpu.memory_space<vmem>>
      %dma_wait3A_181 = arith.constant 0 : i32
      %dma_wait3A_182 = tpu.memref_slice %arg3[%dma_wait3A_169, %dma_wait3A_170, %dma_wait3A_181] : memref<125000x8x32xf32, #tpu.memory_space<hbm>> -> memref<1x1x32xf32, #tpu.memory_space<hbm>>
      %dma_wait3A_183 = tpu.memref_squeeze %dma_wait3A_182 : memref<1x1x32xf32, #tpu.memory_space<hbm>> -> memref<32xf32, #tpu.memory_space<hbm>>
      tpu.wait_dma2 semaphore(%arg7 : memref<!tpu.dma_semaphore, #tpu.memory_space<semaphore_mem>>) src(%dma_wait3A_183 : memref<32xf32, #tpu.memory_space<hbm>>) dst(%dma_wait3A_180 : memref<32xf32, #tpu.memory_space<vmem>>)
      %dma_wait3A_184 = arith.constant 0 : i32
      %dma_wait3A_185 = arith.constant 0 : i32
      %dma_wait3A_186 = arith.constant 0 : i32
      %dma_wait3A_187 = arith.constant 0 : i32
      %dma_wait3A_188 = tpu.memref_slice %arg6[%dma_wait3A_186, %dma_wait3A_187] : memref<512x32xf32, #tpu.memory_space<vmem>> -> memref<1x32xf32, #tpu.memory_space<vmem>>
      %dma_wait3A_189 = tpu.memref_squeeze %dma_wait3A_188 : memref<1x32xf32, #tpu.memory_space<vmem>> -> memref<32xf32, #tpu.memory_space<vmem>>
      %dma_wait3A_190 = arith.constant 0 : i32
      %dma_wait3A_191 = tpu.memref_slice %arg3[%dma_wait3A_184, %dma_wait3A_185, %dma_wait3A_190] : memref<125000x8x32xf32, #tpu.memory_space<hbm>> -> memref<1x1x32xf32, #tpu.memory_space<hbm>>
      %dma_wait3A_192 = tpu.memref_squeeze %dma_wait3A_191 : memref<1x1x32xf32, #tpu.memory_space<hbm>> -> memref<32xf32, #tpu.memory_space<hbm>>
      %dma_wait3A_193 = arith.constant 0 : i32
      %dma_wait3A_194 = tpu.memref_slice %arg6[%dma_wait3A_186, %dma_wait3A_193] : memref<512x32xf32, #tpu.memory_space<vmem>> -> memref<1x32xf32, #tpu.memory_space<vmem>>
      %dma_wait3A_195 = tpu.memref_squeeze %dma_wait3A_194 : memref<1x32xf32, #tpu.memory_space<vmem>> -> memref<32xf32, #tpu.memory_space<vmem>>
      %dma_wait3A_196 = arith.constant 0 : i32
      %dma_wait3A_197 = tpu.memref_slice %arg3[%dma_wait3A_184, %dma_wait3A_185, %dma_wait3A_196] : memref<125000x8x32xf32, #tpu.memory_space<hbm>> -> memref<1x1x32xf32, #tpu.memory_space<hbm>>
      %dma_wait3A_198 = tpu.memref_squeeze %dma_wait3A_197 : memref<1x1x32xf32, #tpu.memory_space<hbm>> -> memref<32xf32, #tpu.memory_space<hbm>>
      tpu.wait_dma2 semaphore(%arg7 : memref<!tpu.dma_semaphore, #tpu.memory_space<semaphore_mem>>) src(%dma_wait3A_198 : memref<32xf32, #tpu.memory_space<hbm>>) dst(%dma_wait3A_195 : memref<32xf32, #tpu.memory_space<vmem>>)
      %dma_wait3A_199 = arith.constant 0 : i32
      %dma_wait3A_200 = arith.constant 0 : i32
      %dma_wait3A_201 = arith.constant 0 : i32
      %dma_wait3A_202 = arith.constant 0 : i32
      %dma_wait3A_203 = tpu.memref_slice %arg6[%dma_wait3A_201, %dma_wait3A_202] : memref<512x32xf32, #tpu.memory_space<vmem>> -> memref<1x32xf32, #tpu.memory_space<vmem>>
      %dma_wait3A_204 = tpu.memref_squeeze %dma_wait3A_203 : memref<1x32xf32, #tpu.memory_space<vmem>> -> memref<32xf32, #tpu.memory_space<vmem>>
      %dma_wait3A_205 = arith.constant 0 : i32
      %dma_wait3A_206 = tpu.memref_slice %arg3[%dma_wait3A_199, %dma_wait3A_200, %dma_wait3A_205] : memref<125000x8x32xf32, #tpu.memory_space<hbm>> -> memref<1x1x32xf32, #tpu.memory_space<hbm>>
      %dma_wait3A_207 = tpu.memref_squeeze %dma_wait3A_206 : memref<1x1x32xf32, #tpu.memory_space<hbm>> -> memref<32xf32, #tpu.memory_space<hbm>>
      %dma_wait3A_208 = arith.constant 0 : i32
      %dma_wait3A_209 = tpu.memref_slice %arg6[%dma_wait3A_201, %dma_wait3A_208] : memref<512x32xf32, #tpu.memory_space<vmem>> -> memref<1x32xf32, #tpu.memory_space<vmem>>
      %dma_wait3A_210 = tpu.memref_squeeze %dma_wait3A_209 : memref<1x32xf32, #tpu.memory_space<vmem>> -> memref<32xf32, #tpu.memory_space<vmem>>
      %dma_wait3A_211 = arith.constant 0 : i32
      %dma_wait3A_212 = tpu.memref_slice %arg3[%dma_wait3A_199, %dma_wait3A_200, %dma_wait3A_211] : memref<125000x8x32xf32, #tpu.memory_space<hbm>> -> memref<1x1x32xf32, #tpu.memory_space<hbm>>
      %dma_wait3A_213 = tpu.memref_squeeze %dma_wait3A_212 : memref<1x1x32xf32, #tpu.memory_space<hbm>> -> memref<32xf32, #tpu.memory_space<hbm>>
      tpu.wait_dma2 semaphore(%arg7 : memref<!tpu.dma_semaphore, #tpu.memory_space<semaphore_mem>>) src(%dma_wait3A_213 : memref<32xf32, #tpu.memory_space<hbm>>) dst(%dma_wait3A_210 : memref<32xf32, #tpu.memory_space<vmem>>)
      %dma_wait3A_214 = arith.constant 0 : i32
      %dma_wait3A_215 = arith.constant 0 : i32
      %dma_wait3A_216 = arith.constant 0 : i32
      %dma_wait3A_217 = arith.constant 0 : i32
      %dma_wait3A_218 = tpu.memref_slice %arg6[%dma_wait3A_216, %dma_wait3A_217] : memref<512x32xf32, #tpu.memory_space<vmem>> -> memref<1x32xf32, #tpu.memory_space<vmem>>
      %dma_wait3A_219 = tpu.memref_squeeze %dma_wait3A_218 : memref<1x32xf32, #tpu.memory_space<vmem>> -> memref<32xf32, #tpu.memory_space<vmem>>
      %dma_wait3A_220 = arith.constant 0 : i32
      %dma_wait3A_221 = tpu.memref_slice %arg3[%dma_wait3A_214, %dma_wait3A_215, %dma_wait3A_220] : memref<125000x8x32xf32, #tpu.memory_space<hbm>> -> memref<1x1x32xf32, #tpu.memory_space<hbm>>
      %dma_wait3A_222 = tpu.memref_squeeze %dma_wait3A_221 : memref<1x1x32xf32, #tpu.memory_space<hbm>> -> memref<32xf32, #tpu.memory_space<hbm>>
      %dma_wait3A_223 = arith.constant 0 : i32
      %dma_wait3A_224 = tpu.memref_slice %arg6[%dma_wait3A_216, %dma_wait3A_223] : memref<512x32xf32, #tpu.memory_space<vmem>> -> memref<1x32xf32, #tpu.memory_space<vmem>>
      %dma_wait3A_225 = tpu.memref_squeeze %dma_wait3A_224 : memref<1x32xf32, #tpu.memory_space<vmem>> -> memref<32xf32, #tpu.memory_space<vmem>>
      %dma_wait3A_226 = arith.constant 0 : i32
      %dma_wait3A_227 = tpu.memref_slice %arg3[%dma_wait3A_214, %dma_wait3A_215, %dma_wait3A_226] : memref<125000x8x32xf32, #tpu.memory_space<hbm>> -> memref<1x1x32xf32, #tpu.memory_space<hbm>>
      %dma_wait3A_228 = tpu.memref_squeeze %dma_wait3A_227 : memref<1x1x32xf32, #tpu.memory_space<hbm>> -> memref<32xf32, #tpu.memory_space<hbm>>
      tpu.wait_dma2 semaphore(%arg7 : memref<!tpu.dma_semaphore, #tpu.memory_space<semaphore_mem>>) src(%dma_wait3A_228 : memref<32xf32, #tpu.memory_space<hbm>>) dst(%dma_wait3A_225 : memref<32xf32, #tpu.memory_space<vmem>>)
      %dma_wait3A_229 = arith.constant 0 : i32
      %dma_wait3A_230 = arith.constant 0 : i32
      %dma_wait3A_231 = arith.constant 0 : i32
      %dma_wait3A_232 = arith.constant 0 : i32
      %dma_wait3A_233 = tpu.memref_slice %arg6[%dma_wait3A_231, %dma_wait3A_232] : memref<512x32xf32, #tpu.memory_space<vmem>> -> memref<1x32xf32, #tpu.memory_space<vmem>>
      %dma_wait3A_234 = tpu.memref_squeeze %dma_wait3A_233 : memref<1x32xf32, #tpu.memory_space<vmem>> -> memref<32xf32, #tpu.memory_space<vmem>>
      %dma_wait3A_235 = arith.constant 0 : i32
      %dma_wait3A_236 = tpu.memref_slice %arg3[%dma_wait3A_229, %dma_wait3A_230, %dma_wait3A_235] : memref<125000x8x32xf32, #tpu.memory_space<hbm>> -> memref<1x1x32xf32, #tpu.memory_space<hbm>>
      %dma_wait3A_237 = tpu.memref_squeeze %dma_wait3A_236 : memref<1x1x32xf32, #tpu.memory_space<hbm>> -> memref<32xf32, #tpu.memory_space<hbm>>
      %dma_wait3A_238 = arith.constant 0 : i32
      %dma_wait3A_239 = tpu.memref_slice %arg6[%dma_wait3A_231, %dma_wait3A_238] : memref<512x32xf32, #tpu.memory_space<vmem>> -> memref<1x32xf32, #tpu.memory_space<vmem>>
      %dma_wait3A_240 = tpu.memref_squeeze %dma_wait3A_239 : memref<1x32xf32, #tpu.memory_space<vmem>> -> memref<32xf32, #tpu.memory_space<vmem>>
      %dma_wait3A_241 = arith.constant 0 : i32
      %dma_wait3A_242 = tpu.memref_slice %arg3[%dma_wait3A_229, %dma_wait3A_230, %dma_wait3A_241] : memref<125000x8x32xf32, #tpu.memory_space<hbm>> -> memref<1x1x32xf32, #tpu.memory_space<hbm>>
      %dma_wait3A_243 = tpu.memref_squeeze %dma_wait3A_242 : memref<1x1x32xf32, #tpu.memory_space<hbm>> -> memref<32xf32, #tpu.memory_space<hbm>>
      tpu.wait_dma2 semaphore(%arg7 : memref<!tpu.dma_semaphore, #tpu.memory_space<semaphore_mem>>) src(%dma_wait3A_243 : memref<32xf32, #tpu.memory_space<hbm>>) dst(%dma_wait3A_240 : memref<32xf32, #tpu.memory_space<vmem>>)
      %dma_wait3A_244 = arith.constant 0 : i32
      %dma_wait3A_245 = arith.constant 0 : i32
      %dma_wait3A_246 = arith.constant 0 : i32
      %dma_wait3A_247 = arith.constant 0 : i32
      %dma_wait3A_248 = tpu.memref_slice %arg6[%dma_wait3A_246, %dma_wait3A_247] : memref<512x32xf32, #tpu.memory_space<vmem>> -> memref<1x32xf32, #tpu.memory_space<vmem>>
      %dma_wait3A_249 = tpu.memref_squeeze %dma_wait3A_248 : memref<1x32xf32, #tpu.memory_space<vmem>> -> memref<32xf32, #tpu.memory_space<vmem>>
      %dma_wait3A_250 = arith.constant 0 : i32
      %dma_wait3A_251 = tpu.memref_slice %arg3[%dma_wait3A_244, %dma_wait3A_245, %dma_wait3A_250] : memref<125000x8x32xf32, #tpu.memory_space<hbm>> -> memref<1x1x32xf32, #tpu.memory_space<hbm>>
      %dma_wait3A_252 = tpu.memref_squeeze %dma_wait3A_251 : memref<1x1x32xf32, #tpu.memory_space<hbm>> -> memref<32xf32, #tpu.memory_space<hbm>>
      %dma_wait3A_253 = arith.constant 0 : i32
      %dma_wait3A_254 = tpu.memref_slice %arg6[%dma_wait3A_246, %dma_wait3A_253] : memref<512x32xf32, #tpu.memory_space<vmem>> -> memref<1x32xf32, #tpu.memory_space<vmem>>
      %dma_wait3A_255 = tpu.memref_squeeze %dma_wait3A_254 : memref<1x32xf32, #tpu.memory_space<vmem>> -> memref<32xf32, #tpu.memory_space<vmem>>
      %dma_wait3A_256 = arith.constant 0 : i32
      %dma_wait3A_257 = tpu.memref_slice %arg3[%dma_wait3A_244, %dma_wait3A_245, %dma_wait3A_256] : memref<125000x8x32xf32, #tpu.memory_space<hbm>> -> memref<1x1x32xf32, #tpu.memory_space<hbm>>
      %dma_wait3A_258 = tpu.memref_squeeze %dma_wait3A_257 : memref<1x1x32xf32, #tpu.memory_space<hbm>> -> memref<32xf32, #tpu.memory_space<hbm>>
      tpu.wait_dma2 semaphore(%arg7 : memref<!tpu.dma_semaphore, #tpu.memory_space<semaphore_mem>>) src(%dma_wait3A_258 : memref<32xf32, #tpu.memory_space<hbm>>) dst(%dma_wait3A_255 : memref<32xf32, #tpu.memory_space<vmem>>)
    }
    %scan3A_11 = arith.constant 32 : i32
    %dma_start3A = arith.constant 0 : i32
    %dma_start3A_12 = tpu.memref_slice %arg4[%mul3A_2, %dma_start3A] : memref<16384x32xf32, #tpu.memory_space<hbm>> -> memref<512x32xf32, #tpu.memory_space<hbm>>
    %dma_start3A_13 = arith.constant 0 : i32
    %dma_start3A_14 = tpu.memref_slice %arg4[%mul3A_2, %dma_start3A_13] : memref<16384x32xf32, #tpu.memory_space<hbm>> -> memref<512x32xf32, #tpu.memory_space<hbm>>
    tpu.enqueue_dma source(%arg6 : memref<512x32xf32, #tpu.memory_space<vmem>>) target(%dma_start3A_14 : memref<512x32xf32, #tpu.memory_space<hbm>>) target_semaphore(%arg8 : memref<!tpu.dma_semaphore, #tpu.memory_space<semaphore_mem>>)
    %dma_wait3A = arith.constant 0 : i32
    %dma_wait3A_15 = tpu.memref_slice %arg4[%mul3A_2, %dma_wait3A] : memref<16384x32xf32, #tpu.memory_space<hbm>> -> memref<512x32xf32, #tpu.memory_space<hbm>>
    %dma_wait3A_16 = arith.constant 0 : i32
    %dma_wait3A_17 = tpu.memref_slice %arg4[%mul3A_2, %dma_wait3A_16] : memref<16384x32xf32, #tpu.memory_space<hbm>> -> memref<512x32xf32, #tpu.memory_space<hbm>>
    tpu.wait_dma2 semaphore(%arg8 : memref<!tpu.dma_semaphore, #tpu.memory_space<semaphore_mem>>) src(%arg6 : memref<512x32xf32, #tpu.memory_space<vmem>>) dst(%dma_wait3A_17 : memref<512x32xf32, #tpu.memory_space<hbm>>)
    return
  }
}

</mosaic_0001>

<sc_bundles>
// kernel: kernel.4.cloned.1.call-start
scs
__scs_entry_jumppad:
0x0: {  	(pc) =	sbr.rel $0x88, $3  }
0x1: {  	(tag) =	ssettag $0x0;
	lr =	simm.s32 $0x1  }
0x2: {  	[smem:$0x3F9B] =	sst lr;
	_ =	strace $0xD0000000  }
0x3: {  	_ = 	snop  }
0x4: {  	_ = 	snop  }
0x5: {  	_ = 	snop  }
0x6: {  	_ = 	snop  }
0x7: {  	_ = 	snop  }
__scs_overlays_trampoline_lowered:
0x8: {  	[smem:$0x3FAA] =	sst s0  }
0x9: {  	[smem:$0x3FAB] =	sst s1  }
0xa: {  	[smem:$0x3FAC] =	sst s2  }
0xb: {  	[smem:$0x3FAD] =	sst s3  }
0xc: {  	[smem:$0x3FAE] =	sst s4  }
0xd: {  	[smem:$0x3FAF] =	sst s5  }
0xe: {  	[smem:$0x3FB0] =	sst s6  }
0xf: {  	[smem:$0x3FB1] =	sst s7  }
0x10: {  	[smem:$0x3FB2] =	sst s8  }
0x11: {  	[smem:$0x3FB3] =	sst s9;
	s0 =	simm.s32 @!p0 $0x0  }
0x12: {  	s1 =	sld [smem:$0x3F99];
	s0 =	simm.s32 @p0 $0x1  }
0x13: {  	[smem:$0x3FB4] =	sst s0;
	s0 =	simm.s32 @!p1 $0x0  }
0x14: {  	s2 =	sld [smem:$0x3F98];
	s0 =	simm.s32 @p1 $0x1  }
0x15: {  	[smem:$0x3FB5] =	sst s0;
	s0 =	simm.s32 @!p2 $0x0  }
0x16: {  	s3 =	sld [smem:$0x3FDB];
	s0 =	simm.s32 @p2 $0x1  }
0x17: {  	s4 =	simm.s32 $0x1BF5;
	[smem:$0x3FB7] =	sst s0  }
0x18: {  	s0 =	sld [smem:$0x3F9A];
	_ =	swait.ge [sflag:s4], $0x0  }
0x19: {  	s7 =	sld [smem:$0x3F9B]  }
0x1a: {  	s8 =	sadd.s32 $0xFFFFE003, lr  }
0x1b: {  	s9 =	sadd.s32 $0xFFFFFEF7, lr;
	s5 =	simm.s32 $0xFFFFFFFF;
	p2 =	slt.u32 s8, $0xFFFFF086  }
0x1c: {  	p1 =	slt.u32 s9, $0xF7A;
	s5 =	simm.s32 @!p2 $0x0  }
0x1d: {  	s5 =	simm.s32 @p1 $0x1;
	p0 =	seq.s32 s7, s2  }
0x1e: {  	s7 =	smul.u32 @!p0 $0xF7A, s2;
	p2 =	seq.s32 @!p0 s5, $0x0  }
0x1f: {  	s9 =	smul.u32 $0xF7A, s1;
	s8 =	simm.s32 @!p0 $0x1BF5;
	p2 =	por !p2, p0  }
0x20: {  	[sflag:s8] =	ssyncset.s32 @!p0 $0xFFFFF086;
	s6 =	sadd.s32 @!p0 s3, s7;
	s7 =	simm.s32 @!p0 $0x108  }
0x21: {  	s3 =	sadd.s32 s3, s9;
	s6 =	sadd.s32 @!p0 $0x88, s6;
	s7 =	simm.s32 @p2 $0x1082  }
0x22: {  	[simem:s7], [sflag:s8] =	dma.local @!p0 [hbm:s6], $0xF7A  }
0x23: {  	s9 =	sor.u32 $0xD0000000, s2;
	s6 =	simm.s32 $0x108;
	_ =	swait.ge @!p0 [sflag:s8], $0x0  }
0x24: {  	s3 =	sadd.s32 $0x88, s3;
	s6 =	simm.s32 @!p1 $0x1082;
	[sflag:s4] =	ssyncset.s32 $0xFFFFF086  }
0x25: {  	[simem:s6], [sflag:s4] =	dma.local [hbm:s3], $0xF7A  }
0x26: {  	[smem:$0x3F9B] =	sst s1;
	(tag) =	ssettag s2;
	_ =	strace s9  }
0x27: {  	s1 =	sld [smem:$0x3FAB]  }
0x28: {  	s2 =	sld [smem:$0x3FAC]  }
0x29: {  	s4 =	sld [smem:$0x3FAE]  }
0x2a: {  	p0 =	seq.s32 s5, $0x0;
	s5 =	sld [smem:$0x3FAF]  }
0x2b: {  	s6 =	sld [smem:$0x3FB0]  }
0x2c: {  	s7 =	sld [smem:$0x3FB1]  }
0x2d: {  	s3 =	simm.s32 $0x108;
	s8 =	sld [smem:$0x3FB2]  }
0x2e: {  	s3 =	simm.s32 @!p0 $0x1082;
	s9 =	sld [smem:$0x3FB3]  }
0x2f: {  	lr =	sadd.s32 s0, s3;
	s0 =	sld [smem:$0x3FAA]  }
0x30: {  	s3 =	sld [smem:$0x3FAD]  }
0x31: {  	[smem:$0x3FB6] =	sst s10  }
0x32: {  	s10 =	sld [smem:$0x3FB4];
	_ =	sdelay $0x3  }
0x33: {  	p0 =	seq.s32 s10, $0x1;
	s10 =	sld [smem:$0x3FB6];
	_ =	sdelay $0x3  }
0x34: {  	[smem:$0x3FB6] =	sst s10  }
0x35: {  	s10 =	sld [smem:$0x3FB5];
	_ =	sdelay $0x3  }
0x36: {  	p1 =	seq.s32 s10, $0x1;
	s10 =	sld [smem:$0x3FB6];
	_ =	sdelay $0x3  }
0x37: {  	[smem:$0x3FB6] =	sst s10  }
0x38: {  	s10 =	sld [smem:$0x3FB7]  }
0x39: {  	_ = 	snop;
	(pc) =	sbr.ind lr, $3  }
0x3a: {  	_ = 	snop  }
0x3b: {  	_ = 	snop  }
0x3c: {  	p2 =	seq.s32 s10, $0x1;
	s10 =	sld [smem:$0x3FB6]  }
0x3d: {  	_ =	shalt  }
0x3e: {  	_ =	shalt  }
0x3f: {  	_ =	shalt  }
0x40: {  	_ =	shalt  }
0x41: {  	_ =	shalt  }
0x42: {  	_ =	shalt  }
0x43: {  	_ =	shalt  }
0x44: {  	_ =	shalt  }
0x45: {  	_ =	shalt  }
0x46: {  	_ =	shalt  }
0x47: {  	_ =	shalt  }
0x48: {  	_ =	shalt  }
0x49: {  	_ =	shalt  }
0x4a: {  	_ =	shalt  }
0x4b: {  	_ =	shalt  }
0x4c: {  	_ =	shalt  }
0x4d: {  	_ =	shalt  }
0x4e: {  	_ =	shalt  }
0x4f: {  	_ =	shalt  }
0x50: {  	_ =	shalt  }
0x51: {  	_ =	shalt  }
0x52: {  	_ =	shalt  }
0x53: {  	_ =	shalt  }
0x54: {  	_ =	shalt  }
0x55: {  	_ =	shalt  }
0x56: {  	_ =	shalt  }
0x57: {  	_ =	shalt  }
0x58: {  	_ =	shalt  }
0x59: {  	_ =	shalt  }
0x5a: {  	_ =	shalt  }
0x5b: {  	_ =	shalt  }
0x5c: {  	_ =	shalt  }
0x5d: {  	_ =	shalt  }
0x5e: {  	_ =	shalt  }
0x5f: {  	_ =	shalt  }
0x60: {  	_ =	shalt  }
0x61: {  	_ =	shalt  }
0x62: {  	_ =	shalt  }
0x63: {  	_ =	shalt  }
0x64: {  	_ =	shalt  }
0x65: {  	_ =	shalt  }
0x66: {  	_ =	shalt  }
0x67: {  	_ =	shalt  }
0x68: {  	_ =	shalt  }
0x69: {  	_ =	shalt  }
0x6a: {  	_ =	shalt  }
0x6b: {  	_ =	shalt  }
0x6c: {  	_ =	shalt  }
0x6d: {  	_ =	shalt  }
0x6e: {  	_ =	shalt  }
0x6f: {  	_ =	shalt  }
0x70: {  	_ =	shalt  }
0x71: {  	_ =	shalt  }
0x72: {  	_ =	shalt  }
0x73: {  	_ =	shalt  }
0x74: {  	_ =	shalt  }
0x75: {  	_ =	shalt  }
0x76: {  	_ =	shalt  }
0x77: {  	_ =	shalt  }
0x78: {  	_ =	shalt  }
0x79: {  	_ =	shalt  }
0x7a: {  	_ =	shalt  }
0x7b: {  	_ =	shalt  }
0x7c: {  	_ =	shalt  }
0x7d: {  	_ =	shalt  }
0x7e: {  	_ =	shalt  }
0x7f: {  	_ =	shalt  }
0x80: {  	_ =	shalt  }
0x81: {  	_ =	shalt  }
0x82: {  	_ =	shalt  }
0x83: {  	_ =	shalt  }
0x84: {  	_ =	shalt  }
0x85: {  	_ =	shalt  }
0x86: {  	_ =	shalt  }
0x87: {  	_ =	shalt  }
.Lfunc_end0:
.L_simem_size_0:
called_computation_lowered:
.L_overlay_start_0:
0x88: {  	s2 =	sld [smem:$0x3FD9]  }
0x89: {  	s3 =	sld [smem:$0x3FFE];
	_ =	sdelay $0x1  }
0x8a: {  	s1 =	srdreg.scid  }
0x8b: {  	s0 =	sand.u32 $0x1, s1  }
0x8c: {  	s17 =	sshll.u32 s0, $0xA;
	s2 =	sadd.s32 s3, s2  }
0x8d: {  	s2 =	sadd.s32 s2, s17  }
0x8e: {  	[smem:$0x3FC2] =	sst s2  }
0x8f: {  	_ = 	snop  }
0x90: {  	s18 =	sld [smem:$0x3FC9];
	(tm) =	ssettm $0x1  }
0x91: {  	s19 =	sld [smem:$0x3FFB];
	_ =	sdelay $0x3  }
0x92: {  	_ =	strace s19  }
0x93: {  	s2 =	sld [smem:$0x3FFC];
	_ =	sdelay $0x3  }
0x94: {  	_ =	strace s2  }
0x95: {  	s2 =	sld [smem:$0x3FFD];
	_ =	sdelay $0x3  }
0x96: {  	_ =	strace s2  }
0x97: {  	_ =	strace $0x8FFFFFFF  }
0x98: {  	s20 =	sld [smem:$0x3FDB];
	_ =	sdelay $0x1  }
0x99: {  	s4 =	simm.s32 $_scs_section_size  }
0x9a: {  	s5 =	simm.s32 $_size__tile_overlayer_lowered;
	s6 =	simm.s32 $_tile_overlayer_lowered  }
0x9b: {  	s7 =	simm.s32 $0x1BFF;
	s21 =	sshll.u32 s6, $0x1;
	s4 =	sadd.s32 s4, s20  }
0x9c: {  	s22 =	simm.s32 $0x0;
	s5 =	sshll.u32 s5, $0x1;
	s6 =	sadd.s32 s21, s4  }
0x9d: {  	[timem:s22], [sflag:s7] =	dma.local [hbm:s6], s5  }
0x9e: {  	_ =	swait.ge [sflag:s7], s5  }
0x9f: {  	s5 =	ssub.s32 $0x0, s5;
	[sflag:s7] =	ssyncset.done $0x0  }
0xa0: {  	[sflag:s7] =	ssyncadd.s32 s5;
	_ =	sdelay $0x1  }
0xa1: {  	s23 =	simm.s32 $0x1B8B  }
0xa2: {  	_ =	swait.ge [sflag:s23], $0x1  }
0xa3: {  	[sflag:s23] =	ssyncset.done $0x0  }
0xa4: {  	[sflag:s23] =	ssyncadd.s32 $0xFFFFFFFF  }
0xa5: {  	s5 =	sld [smem:$0x0]  }
0xa6: {  	s6 =	sand.u32 $0xFFFFFFFE, s1  }
0xa7: {  	p0 =	sne.s32 s1, s6  }
0xa8: {  	s6 =	sshll.u32 @p0 s6, $0xE  }
0xa9: {  	s6 =	sadd.s32 @p0 $0x11B8D, s6;
	s7 =	sshll.u32 @p0 s5, $0x11  }
0xaa: {  	s6 =	sor.u32 @p0 s7, s6  }
0xab: {  	[sflag:s6] =	ssyncadd.remote.s32 @p0 $0x1;
	_ =	sdelay $0x1  }
0xac: {  	s6 =	simm.s32 @p0 $0x1B8D  }
0xad: {  	_ =	swait.eq @p0 [sflag:s6], $0x1  }
0xae: {  	[sflag:s6] =	ssyncadd.s32 @p0 $0xFFFFFFFF  }
0xaf: {  	s7 =	sshll.u32 @!p0 s1, $0xE  }
0xb0: {  	s7 =	sor.u32 @!p0 $0x4000, s7;
	s6 =	simm.s32 @!p0 $0x1B8D  }
0xb1: {  	s5 =	sshll.u32 @!p0 s5, $0x11;
	s7 =	sadd.s32 @!p0 $0x11B8D, s7;
	_ =	swait.eq @!p0 [sflag:s6], $0x1  }
0xb2: {  	s5 =	sor.u32 @!p0 s5, s7;
	[sflag:s6] =	ssyncadd.s32 @!p0 $0xFFFFFFFF  }
0xb3: {  	s25 =	simm.s32 $0x1B8E;
	s24 =	sld [smem:$0x3FFE];
	[sflag:s5] =	ssyncadd.remote.s32 @!p0 $0x1  }
0xb4: {  	s26 =	simm.s32 $execute0_lowered;
	[smem:$0x3FD2] =	sst s25  }
0xb5: {  	s6 =	sshll.u32 s26, $0x1;
	_ =	strace $0x80000049;
	[dreg:$0x1] =	wrdreg $0xFFFFFFFF  }
0xb6: {  	s28 =	simm.s32 $_size_execute0_lowered;
	s4 =	sadd.s32 s4, s6;
	[dreg:$0x0] =	wrdreg $0x0  }
0xb7: {  	s6 =	sshll.u32 s28, $0x1;
	[dreg:$0x2] =	wrdreg s4  }
0xb8: {  	[dreg:$0x3] =	wrdreg s6  }
0xb9: {  	[dreg:$0x4] =	wrdreg $0xC0  }
0xba: {  	_ =	task [dreg:s22], $0x5FFFF  }
0xbb: {  	[dreg:$0x1] =	wrdreg $0xFFFFFFFF  }
0xbc: {  	[dreg:$0x0] =	wrdreg $0x60  }
0xbd: {  	[dreg:$0x2] =	wrdreg s18  }
0xbe: {  	[dreg:$0x3] =	wrdreg s24  }
0xbf: {  	[dreg:$0x4] =	wrdreg $0x9  }
0xc0: {  	_ =	task.clear_ibuf [dreg:s22], $0x5FFFF;
	_ =	strace $0x90000049  }
0xc1: {  	s29 =	simm.s32 $0x9;
	_ =	strace $0x8000004B  }
0xc2: {  	_ =	swait.ge [sflag:s29], $0x1  }
0xc3: {  	[sflag:s29] =	ssyncadd.s32 $0xFFFFFFFF  }
0xc4: {  	_ =	strace $0x9000004B  }
0xc5: {  	_ =	sfence  }
0xc6: {  	s30 =	sld [smem:$0x0];
	_ =	sdelay $0x2  }
0xc7: {  	s31 =	sshll.u32 s1, $0xD;
	s1 =	sshrl.u32 s1, $0x2  }
0xc8: {  	s4 =	sand.u32 $0x4000, s31;
	s1 =	sadd.s32 s1, s30  }
0xc9: {  	s0 =	sor.u32 s4, s0;
	s1 =	sshll.u32 s1, $0x11  }
0xca: {  	s0 =	sor.u32 s1, s0  }
0xcb: {  	s0 =	sadd.s32 $0x8F2B, s0  }
0xcc: {  	[sflag:s0] =	ssyncadd.remote.s32 $0x1  }
0xcd: {  	_ =	sfence.sel $0xFFFF  }
0xce: {  	[dreg:$0x0] =	wrdreg $0xFFFFFFFF;
	(pc) =	sbr.abs _section_cstart, $3  }
0xcf: {  	[dreg:$0x1] =	wrdreg $0xFFFFFFFF  }
0xd0: {  	_ =	task.clear_ibuf [dreg:s22], $0x2FFFF;
	_ =	strace $0x9FFFFFFF  }
0xd1: {  	(tm) =	ssettm $0x7FFFFFFF  }
tec
execute0_lowered:
.L_overlay_start_1:
0x0: {  	(tag) =	ssettag $0x1  }
0x1: {  	s4 =	rddreg [dreg:$0x0]  }
0x2: {  	s5 =	rddreg [dreg:$0x1]  }
0x3: {  	s3 =	srdreg.scid;
	s2 =	simm.s32 $0x0;
	s1 =	stileid.u32  }
0x4: {  	s9 =	simm.s32 $0x200;
	s10 =	simm.s32 $0x2;
	s11 =	simm.s32 $0x0  }
0x5: {  	s6 =	sand.u32 $0x1, s3;
	[smem:$0x7FF] =	sst s2;
	s30 =	sshll.u32 s1, $0xA  }
0x6: {  	s3 =	sadd.s32 $0x38E400, s5;
	s7 =	sshll.u32 s6, $0x9;
	s6 =	ssub.s32 $0x2, s6  }
0x7: {  	_ =	strace $0x8000004A;
	s7 =	sor.u32 s7, s30;
	s31 =	sshrl.u32 s6, $0x1  }
0x8: {  	s8 =	sshll.u32 s7, $0x4;
	s7 =	sshrl.u32 s7, $0x3;
	s6 =	ssub.s32 s6, s31  }
0x9: {  	s5 =	sadd.s32 s8, s5;
	s4 =	sadd.s32 s4, s7;
	s6 =	smax.u32 s6, $0x1  }
0xa: {  	s7 =	simm.s32 $0x3;
	s8 =	simm.s32 $0x1;
	s5 =	sadd.s32 $0x12D0800, s5  }
.LBB2_1:
0xb: {  	[tilespmem:s2], [sflag:$0x3] =	stream.linear.gather [hbm4b:s4+s2], $0x200, $0x38;
	[tilespmem:$0x10200] =	vst v63  }
0xc: {  	_ =	swait.ge [sflag:s7], $0x200  }
0xd: {  	[sflag:s7] =	ssyncset.done $0x0  }
0xe: {  	[sflag:s7] =	ssyncadd.s32 $0xFFFFFE00  }
0xf: {  	v0 =	vld [tilespmem:s2+$0x0];
	_ =	sdelay $0x4  }
0x10: {  	v0 =	vshll.u32 v0, $0x4  }
0x11: {  	(v2sf) =	vpush v0, $0x0  }
0x12: {  	(v2sf) =	vpush v0, $0x1  }
0x13: {  	(v2sf) =	vpush v0, $0x2;
	_ =	sdelay $0x1  }
0x14: {  	(v2sf) =	vpush v0, $0x4;
	_ =	sdelay $0x1  }
0x15: {  	(v2sf) =	vpush v0, $0x3  }
0x16: {  	(v2sf) =	vpush v0, $0x5  }
0x17: {  	s13 =	simm.s32 $0x2000;
	s12 =	simm.s32 $0x0;
	s14 =	simm.s32 $0x0;
	(v2sf) =	vpush v0, $0x6  }
.LBB2_2:
0x18: {  	p0 =	sne.s32 s13, $0x3E000  }
0x19: {  	s24 =	sadd.s32 $0x280, s12;
	s18 =	sadd.s32 $0x780, s12;
	s15 =	smov.u32 s13  }
0x1a: {  	s13 =	sadd.s32 $0x2000, s13;
	s21 =	sadd.s32 $0x580, s12;
	s16 =	sadd.s32 $0x800, s12;
	(v2sf) =	vpush v0, $0x7  }
0x1b: {  	s23 =	sadd.s32 $0x480, s12;
	s20 =	sadd.s32 $0x600, s12;
	s17 =	sadd.s32 $0x880, s12  }
0x1c: {  	s25 =	sadd.s32 $0x200, s12;
	s26 =	sadd.s32 $0x400, s12;
	(v2sf) =	vpush v0, $0x8  }
0x1d: {  	s28 =	sadd.s32 $0x500, s12;
	s14 =	sadd.s32 $0x10, s14  }
0x1e: {  	s29 =	sadd.s32 $0x300, s12;
	s19 =	sadd.s32 $0x700, s12;
	s22 =	spop (v2sf);
	(v2sf) =	vpush v0, $0x9  }
0x1f: {  	s30 =	sand.u32 $0x1FFFFFF0, s22;
	s22 =	sadd.s32 $0x680, s12;
	s31 =	spop (v2sf)  }
0x20: {  	s30 =	sadd.s32 s3, s30;
	s31 =	sand.u32 $0x1FFFFFF0, s31;
	s0 =	spop (v2sf);
	(v2sf) =	vpush v0, $0xA  }
0x21: {  	[tilespmem:s25], [sflag:$0x1] =	stream.linear.gather [hbm4b:s30+s2], $0x80, $0x38;
	[tilespmem:$0x10200] =	vst v63  }
0x22: {  	s25 =	sadd.s32 s3, s31;
	s30 =	sadd.s32 $0x380, s12;
	s31 =	spop (v2sf);
	(v2sf) =	vpush v0, $0xB  }
0x23: {  	[tilespmem:s24], [sflag:$0x1] =	stream.linear.gather [hbm4b:s25+s2], $0x80, $0x38;
	[tilespmem:$0x10200] =	vst v63  }
0x24: {  	s0 =	sand.u32 $0x1FFFFFF0, s0;
	s24 =	sand.u32 $0x1FFFFFF0, s31;
	s25 =	spop (v2sf);
	(v2sf) =	vpush v0, $0xC  }
0x25: {  	s0 =	sadd.s32 s3, s0;
	s25 =	sand.u32 $0x1FFFFFF0, s25;
	s31 =	spop (v2sf)  }
0x26: {  	[tilespmem:s29], [sflag:$0x1] =	stream.linear.gather [hbm4b:s0+s2], $0x80, $0x38;
	(v2sf) =	vpush v0, $0xD;
	[tilespmem:$0x10200] =	vst v63  }
0x27: {  	s0 =	sadd.s32 s3, s25;
	s25 =	sand.u32 $0x1FFFFFF0, s31;
	s29 =	spop (v2sf)  }
0x28: {  	[tilespmem:s30], [sflag:$0x1] =	stream.linear.gather [hbm4b:s0+s2], $0x80, $0x38;
	(v2sf) =	vpush v0, $0xE;
	[tilespmem:$0x10200] =	vst v63  }
0x29: {  	s0 =	sadd.s32 s3, s24;
	s24 =	sand.u32 $0x1FFFFFF0, s29;
	s29 =	spop (v2sf)  }
0x2a: {  	[tilespmem:s26], [sflag:$0x1] =	stream.linear.gather [hbm4b:s0+s2], $0x80, $0x38;
	(v2sf) =	vpush v0, $0xF;
	[tilespmem:$0x10200] =	vst v63  }
0x2b: {  	s0 =	sadd.s32 s3, s25;
	s25 =	sand.u32 $0x1FFFFFF0, s29;
	s26 =	spop (v2sf)  }
0x2c: {  	[tilespmem:s23], [sflag:$0x1] =	stream.linear.gather [hbm4b:s0+s2], $0x80, $0x38;
	[tilespmem:$0x10200] =	vst v63  }
0x2d: {  	s0 =	sadd.s32 s3, s24;
	s23 =	sand.u32 $0x1FFFFFF0, s26;
	s24 =	spop (v2sf)  }
0x2e: {  	[tilespmem:s28], [sflag:$0x1] =	stream.linear.gather [hbm4b:s0+s2], $0x80, $0x38;
	[tilespmem:$0x10200] =	vst v63  }
0x2f: {  	s0 =	sadd.s32 s3, s25;
	s24 =	sand.u32 $0x1FFFFFF0, s24;
	s25 =	spop (v2sf)  }
0x30: {  	[tilespmem:s21], [sflag:$0x1] =	stream.linear.gather [hbm4b:s0+s2], $0x80, $0x38;
	[tilespmem:$0x10200] =	vst v63  }
0x31: {  	s0 =	sadd.s32 s3, s23;
	s21 =	sand.u32 $0x1FFFFFF0, s25;
	s23 =	spop (v2sf)  }
0x32: {  	[tilespmem:s20], [sflag:$0x1] =	stream.linear.gather [hbm4b:s0+s2], $0x80, $0x38;
	[tilespmem:$0x10200] =	vst v63  }
0x33: {  	s0 =	sadd.s32 s3, s24;
	s20 =	sand.u32 $0x1FFFFFF0, s23;
	s23 =	spop (v2sf)  }
0x34: {  	[tilespmem:s22], [sflag:$0x1] =	stream.linear.gather [hbm4b:s0+s2], $0x80, $0x38;
	[tilespmem:$0x10200] =	vst v63  }
0x35: {  	s0 =	sadd.s32 s3, s21;
	s21 =	sand.u32 $0x1FFFFFF0, s23;
	s22 =	spop (v2sf)  }
0x36: {  	[tilespmem:s19], [sflag:$0x1] =	stream.linear.gather [hbm4b:s0+s2], $0x80, $0x38;
	[tilespmem:$0x10200] =	vst v63  }
0x37: {  	s0 =	sadd.s32 s3, s20;
	s19 =	sand.u32 $0x1FFFFFF0, s22;
	s20 =	spop (v2sf)  }
0x38: {  	[tilespmem:s18], [sflag:$0x1] =	stream.linear.gather [hbm4b:s0+s2], $0x80, $0x38;
	[tilespmem:$0x10200] =	vst v63  }
0x39: {  	s0 =	sadd.s32 s3, s21;
	s18 =	sand.u32 $0x1FFFFFF0, s20;
	s20 =	spop (v2sf)  }
0x3a: {  	[tilespmem:s16], [sflag:$0x1] =	stream.linear.gather [hbm4b:s0+s2], $0x80, $0x38;
	[tilespmem:$0x10200] =	vst v63  }
0x3b: {  	s0 =	sadd.s32 s3, s19;
	s16 =	sand.u32 $0x1FFFFFF0, s20  }
0x3c: {  	[tilespmem:s17], [sflag:$0x1] =	stream.linear.gather [hbm4b:s0+s2], $0x80, $0x38;
	[tilespmem:$0x10200] =	vst v63  }
0x3d: {  	s0 =	sadd.s32 $0x900, s12;
	s17 =	sadd.s32 s3, s18  }
0x3e: {  	[tilespmem:s0], [sflag:$0x1] =	stream.linear.gather [hbm4b:s17+s2], $0x80, $0x38;
	[tilespmem:$0x10200] =	vst v63  }
0x3f: {  	s0 =	sadd.s32 $0x980, s12;
	s12 =	sadd.s32 s3, s16  }
0x40: {  	[tilespmem:s0], [sflag:$0x1] =	stream.linear.gather [hbm4b:s12+s2], $0x80, $0x38;
	[tilespmem:$0x10200] =	vst v63  }
0x41: {  	v0 =	vld [tilespmem:s14+$0x0];
	_ =	sdelay $0x4  }
0x42: {  	v0 =	vshll.u32 v0, $0x4  }
0x43: {  	(v2sf) =	vpush v0, $0x0  }
0x44: {  	(v2sf) =	vpush v0, $0x1  }
0x45: {  	(v2sf) =	vpush v0, $0x2;
	_ =	sdelay $0x1  }
0x46: {  	(v2sf) =	vpush v0, $0x4  }
.Ltmp0:
0x47: {  	(pc) =	sbr.rel @p0 .LBB2_2-.Ltmp0, $3  }
0x48: {  	(v2sf) =	vpush v0, $0x3  }
0x49: {  	(v2sf) =	vpush v0, $0x5;
	_ =	sdelay $0x1  }
0x4a: {  	s12 =	sshra.s32 s15, $0x2;
	(v2sf) =	vpush v0, $0x6  }
0x4b: {  	_ =	sdelay $0x1  }
0x4c: {  	s0 =	sadd.s32 $0x280, s12;
	s15 =	sadd.s32 $0x780, s12  }
0x4d: {  	s16 =	sadd.s32 $0x580, s12;
	s13 =	sadd.s32 $0x800, s12;
	(v2sf) =	vpush v0, $0x7;
	s17 =	sadd.s32 $0x480, s12  }
0x4e: {  	s18 =	sadd.s32 $0x600, s12;
	s14 =	sadd.s32 $0x880, s12;
	s19 =	sadd.s32 $0x200, s12  }
0x4f: {  	s20 =	sadd.s32 $0x400, s12;
	s21 =	sadd.s32 $0x500, s12;
	(v2sf) =	vpush v0, $0x8;
	s22 =	spop (v2sf)  }
0x50: {  	s23 =	sadd.s32 $0x300, s12;
	s22 =	sand.u32 $0x1FFFFFF0, s22;
	s24 =	spop (v2sf)  }
0x51: {  	(v2sf) =	vpush v0, $0x9;
	s22 =	sadd.s32 s3, s22;
	s24 =	sand.u32 $0x1FFFFFF0, s24;
	s25 =	spop (v2sf)  }
0x52: {  	[tilespmem:s19], [sflag:$0x1] =	stream.linear.gather [hbm4b:s22+s2], $0x80, $0x38;
	[tilespmem:$0x10200] =	vst v63  }
0x53: {  	(v2sf) =	vpush v0, $0xA;
	s26 =	sadd.s32 s3, s24;
	s29 =	sand.u32 $0x1FFFFFF0, s25;
	s28 =	spop (v2sf)  }
0x54: {  	[tilespmem:s0], [sflag:$0x1] =	stream.linear.gather [hbm4b:s26+s2], $0x80, $0x38;
	[tilespmem:$0x10200] =	vst v63  }
0x55: {  	s19 =	sadd.s32 $0x700, s12;
	(v2sf) =	vpush v0, $0xB;
	s22 =	sadd.s32 s3, s29;
	s30 =	spop (v2sf)  }
0x56: {  	s0 =	sadd.s32 $0x680, s12;
	s26 =	sadd.s32 $0x380, s12;
	s25 =	sand.u32 $0x1FFFFFF0, s30  }
0x57: {  	(v2sf) =	vpush v0, $0xC;
	[tilespmem:s23], [sflag:$0x1] =	stream.linear.gather [hbm4b:s22+s2], $0x80, $0x38;
	[tilespmem:$0x10200] =	vst v63  }
0x58: {  	s31 =	sand.u32 $0x1FFFFFF0, s28;
	s28 =	spop (v2sf);
	s29 =	sadd.s32 s3, s25  }
0x59: {  	(v2sf) =	vpush v0, $0xD;
	[tilespmem:s26], [sflag:$0x1] =	stream.linear.gather [hbm4b:s29+s2], $0x80, $0x38;
	[tilespmem:$0x10200] =	vst v63  }
0x5a: {  	s22 =	sadd.s32 s3, s31;
	s23 =	sand.u32 $0x1FFFFFF0, s28;
	s30 =	spop (v2sf)  }
0x5b: {  	(v2sf) =	vpush v0, $0xE;
	[tilespmem:s20], [sflag:$0x1] =	stream.linear.gather [hbm4b:s22+s2], $0x80, $0x38;
	[tilespmem:$0x10200] =	vst v63  }
0x5c: {  	s23 =	sadd.s32 s3, s23;
	s31 =	sand.u32 $0x1FFFFFF0, s30;
	s24 =	spop (v2sf)  }
0x5d: {  	(v2sf) =	vpush v0, $0xF;
	[tilespmem:s17], [sflag:$0x1] =	stream.linear.gather [hbm4b:s23+s2], $0x80, $0x38;
	[tilespmem:$0x10200] =	vst v63  }
0x5e: {  	s25 =	sand.u32 $0x1FFFFFF0, s24;
	s26 =	spop (v2sf);
	s20 =	sadd.s32 s3, s31  }
0x5f: {  	[tilespmem:s21], [sflag:$0x1] =	stream.linear.gather [hbm4b:s20+s2], $0x80, $0x38;
	[tilespmem:$0x10200] =	vst v63  }
0x60: {  	s28 =	sand.u32 $0x1FFFFFF0, s26;
	s17 =	sadd.s32 s3, s25;
	s29 =	spop (v2sf)  }
0x61: {  	[tilespmem:s16], [sflag:$0x1] =	stream.linear.gather [hbm4b:s17+s2], $0x80, $0x38;
	[tilespmem:$0x10200] =	vst v63  }
0x62: {  	s20 =	sadd.s32 s3, s28;
	s30 =	sand.u32 $0x1FFFFFF0, s29;
	s31 =	spop (v2sf)  }
0x63: {  	[tilespmem:s18], [sflag:$0x1] =	stream.linear.gather [hbm4b:s20+s2], $0x80, $0x38;
	[tilespmem:$0x10200] =	vst v63  }
0x64: {  	s17 =	sand.u32 $0x1FFFFFF0, s31;
	s16 =	sadd.s32 s3, s30;
	s20 =	spop (v2sf)  }
0x65: {  	[tilespmem:s0], [sflag:$0x1] =	stream.linear.gather [hbm4b:s16+s2], $0x80, $0x38;
	[tilespmem:$0x10200] =	vst v63  }
0x66: {  	s17 =	sadd.s32 s3, s17;
	s21 =	sand.u32 $0x1FFFFFF0, s20;
	s22 =	spop (v2sf)  }
0x67: {  	[tilespmem:s19], [sflag:$0x1] =	stream.linear.gather [hbm4b:s17+s2], $0x80, $0x38;
	[tilespmem:$0x10200] =	vst v63  }
0x68: {  	s0 =	sadd.s32 s3, s21;
	s16 =	sand.u32 $0x1FFFFFF0, s22;
	s23 =	spop (v2sf)  }
0x69: {  	[tilespmem:s15], [sflag:$0x1] =	stream.linear.gather [hbm4b:s0+s2], $0x80, $0x38;
	[tilespmem:$0x10200] =	vst v63  }
0x6a: {  	s24 =	sand.u32 $0x1FFFFFF0, s23;
	s16 =	sadd.s32 s3, s16;
	s25 =	spop (v2sf)  }
0x6b: {  	[tilespmem:s13], [sflag:$0x1] =	stream.linear.gather [hbm4b:s16+s2], $0x80, $0x38;
	[tilespmem:$0x10200] =	vst v63  }
0x6c: {  	s26 =	sand.u32 $0x1FFFFFF0, s25;
	s28 =	spop (v2sf);
	s0 =	sadd.s32 s3, s24  }
0x6d: {  	[tilespmem:s14], [sflag:$0x1] =	stream.linear.gather [hbm4b:s0+s2], $0x80, $0x38;
	[tilespmem:$0x10200] =	vst v63  }
0x6e: {  	s30 =	sadd.s32 $0x900, s12;
	s29 =	sand.u32 $0x1FFFFFF0, s28;
	s13 =	sadd.s32 s3, s26  }
0x6f: {  	[tilespmem:s30], [sflag:$0x1] =	stream.linear.gather [hbm4b:s13+s2], $0x80, $0x38;
	[tilespmem:$0x10200] =	vst v63  }
0x70: {  	s31 =	sadd.s32 $0x980, s12;
	s0 =	sadd.s32 s3, s29  }
0x71: {  	[tilespmem:s31], [sflag:$0x1] =	stream.linear.gather [hbm4b:s0+s2], $0x80, $0x38;
	[tilespmem:$0x10200] =	vst v63  }
0x72: {  	_ =	swait.ge [sflag:s8], $0x80  }
0x73: {  	[sflag:s8] =	ssyncset.done $0x0  }
0x74: {  	[sflag:s8] =	ssyncadd.s32 $0xFFFFFF80  }
0x75: {  	_ =	swait.ge [sflag:s8], $0x80  }
0x76: {  	[sflag:s8] =	ssyncset.done $0x0  }
0x77: {  	[sflag:s8] =	ssyncadd.s32 $0xFFFFFF80  }
0x78: {  	_ =	swait.ge [sflag:s8], $0x80  }
0x79: {  	[sflag:s8] =	ssyncset.done $0x0  }
0x7a: {  	[sflag:s8] =	ssyncadd.s32 $0xFFFFFF80  }
0x7b: {  	_ =	swait.ge [sflag:s8], $0x80  }
0x7c: {  	[sflag:s8] =	ssyncset.done $0x0  }
0x7d: {  	[sflag:s8] =	ssyncadd.s32 $0xFFFFFF80  }
0x7e: {  	_ =	swait.ge [sflag:s8], $0x80  }
0x7f: {  	[sflag:s8] =	ssyncset.done $0x0  }
0x80: {  	[sflag:s8] =	ssyncadd.s32 $0xFFFFFF80  }
0x81: {  	_ =	swait.ge [sflag:s8], $0x80  }
0x82: {  	[sflag:s8] =	ssyncset.done $0x0  }
0x83: {  	[sflag:s8] =	ssyncadd.s32 $0xFFFFFF80  }
0x84: {  	_ =	swait.ge [sflag:s8], $0x80  }
0x85: {  	[sflag:s8] =	ssyncset.done $0x0  }
0x86: {  	[sflag:s8] =	ssyncadd.s32 $0xFFFFFF80  }
0x87: {  	_ =	swait.ge [sflag:s8], $0x80  }
0x88: {  	[sflag:s8] =	ssyncset.done $0x0  }
0x89: {  	[sflag:s8] =	ssyncadd.s32 $0xFFFFFF80  }
0x8a: {  	_ =	swait.ge [sflag:s8], $0x80  }
0x8b: {  	[sflag:s8] =	ssyncset.done $0x0  }
0x8c: {  	[sflag:s8] =	ssyncadd.s32 $0xFFFFFF80  }
0x8d: {  	_ =	swait.ge [sflag:s8], $0x80  }
0x8e: {  	[sflag:s8] =	ssyncset.done $0x0  }
0x8f: {  	[sflag:s8] =	ssyncadd.s32 $0xFFFFFF80  }
0x90: {  	_ =	swait.ge [sflag:s8], $0x80  }
0x91: {  	[sflag:s8] =	ssyncset.done $0x0  }
0x92: {  	[sflag:s8] =	ssyncadd.s32 $0xFFFFFF80  }
0x93: {  	_ =	swait.ge [sflag:s8], $0x80  }
0x94: {  	[sflag:s8] =	ssyncset.done $0x0  }
0x95: {  	[sflag:s8] =	ssyncadd.s32 $0xFFFFFF80  }
0x96: {  	_ =	swait.ge [sflag:s8], $0x80  }
0x97: {  	[sflag:s8] =	ssyncset.done $0x0  }
0x98: {  	[sflag:s8] =	ssyncadd.s32 $0xFFFFFF80  }
0x99: {  	_ =	swait.ge [sflag:s8], $0x80  }
0x9a: {  	[sflag:s8] =	ssyncset.done $0x0  }
0x9b: {  	[sflag:s8] =	ssyncadd.s32 $0xFFFFFF80  }
0x9c: {  	_ =	swait.ge [sflag:s8], $0x80  }
0x9d: {  	[sflag:s8] =	ssyncset.done $0x0  }
0x9e: {  	[sflag:s8] =	ssyncadd.s32 $0xFFFFFF80  }
0x9f: {  	_ =	swait.ge [sflag:s8], $0x80  }
0xa0: {  	s12 =	simm.s32 $0x1F;
	[sflag:s8] =	ssyncset.done $0x0  }
.LBB2_4:
0xa1: {  	p0 =	sne.s32 s12, $0x1;
	s12 =	sadd.s32 $0xFFFFFFFF, s12;
	[sflag:s8] =	ssyncadd.s32 $0xFFFFFF80  }
0xa2: {  	_ =	swait.ge [sflag:s8], $0x80  }
0xa3: {  	[sflag:s8] =	ssyncset.done $0x0  }
0xa4: {  	[sflag:s8] =	ssyncadd.s32 $0xFFFFFF80  }
0xa5: {  	_ =	swait.ge [sflag:s8], $0x80  }
0xa6: {  	[sflag:s8] =	ssyncset.done $0x0  }
0xa7: {  	[sflag:s8] =	ssyncadd.s32 $0xFFFFFF80  }
0xa8: {  	_ =	swait.ge [sflag:s8], $0x80  }
0xa9: {  	[sflag:s8] =	ssyncset.done $0x0  }
0xaa: {  	[sflag:s8] =	ssyncadd.s32 $0xFFFFFF80  }
0xab: {  	_ =	swait.ge [sflag:s8], $0x80  }
0xac: {  	[sflag:s8] =	ssyncset.done $0x0  }
0xad: {  	[sflag:s8] =	ssyncadd.s32 $0xFFFFFF80  }
0xae: {  	_ =	swait.ge [sflag:s8], $0x80  }
0xaf: {  	[sflag:s8] =	ssyncset.done $0x0  }
0xb0: {  	[sflag:s8] =	ssyncadd.s32 $0xFFFFFF80  }
0xb1: {  	_ =	swait.ge [sflag:s8], $0x80  }
0xb2: {  	[sflag:s8] =	ssyncset.done $0x0  }
0xb3: {  	[sflag:s8] =	ssyncadd.s32 $0xFFFFFF80  }
0xb4: {  	_ =	swait.ge [sflag:s8], $0x80  }
0xb5: {  	[sflag:s8] =	ssyncset.done $0x0  }
0xb6: {  	[sflag:s8] =	ssyncadd.s32 $0xFFFFFF80  }
0xb7: {  	_ =	swait.ge [sflag:s8], $0x80  }
0xb8: {  	[sflag:s8] =	ssyncset.done $0x0  }
0xb9: {  	[sflag:s8] =	ssyncadd.s32 $0xFFFFFF80  }
0xba: {  	_ =	swait.ge [sflag:s8], $0x80  }
0xbb: {  	[sflag:s8] =	ssyncset.done $0x0  }
0xbc: {  	[sflag:s8] =	ssyncadd.s32 $0xFFFFFF80  }
0xbd: {  	_ =	swait.ge [sflag:s8], $0x80  }
0xbe: {  	[sflag:s8] =	ssyncset.done $0x0  }
0xbf: {  	[sflag:s8] =	ssyncadd.s32 $0xFFFFFF80  }
0xc0: {  	_ =	swait.ge [sflag:s8], $0x80  }
0xc1: {  	[sflag:s8] =	ssyncset.done $0x0  }
0xc2: {  	[sflag:s8] =	ssyncadd.s32 $0xFFFFFF80  }
0xc3: {  	_ =	swait.ge [sflag:s8], $0x80  }
0xc4: {  	[sflag:s8] =	ssyncset.done $0x0  }
0xc5: {  	[sflag:s8] =	ssyncadd.s32 $0xFFFFFF80  }
0xc6: {  	_ =	swait.ge [sflag:s8], $0x80  }
0xc7: {  	[sflag:s8] =	ssyncset.done $0x0  }
0xc8: {  	[sflag:s8] =	ssyncadd.s32 $0xFFFFFF80  }
0xc9: {  	_ =	swait.ge [sflag:s8], $0x80  }
0xca: {  	[sflag:s8] =	ssyncset.done $0x0  }
0xcb: {  	[sflag:s8] =	ssyncadd.s32 $0xFFFFFF80  }
.Ltmp1:
0xcc: {  	_ =	swait.ge [sflag:s8], $0x80;
	(pc) =	sbr.rel @p0 .LBB2_4-.Ltmp1, $4  }
0xcd: {  	[sflag:s8] =	ssyncset.done $0x0  }
0xce: {  	[sflag:s8] =	ssyncadd.s32 $0xFFFFFF80  }
0xcf: {  	_ =	swait.ge [sflag:s8], $0x80  }
0xd0: {  	[sflag:s8] =	ssyncset.done $0x0  }
0xd1: {  	s11 =	sadd.s32 $0x1, s11  }
0xd2: {  	p0 =	sne.s32 s11, s6  }
.Ltmp2:
0xd3: {  	[sflag:s8] =	ssyncadd.s32 $0xFFFFFF80;
	(pc) =	sbr.rel @p0 .LBB2_1-.Ltmp2, $4  }
0xd4: {  	[hbm4b:s5+s2] =	stream.linear.scatter [tilespmem:s9], [sflag:$0x2], $0x10000, $0x38;
	[tilespmem:$0x10200] =	vst v63  }
0xd5: {  	_ =	swait.ge [sflag:s10], $0x10000  }
0xd6: {  	[sflag:s10] =	ssyncset.done $0x0  }
0xd7: {  	[sflag:s10] =	ssyncadd.s32 $0xFFFF0000  }
0xd8: {  	_ =	sfence.sel $0x180000  }
0xd9: {  	[bflag:$0x0] =	sbarrier.arrive $0xFFFF  }
0xda: {  	_ =	strace $0x9000004A  }
0xdb: {  	[bflag:$0x2] =	sbarrier.arrive $0xFFFF  }
0xdc: {  	p0 =	sne.s32 s1, $0x0;
	s0 =	rddreg [dreg:$0x2]  }
0xdd: {  	s0 =	sadd.s32 @!p0 $0x100000, s0  }
0xde: {  	[sflag:s0] =	ssyncadd.tile.s32 @!p0 $0x1;
	_ =	shalt  }
.Lfunc_end2:
_tile_overlayer_lowered:
.L_overlay_start_2:
0xdf: {  	(tag) =	ssettag $0x2  }
0xe0: {  	s0 =	rddreg [dreg:$0x0];
	s2 =	stileid.u32  }
0xe1: {  	s1 =	rddreg [dreg:$0x1];
	p0 =	sne.s32 s2, $0x0  }
0xe2: {  	s3 =	rddreg [dreg:$0x2];
	[bflag:$0x3] =	sbarrier.arrive $0xFFFF;
	s2 =	simm.s32 @!p0 $0x1C03  }
0xe3: {  	[timem:s3], [sflag:s2] =	dma.local @!p0 [hbm:s0], s1  }
0xe4: {  	s0 =	simm.s32 @!p0 $0x3  }
0xe5: {  	_ =	swait.ge @!p0 [sflag:s0], s1  }
0xe6: {  	s1 =	ssub.s32 @!p0 $0x0, s1;
	[sflag:s0] =	ssyncset.done @!p0 $0x0  }
0xe7: {  	[sflag:s0] =	ssyncadd.s32 @!p0 s1  }
0xe8: {  	[bflag:$0x3] =	sbarrier.arrive $0xFFFF  }
0xe9: {  	_ =	shalt  }

// kernel: kernel.7.cloned.1.call-start
scs
__scs_entry_jumppad:
0x0: {  	(pc) =	sbr.rel $0x88, $3  }
0x1: {  	(tag) =	ssettag $0x0;
	lr =	simm.s32 $0x1  }
0x2: {  	[smem:$0x3F9B] =	sst lr;
	_ =	strace $0xD0000000  }
0x3: {  	_ = 	snop  }
0x4: {  	_ = 	snop  }
0x5: {  	_ = 	snop  }
0x6: {  	_ = 	snop  }
0x7: {  	_ = 	snop  }
__scs_overlays_trampoline_lowered:
0x8: {  	[smem:$0x3FAA] =	sst s0  }
0x9: {  	[smem:$0x3FAB] =	sst s1  }
0xa: {  	[smem:$0x3FAC] =	sst s2  }
0xb: {  	[smem:$0x3FAD] =	sst s3  }
0xc: {  	[smem:$0x3FAE] =	sst s4  }
0xd: {  	[smem:$0x3FAF] =	sst s5  }
0xe: {  	[smem:$0x3FB0] =	sst s6  }
0xf: {  	[smem:$0x3FB1] =	sst s7  }
0x10: {  	[smem:$0x3FB2] =	sst s8  }
0x11: {  	[smem:$0x3FB3] =	sst s9;
	s0 =	simm.s32 @!p0 $0x0  }
0x12: {  	s1 =	sld [smem:$0x3F99];
	s0 =	simm.s32 @p0 $0x1  }
0x13: {  	[smem:$0x3FB4] =	sst s0;
	s0 =	simm.s32 @!p1 $0x0  }
0x14: {  	s2 =	sld [smem:$0x3F98];
	s0 =	simm.s32 @p1 $0x1  }
0x15: {  	[smem:$0x3FB5] =	sst s0;
	s0 =	simm.s32 @!p2 $0x0  }
0x16: {  	s3 =	sld [smem:$0x3FDB];
	s0 =	simm.s32 @p2 $0x1  }
0x17: {  	s4 =	simm.s32 $0x1BF5;
	[smem:$0x3FB7] =	sst s0  }
0x18: {  	s0 =	sld [smem:$0x3F9A];
	_ =	swait.ge [sflag:s4], $0x0  }
0x19: {  	s7 =	sld [smem:$0x3F9B]  }
0x1a: {  	s8 =	sadd.s32 $0xFFFFE003, lr  }
0x1b: {  	s9 =	sadd.s32 $0xFFFFFEF7, lr;
	s5 =	simm.s32 $0xFFFFFFFF;
	p2 =	slt.u32 s8, $0xFFFFF086  }
0x1c: {  	p1 =	slt.u32 s9, $0xF7A;
	s5 =	simm.s32 @!p2 $0x0  }
0x1d: {  	s5 =	simm.s32 @p1 $0x1;
	p0 =	seq.s32 s7, s2  }
0x1e: {  	s7 =	smul.u32 @!p0 $0xF7A, s2;
	p2 =	seq.s32 @!p0 s5, $0x0  }
0x1f: {  	s9 =	smul.u32 $0xF7A, s1;
	s8 =	simm.s32 @!p0 $0x1BF5;
	p2 =	por !p2, p0  }
0x20: {  	[sflag:s8] =	ssyncset.s32 @!p0 $0xFFFFF086;
	s6 =	sadd.s32 @!p0 s3, s7;
	s7 =	simm.s32 @!p0 $0x108  }
0x21: {  	s3 =	sadd.s32 s3, s9;
	s6 =	sadd.s32 @!p0 $0x88, s6;
	s7 =	simm.s32 @p2 $0x1082  }
0x22: {  	[simem:s7], [sflag:s8] =	dma.local @!p0 [hbm:s6], $0xF7A  }
0x23: {  	s9 =	sor.u32 $0xD0000000, s2;
	s6 =	simm.s32 $0x108;
	_ =	swait.ge @!p0 [sflag:s8], $0x0  }
0x24: {  	s3 =	sadd.s32 $0x88, s3;
	s6 =	simm.s32 @!p1 $0x1082;
	[sflag:s4] =	ssyncset.s32 $0xFFFFF086  }
0x25: {  	[simem:s6], [sflag:s4] =	dma.local [hbm:s3], $0xF7A  }
0x26: {  	[smem:$0x3F9B] =	sst s1;
	(tag) =	ssettag s2;
	_ =	strace s9  }
0x27: {  	s1 =	sld [smem:$0x3FAB]  }
0x28: {  	s2 =	sld [smem:$0x3FAC]  }
0x29: {  	s4 =	sld [smem:$0x3FAE]  }
0x2a: {  	p0 =	seq.s32 s5, $0x0;
	s5 =	sld [smem:$0x3FAF]  }
0x2b: {  	s6 =	sld [smem:$0x3FB0]  }
0x2c: {  	s7 =	sld [smem:$0x3FB1]  }
0x2d: {  	s3 =	simm.s32 $0x108;
	s8 =	sld [smem:$0x3FB2]  }
0x2e: {  	s3 =	simm.s32 @!p0 $0x1082;
	s9 =	sld [smem:$0x3FB3]  }
0x2f: {  	lr =	sadd.s32 s0, s3;
	s0 =	sld [smem:$0x3FAA]  }
0x30: {  	s3 =	sld [smem:$0x3FAD]  }
0x31: {  	[smem:$0x3FB6] =	sst s10  }
0x32: {  	s10 =	sld [smem:$0x3FB4];
	_ =	sdelay $0x3  }
0x33: {  	p0 =	seq.s32 s10, $0x1;
	s10 =	sld [smem:$0x3FB6];
	_ =	sdelay $0x3  }
0x34: {  	[smem:$0x3FB6] =	sst s10  }
0x35: {  	s10 =	sld [smem:$0x3FB5];
	_ =	sdelay $0x3  }
0x36: {  	p1 =	seq.s32 s10, $0x1;
	s10 =	sld [smem:$0x3FB6];
	_ =	sdelay $0x3  }
0x37: {  	[smem:$0x3FB6] =	sst s10  }
0x38: {  	s10 =	sld [smem:$0x3FB7]  }
0x39: {  	_ = 	snop;
	(pc) =	sbr.ind lr, $3  }
0x3a: {  	_ = 	snop  }
0x3b: {  	_ = 	snop  }
0x3c: {  	p2 =	seq.s32 s10, $0x1;
	s10 =	sld [smem:$0x3FB6]  }
0x3d: {  	_ =	shalt  }
0x3e: {  	_ =	shalt  }
0x3f: {  	_ =	shalt  }
0x40: {  	_ =	shalt  }
0x41: {  	_ =	shalt  }
0x42: {  	_ =	shalt  }
0x43: {  	_ =	shalt  }
0x44: {  	_ =	shalt  }
0x45: {  	_ =	shalt  }
0x46: {  	_ =	shalt  }
0x47: {  	_ =	shalt  }
0x48: {  	_ =	shalt  }
0x49: {  	_ =	shalt  }
0x4a: {  	_ =	shalt  }
0x4b: {  	_ =	shalt  }
0x4c: {  	_ =	shalt  }
0x4d: {  	_ =	shalt  }
0x4e: {  	_ =	shalt  }
0x4f: {  	_ =	shalt  }
0x50: {  	_ =	shalt  }
0x51: {  	_ =	shalt  }
0x52: {  	_ =	shalt  }
0x53: {  	_ =	shalt  }
0x54: {  	_ =	shalt  }
0x55: {  	_ =	shalt  }
0x56: {  	_ =	shalt  }
0x57: {  	_ =	shalt  }
0x58: {  	_ =	shalt  }
0x59: {  	_ =	shalt  }
0x5a: {  	_ =	shalt  }
0x5b: {  	_ =	shalt  }
0x5c: {  	_ =	shalt  }
0x5d: {  	_ =	shalt  }
0x5e: {  	_ =	shalt  }
0x5f: {  	_ =	shalt  }
0x60: {  	_ =	shalt  }
0x61: {  	_ =	shalt  }
0x62: {  	_ =	shalt  }
0x63: {  	_ =	shalt  }
0x64: {  	_ =	shalt  }
0x65: {  	_ =	shalt  }
0x66: {  	_ =	shalt  }
0x67: {  	_ =	shalt  }
0x68: {  	_ =	shalt  }
0x69: {  	_ =	shalt  }
0x6a: {  	_ =	shalt  }
0x6b: {  	_ =	shalt  }
0x6c: {  	_ =	shalt  }
0x6d: {  	_ =	shalt  }
0x6e: {  	_ =	shalt  }
0x6f: {  	_ =	shalt  }
0x70: {  	_ =	shalt  }
0x71: {  	_ =	shalt  }
0x72: {  	_ =	shalt  }
0x73: {  	_ =	shalt  }
0x74: {  	_ =	shalt  }
0x75: {  	_ =	shalt  }
0x76: {  	_ =	shalt  }
0x77: {  	_ =	shalt  }
0x78: {  	_ =	shalt  }
0x79: {  	_ =	shalt  }
0x7a: {  	_ =	shalt  }
0x7b: {  	_ =	shalt  }
0x7c: {  	_ =	shalt  }
0x7d: {  	_ =	shalt  }
0x7e: {  	_ =	shalt  }
0x7f: {  	_ =	shalt  }
0x80: {  	_ =	shalt  }
0x81: {  	_ =	shalt  }
0x82: {  	_ =	shalt  }
0x83: {  	_ =	shalt  }
0x84: {  	_ =	shalt  }
0x85: {  	_ =	shalt  }
0x86: {  	_ =	shalt  }
0x87: {  	_ =	shalt  }
.Lfunc_end0:
.L_simem_size_0:
called_computation.1_lowered:
.L_overlay_start_0:
0x88: {  	s2 =	sld [smem:$0x3FD9]  }
0x89: {  	s3 =	sld [smem:$0x3FFE];
	_ =	sdelay $0x1  }
0x8a: {  	s1 =	srdreg.scid  }
0x8b: {  	s0 =	sand.u32 $0x1, s1  }
0x8c: {  	s17 =	sshll.u32 s0, $0xA;
	s2 =	sadd.s32 s3, s2  }
0x8d: {  	s2 =	sadd.s32 s2, s17  }
0x8e: {  	[smem:$0x3FC2] =	sst s2  }
0x8f: {  	_ = 	snop  }
0x90: {  	s2 =	sld [smem:$0x3FC8]  }
0x91: {  	s18 =	sld [smem:$0x3FC7];
	(tm) =	ssettm $0x1  }
0x92: {  	s4 =	sld [smem:$0x3FFB];
	_ =	sdelay $0x3  }
0x93: {  	_ =	strace s4  }
0x94: {  	s4 =	sld [smem:$0x3FFC];
	_ =	sdelay $0x3  }
0x95: {  	_ =	strace s4  }
0x96: {  	s4 =	sld [smem:$0x3FFD];
	_ =	sdelay $0x3  }
0x97: {  	_ =	strace s4  }
0x98: {  	_ =	strace $0x8FFFFFFF  }
0x99: {  	s19 =	sld [smem:$0x3FDB];
	_ =	sdelay $0x1  }
0x9a: {  	s5 =	simm.s32 $_scs_section_size  }
0x9b: {  	s6 =	simm.s32 $_size__tile_overlayer_lowered;
	s7 =	simm.s32 $_tile_overlayer_lowered  }
0x9c: {  	s22 =	simm.s32 $0x1BFF;
	s21 =	sshll.u32 s7, $0x1;
	s4 =	sadd.s32 s5, s19  }
0x9d: {  	s8 =	simm.s32 $0x0;
	s20 =	sshll.u32 s6, $0x1;
	s6 =	sadd.s32 s21, s4  }
0x9e: {  	[timem:s8], [sflag:s22] =	dma.local [hbm:s6], s20  }
0x9f: {  	_ =	swait.ge [sflag:s22], s20  }
0xa0: {  	s5 =	ssub.s32 $0x0, s20;
	[sflag:s22] =	ssyncset.done $0x0  }
0xa1: {  	[sflag:s22] =	ssyncadd.s32 s5;
	_ =	sdelay $0x1  }
0xa2: {  	s23 =	simm.s32 $0x1B8B  }
0xa3: {  	_ =	swait.ge [sflag:s23], $0x1  }
0xa4: {  	[sflag:s23] =	ssyncset.done $0x0  }
0xa5: {  	s25 =	simm.s32 $0x1B8E;
	s24 =	sld [smem:$0x3FFE];
	[sflag:s23] =	ssyncadd.s32 $0xFFFFFFFF  }
0xa6: {  	s26 =	simm.s32 $execute0_lowered;
	[smem:$0x3FD2] =	sst s25  }
0xa7: {  	s6 =	sshll.u32 s26, $0x1;
	_ =	strace $0x80000046;
	[dreg:$0x1] =	wrdreg $0xFFFFFFFF  }
0xa8: {  	s28 =	simm.s32 $_size_execute0_lowered;
	s4 =	sadd.s32 s4, s6;
	[dreg:$0x0] =	wrdreg $0x0  }
0xa9: {  	s6 =	sshll.u32 s28, $0x1;
	[dreg:$0x2] =	wrdreg s4  }
0xaa: {  	[dreg:$0x3] =	wrdreg s6  }
0xab: {  	[dreg:$0x4] =	wrdreg $0xC0  }
0xac: {  	_ =	task [dreg:s8], $0x5FFFF  }
0xad: {  	[dreg:$0x1] =	wrdreg $0xFFFFFFFF  }
0xae: {  	[dreg:$0x0] =	wrdreg $0x60  }
0xaf: {  	[dreg:$0x2] =	wrdreg s2  }
0xb0: {  	[dreg:$0x3] =	wrdreg s18  }
0xb1: {  	[dreg:$0x4] =	wrdreg s24  }
0xb2: {  	[dreg:$0x5] =	wrdreg $0xA  }
0xb3: {  	_ =	task.clear_ibuf [dreg:s8], $0x6FFFF;
	_ =	strace $0x90000046  }
0xb4: {  	s29 =	simm.s32 $0xA;
	_ =	strace $0x80000048  }
0xb5: {  	_ =	swait.ge [sflag:s29], $0x1  }
0xb6: {  	[sflag:s29] =	ssyncadd.s32 $0xFFFFFFFF  }
0xb7: {  	_ =	strace $0x90000048  }
0xb8: {  	_ =	sfence  }
0xb9: {  	s30 =	sld [smem:$0x0];
	_ =	sdelay $0x2  }
0xba: {  	s31 =	sshll.u32 s1, $0xD;
	s1 =	sshrl.u32 s1, $0x2  }
0xbb: {  	s3 =	sand.u32 $0x4000, s31;
	s1 =	sadd.s32 s1, s30  }
0xbc: {  	s0 =	sor.u32 s3, s0;
	s1 =	sshll.u32 s1, $0x11  }
0xbd: {  	s0 =	sor.u32 s1, s0  }
0xbe: {  	s0 =	sadd.s32 $0x8F2B, s0  }
0xbf: {  	[sflag:s0] =	ssyncadd.remote.s32 $0x1  }
0xc0: {  	_ =	sfence.sel $0xFFFF  }
0xc1: {  	[dreg:$0x0] =	wrdreg $0xFFFFFFFF;
	(pc) =	sbr.abs _section_cstart, $3  }
0xc2: {  	[dreg:$0x1] =	wrdreg $0xFFFFFFFF  }
0xc3: {  	_ =	task.clear_ibuf [dreg:s8], $0x2FFFF;
	_ =	strace $0x9FFFFFFF  }
0xc4: {  	(tm) =	ssettm $0x7FFFFFFF  }
0xc5: {  	_ =	shalt  }
tec
execute0_lowered:
.L_overlay_start_1:
0x0: {  	(tag) =	ssettag $0x1  }
0x1: {  	s5 =	rddreg [dreg:$0x0]  }
0x2: {  	s7 =	rddreg [dreg:$0x1]  }
0x3: {  	s6 =	rddreg [dreg:$0x2]  }
0x4: {  	s2 =	simm.s32 $0x0;
	s3 =	srdreg.scid;
	s0 =	stileid.u32  }
0x5: {  	s13 =	simm.s32 $0x2;
	s14 =	simm.s32 $0x0;
	[smem:$0x7FF] =	sst s2  }
0x6: {  	s8 =	sand.u32 $0x1, s3;
	s3 =	sadd.s32 $0x1000, s6;
	s9 =	sshll.u32 s0, $0xA  }
0x7: {  	s4 =	sadd.s32 $0x187A00, s6;
	s10 =	sshll.u32 s8, $0x9;
	s8 =	ssub.s32 $0x2, s8  }
0x8: {  	_ =	strace $0x80000047;
	s9 =	sor.u32 s10, s9;
	s11 =	sshrl.u32 s8, $0x1  }
0x9: {  	s10 =	sshll.u32 s9, $0x4;
	s9 =	sshrl.u32 s9, $0x3;
	s11 =	ssub.s32 s8, s11  }
0xa: {  	s10 =	sadd.s32 s10, s6;
	s31 =	sadd.s32 s5, s9;
	s7 =	sadd.s32 s7, s9  }
0xb: {  	s9 =	smax.u32 s11, $0x1;
	s11 =	simm.s32 $0x1;
	[dreg:$0x4] =	wrdreg s31  }
0xc: {  	s6 =	sadd.s32 $0x30E400, s10;
	s8 =	sadd.s32 $0x34E400, s10;
	s10 =	simm.s32 $0x3  }
.LBB2_1:
0xd: {  	s0 =	rddreg [dreg:$0x4]  }
0xe: {  	[tilespmem:s2], [sflag:$0x3] =	stream.linear.gather [hbm4b:s0+s2], $0x200, $0x38;
	[tilespmem:$0x10200] =	vst v63  }
0xf: {  	_ =	swait.ge [sflag:s10], $0x200  }
0x10: {  	[sflag:s10] =	ssyncset.done $0x0  }
0x11: {  	[sflag:s10] =	ssyncadd.s32 $0xFFFFFE00  }
0x12: {  	v0 =	vld [tilespmem:s2+$0x0];
	_ =	sdelay $0x4  }
0x13: {  	v0 =	vshll.u32 v0, $0x4  }
0x14: {  	(v2sf) =	vpush v0, $0x0  }
0x15: {  	(v2sf) =	vpush v0, $0x1  }
0x16: {  	(v2sf) =	vpush v0, $0x2;
	_ =	sdelay $0x1  }
0x17: {  	(v2sf) =	vpush v0, $0x4;
	_ =	sdelay $0x1  }
0x18: {  	(v2sf) =	vpush v0, $0x3  }
0x19: {  	(v2sf) =	vpush v0, $0x5  }
0x1a: {  	s16 =	simm.s32 $0x2000;
	s15 =	simm.s32 $0x0;
	s17 =	simm.s32 $0x0;
	(v2sf) =	vpush v0, $0x6  }
.LBB2_2:
0x1b: {  	p0 =	sne.s32 s16, $0x3E000  }
0x1c: {  	s28 =	sadd.s32 $0x280, s15;
	s21 =	sadd.s32 $0x780, s15;
	s18 =	smov.u32 s16  }
0x1d: {  	s16 =	sadd.s32 $0x2000, s16;
	s24 =	sadd.s32 $0x580, s15;
	s19 =	sadd.s32 $0x800, s15;
	(v2sf) =	vpush v0, $0x7  }
0x1e: {  	s26 =	sadd.s32 $0x480, s15;
	s23 =	sadd.s32 $0x600, s15;
	s20 =	sadd.s32 $0x880, s15  }
0x1f: {  	s29 =	sadd.s32 $0x200, s15;
	s30 =	sadd.s32 $0x400, s15;
	(v2sf) =	vpush v0, $0x8  }
0x20: {  	s31 =	sadd.s32 $0x500, s15;
	s17 =	sadd.s32 $0x10, s17  }
0x21: {  	s0 =	sadd.s32 $0x300, s15;
	s22 =	sadd.s32 $0x700, s15;
	s25 =	spop (v2sf);
	(v2sf) =	vpush v0, $0x9  }
0x22: {  	s1 =	sand.u32 $0x1FFFFFF0, s25;
	s25 =	sadd.s32 $0x680, s15;
	s12 =	spop (v2sf)  }
0x23: {  	s1 =	sadd.s32 s3, s1;
	s12 =	sand.u32 $0x1FFFFFF0, s12;
	s5 =	spop (v2sf);
	(v2sf) =	vpush v0, $0xA  }
0x24: {  	[tilespmem:s29], [sflag:$0x1] =	stream.linear.gather [hbm4b:s1+s2], $0x80, $0x38;
	[tilespmem:$0x10200] =	vst v63  }
0x25: {  	s1 =	sadd.s32 s3, s12;
	s12 =	sadd.s32 $0x380, s15;
	s29 =	spop (v2sf);
	(v2sf) =	vpush v0, $0xB  }
0x26: {  	[tilespmem:s28], [sflag:$0x1] =	stream.linear.gather [hbm4b:s1+s2], $0x80, $0x38;
	[tilespmem:$0x10200] =	vst v63  }
0x27: {  	s1 =	sand.u32 $0x1FFFFFF0, s5;
	s5 =	sand.u32 $0x1FFFFFF0, s29;
	s28 =	spop (v2sf);
	(v2sf) =	vpush v0, $0xC  }
0x28: {  	s1 =	sadd.s32 s3, s1;
	s28 =	sand.u32 $0x1FFFFFF0, s28;
	s29 =	spop (v2sf)  }
0x29: {  	[tilespmem:s0], [sflag:$0x1] =	stream.linear.gather [hbm4b:s1+s2], $0x80, $0x38;
	(v2sf) =	vpush v0, $0xD;
	[tilespmem:$0x10200] =	vst v63  }
0x2a: {  	s0 =	sadd.s32 s3, s28;
	s1 =	sand.u32 $0x1FFFFFF0, s29;
	s28 =	spop (v2sf)  }
0x2b: {  	[tilespmem:s12], [sflag:$0x1] =	stream.linear.gather [hbm4b:s0+s2], $0x80, $0x38;
	(v2sf) =	vpush v0, $0xE;
	[tilespmem:$0x10200] =	vst v63  }
0x2c: {  	s0 =	sadd.s32 s3, s5;
	s5 =	sand.u32 $0x1FFFFFF0, s28;
	s12 =	spop (v2sf)  }
0x2d: {  	[tilespmem:s30], [sflag:$0x1] =	stream.linear.gather [hbm4b:s0+s2], $0x80, $0x38;
	(v2sf) =	vpush v0, $0xF;
	[tilespmem:$0x10200] =	vst v63  }
0x2e: {  	s0 =	sadd.s32 s3, s1;
	s1 =	sand.u32 $0x1FFFFFF0, s12;
	s12 =	spop (v2sf)  }
0x2f: {  	[tilespmem:s26], [sflag:$0x1] =	stream.linear.gather [hbm4b:s0+s2], $0x80, $0x38;
	[tilespmem:$0x10200] =	vst v63  }
0x30: {  	s0 =	sadd.s32 s3, s5;
	s5 =	sand.u32 $0x1FFFFFF0, s12;
	s12 =	spop (v2sf)  }
0x31: {  	[tilespmem:s31], [sflag:$0x1] =	stream.linear.gather [hbm4b:s0+s2], $0x80, $0x38;
	[tilespmem:$0x10200] =	vst v63  }
0x32: {  	s0 =	sadd.s32 s3, s1;
	s1 =	sand.u32 $0x1FFFFFF0, s12;
	s12 =	spop (v2sf)  }
0x33: {  	[tilespmem:s24], [sflag:$0x1] =	stream.linear.gather [hbm4b:s0+s2], $0x80, $0x38;
	[tilespmem:$0x10200] =	vst v63  }
0x34: {  	s0 =	sadd.s32 s3, s5;
	s5 =	sand.u32 $0x1FFFFFF0, s12;
	s12 =	spop (v2sf)  }
0x35: {  	[tilespmem:s23], [sflag:$0x1] =	stream.linear.gather [hbm4b:s0+s2], $0x80, $0x38;
	[tilespmem:$0x10200] =	vst v63  }
0x36: {  	s0 =	sadd.s32 s3, s1;
	s1 =	sand.u32 $0x1FFFFFF0, s12;
	s12 =	spop (v2sf)  }
0x37: {  	[tilespmem:s25], [sflag:$0x1] =	stream.linear.gather [hbm4b:s0+s2], $0x80, $0x38;
	[tilespmem:$0x10200] =	vst v63  }
0x38: {  	s0 =	sadd.s32 s3, s5;
	s5 =	sand.u32 $0x1FFFFFF0, s12;
	s12 =	spop (v2sf)  }
0x39: {  	[tilespmem:s22], [sflag:$0x1] =	stream.linear.gather [hbm4b:s0+s2], $0x80, $0x38;
	[tilespmem:$0x10200] =	vst v63  }
0x3a: {  	s0 =	sadd.s32 s3, s1;
	s1 =	sand.u32 $0x1FFFFFF0, s12;
	s12 =	spop (v2sf)  }
0x3b: {  	[tilespmem:s21], [sflag:$0x1] =	stream.linear.gather [hbm4b:s0+s2], $0x80, $0x38;
	[tilespmem:$0x10200] =	vst v63  }
0x3c: {  	s0 =	sadd.s32 s3, s5;
	s5 =	sand.u32 $0x1FFFFFF0, s12;
	s12 =	spop (v2sf)  }
0x3d: {  	[tilespmem:s19], [sflag:$0x1] =	stream.linear.gather [hbm4b:s0+s2], $0x80, $0x38;
	[tilespmem:$0x10200] =	vst v63  }
0x3e: {  	s0 =	sadd.s32 s3, s1;
	s1 =	sand.u32 $0x1FFFFFF0, s12  }
0x3f: {  	[tilespmem:s20], [sflag:$0x1] =	stream.linear.gather [hbm4b:s0+s2], $0x80, $0x38;
	[tilespmem:$0x10200] =	vst v63  }
0x40: {  	s5 =	sadd.s32 s3, s5;
	s0 =	sadd.s32 $0x900, s15  }
0x41: {  	[tilespmem:s0], [sflag:$0x1] =	stream.linear.gather [hbm4b:s5+s2], $0x80, $0x38;
	[tilespmem:$0x10200] =	vst v63  }
0x42: {  	s1 =	sadd.s32 s3, s1;
	s0 =	sadd.s32 $0x980, s15  }
0x43: {  	[tilespmem:s0], [sflag:$0x1] =	stream.linear.gather [hbm4b:s1+s2], $0x80, $0x38;
	[tilespmem:$0x10200] =	vst v63  }
0x44: {  	v0 =	vld [tilespmem:s17+$0x0];
	_ =	sdelay $0x4  }
0x45: {  	v0 =	vshll.u32 v0, $0x4  }
0x46: {  	(v2sf) =	vpush v0, $0x0  }
0x47: {  	(v2sf) =	vpush v0, $0x1  }
0x48: {  	(v2sf) =	vpush v0, $0x2;
	_ =	sdelay $0x1  }
0x49: {  	(v2sf) =	vpush v0, $0x4  }
.Ltmp0:
0x4a: {  	(pc) =	sbr.rel @p0 .LBB2_2-.Ltmp0, $3  }
0x4b: {  	(v2sf) =	vpush v0, $0x3  }
0x4c: {  	(v2sf) =	vpush v0, $0x5;
	_ =	sdelay $0x1  }
0x4d: {  	s15 =	sshra.s32 s18, $0x2;
	(v2sf) =	vpush v0, $0x6  }
0x4e: {  	_ =	sdelay $0x1  }
0x4f: {  	s0 =	sadd.s32 $0x280, s15;
	s18 =	sadd.s32 $0x780, s15  }
0x50: {  	s1 =	sadd.s32 $0x580, s15;
	s16 =	sadd.s32 $0x800, s15;
	(v2sf) =	vpush v0, $0x7;
	s5 =	sadd.s32 $0x480, s15  }
0x51: {  	s12 =	sadd.s32 $0x600, s15;
	s17 =	sadd.s32 $0x880, s15;
	s19 =	sadd.s32 $0x200, s15  }
0x52: {  	s20 =	sadd.s32 $0x400, s15;
	s21 =	sadd.s32 $0x500, s15;
	(v2sf) =	vpush v0, $0x8;
	s22 =	spop (v2sf)  }
0x53: {  	s23 =	sadd.s32 $0x300, s15;
	s22 =	sand.u32 $0x1FFFFFF0, s22;
	s24 =	spop (v2sf)  }
0x54: {  	(v2sf) =	vpush v0, $0x9;
	s22 =	sadd.s32 s3, s22;
	s24 =	sand.u32 $0x1FFFFFF0, s24;
	s25 =	spop (v2sf)  }
0x55: {  	[tilespmem:s19], [sflag:$0x1] =	stream.linear.gather [hbm4b:s22+s2], $0x80, $0x38;
	[tilespmem:$0x10200] =	vst v63  }
0x56: {  	(v2sf) =	vpush v0, $0xA;
	s26 =	sadd.s32 s3, s24;
	s29 =	sand.u32 $0x1FFFFFF0, s25;
	s28 =	spop (v2sf)  }
0x57: {  	[tilespmem:s0], [sflag:$0x1] =	stream.linear.gather [hbm4b:s26+s2], $0x80, $0x38;
	[tilespmem:$0x10200] =	vst v63  }
0x58: {  	s19 =	sadd.s32 $0x700, s15;
	(v2sf) =	vpush v0, $0xB;
	s22 =	sadd.s32 s3, s29;
	s30 =	spop (v2sf)  }
0x59: {  	s0 =	sadd.s32 $0x680, s15;
	s26 =	sadd.s32 $0x380, s15;
	s25 =	sand.u32 $0x1FFFFFF0, s30  }
0x5a: {  	(v2sf) =	vpush v0, $0xC;
	[tilespmem:s23], [sflag:$0x1] =	stream.linear.gather [hbm4b:s22+s2], $0x80, $0x38;
	[tilespmem:$0x10200] =	vst v63  }
0x5b: {  	s31 =	sand.u32 $0x1FFFFFF0, s28;
	s28 =	spop (v2sf);
	s29 =	sadd.s32 s3, s25  }
0x5c: {  	(v2sf) =	vpush v0, $0xD;
	[tilespmem:s26], [sflag:$0x1] =	stream.linear.gather [hbm4b:s29+s2], $0x80, $0x38;
	[tilespmem:$0x10200] =	vst v63  }
0x5d: {  	s22 =	sadd.s32 s3, s31;
	s23 =	sand.u32 $0x1FFFFFF0, s28;
	s30 =	spop (v2sf)  }
0x5e: {  	(v2sf) =	vpush v0, $0xE;
	[tilespmem:s20], [sflag:$0x1] =	stream.linear.gather [hbm4b:s22+s2], $0x80, $0x38;
	[tilespmem:$0x10200] =	vst v63  }
0x5f: {  	s23 =	sadd.s32 s3, s23;
	s31 =	sand.u32 $0x1FFFFFF0, s30;
	s24 =	spop (v2sf)  }
0x60: {  	(v2sf) =	vpush v0, $0xF;
	[tilespmem:s5], [sflag:$0x1] =	stream.linear.gather [hbm4b:s23+s2], $0x80, $0x38;
	[tilespmem:$0x10200] =	vst v63  }
0x61: {  	s25 =	sand.u32 $0x1FFFFFF0, s24;
	s26 =	spop (v2sf);
	s20 =	sadd.s32 s3, s31  }
0x62: {  	[tilespmem:s21], [sflag:$0x1] =	stream.linear.gather [hbm4b:s20+s2], $0x80, $0x38;
	[tilespmem:$0x10200] =	vst v63  }
0x63: {  	s28 =	sand.u32 $0x1FFFFFF0, s26;
	s5 =	sadd.s32 s3, s25;
	s29 =	spop (v2sf)  }
0x64: {  	[tilespmem:s1], [sflag:$0x1] =	stream.linear.gather [hbm4b:s5+s2], $0x80, $0x38;
	[tilespmem:$0x10200] =	vst v63  }
0x65: {  	s20 =	sadd.s32 s3, s28;
	s30 =	sand.u32 $0x1FFFFFF0, s29;
	s31 =	spop (v2sf)  }
0x66: {  	[tilespmem:s12], [sflag:$0x1] =	stream.linear.gather [hbm4b:s20+s2], $0x80, $0x38;
	[tilespmem:$0x10200] =	vst v63  }
0x67: {  	s5 =	sand.u32 $0x1FFFFFF0, s31;
	s1 =	sadd.s32 s3, s30;
	s20 =	spop (v2sf)  }
0x68: {  	[tilespmem:s0], [sflag:$0x1] =	stream.linear.gather [hbm4b:s1+s2], $0x80, $0x38;
	[tilespmem:$0x10200] =	vst v63  }
0x69: {  	s5 =	sadd.s32 s3, s5;
	s21 =	sand.u32 $0x1FFFFFF0, s20;
	s22 =	spop (v2sf)  }
0x6a: {  	[tilespmem:s19], [sflag:$0x1] =	stream.linear.gather [hbm4b:s5+s2], $0x80, $0x38;
	[tilespmem:$0x10200] =	vst v63  }
0x6b: {  	s0 =	sadd.s32 s3, s21;
	s1 =	sand.u32 $0x1FFFFFF0, s22;
	s23 =	spop (v2sf)  }
0x6c: {  	[tilespmem:s18], [sflag:$0x1] =	stream.linear.gather [hbm4b:s0+s2], $0x80, $0x38;
	[tilespmem:$0x10200] =	vst v63  }
0x6d: {  	s24 =	sand.u32 $0x1FFFFFF0, s23;
	s1 =	sadd.s32 s3, s1;
	s25 =	spop (v2sf)  }
0x6e: {  	[tilespmem:s16], [sflag:$0x1] =	stream.linear.gather [hbm4b:s1+s2], $0x80, $0x38;
	[tilespmem:$0x10200] =	vst v63  }
0x6f: {  	s26 =	sand.u32 $0x1FFFFFF0, s25;
	s28 =	spop (v2sf);
	s0 =	sadd.s32 s3, s24  }
0x70: {  	[tilespmem:s17], [sflag:$0x1] =	stream.linear.gather [hbm4b:s0+s2], $0x80, $0x38;
	[tilespmem:$0x10200] =	vst v63  }
0x71: {  	s30 =	sadd.s32 $0x900, s15;
	s29 =	sand.u32 $0x1FFFFFF0, s28;
	s1 =	sadd.s32 s3, s26  }
0x72: {  	[tilespmem:s30], [sflag:$0x1] =	stream.linear.gather [hbm4b:s1+s2], $0x80, $0x38;
	[tilespmem:$0x10200] =	vst v63  }
0x73: {  	s31 =	sadd.s32 $0x980, s15;
	s0 =	sadd.s32 s3, s29  }
0x74: {  	[tilespmem:s31], [sflag:$0x1] =	stream.linear.gather [hbm4b:s0+s2], $0x80, $0x38;
	[tilespmem:$0x10200] =	vst v63  }
0x75: {  	_ =	swait.ge [sflag:s11], $0x80  }
0x76: {  	[sflag:s11] =	ssyncset.done $0x0  }
0x77: {  	[sflag:s11] =	ssyncadd.s32 $0xFFFFFF80  }
0x78: {  	_ =	swait.ge [sflag:s11], $0x80  }
0x79: {  	[sflag:s11] =	ssyncset.done $0x0  }
0x7a: {  	[sflag:s11] =	ssyncadd.s32 $0xFFFFFF80  }
0x7b: {  	_ =	swait.ge [sflag:s11], $0x80  }
0x7c: {  	[sflag:s11] =	ssyncset.done $0x0  }
0x7d: {  	[sflag:s11] =	ssyncadd.s32 $0xFFFFFF80  }
0x7e: {  	_ =	swait.ge [sflag:s11], $0x80  }
0x7f: {  	[sflag:s11] =	ssyncset.done $0x0  }
0x80: {  	[sflag:s11] =	ssyncadd.s32 $0xFFFFFF80  }
0x81: {  	_ =	swait.ge [sflag:s11], $0x80  }
0x82: {  	[sflag:s11] =	ssyncset.done $0x0  }
0x83: {  	[sflag:s11] =	ssyncadd.s32 $0xFFFFFF80  }
0x84: {  	_ =	swait.ge [sflag:s11], $0x80  }
0x85: {  	[sflag:s11] =	ssyncset.done $0x0  }
0x86: {  	[sflag:s11] =	ssyncadd.s32 $0xFFFFFF80  }
0x87: {  	_ =	swait.ge [sflag:s11], $0x80  }
0x88: {  	[sflag:s11] =	ssyncset.done $0x0  }
0x89: {  	[sflag:s11] =	ssyncadd.s32 $0xFFFFFF80  }
0x8a: {  	_ =	swait.ge [sflag:s11], $0x80  }
0x8b: {  	[sflag:s11] =	ssyncset.done $0x0  }
0x8c: {  	[sflag:s11] =	ssyncadd.s32 $0xFFFFFF80  }
0x8d: {  	_ =	swait.ge [sflag:s11], $0x80  }
0x8e: {  	[sflag:s11] =	ssyncset.done $0x0  }
0x8f: {  	[sflag:s11] =	ssyncadd.s32 $0xFFFFFF80  }
0x90: {  	_ =	swait.ge [sflag:s11], $0x80  }
0x91: {  	[sflag:s11] =	ssyncset.done $0x0  }
0x92: {  	[sflag:s11] =	ssyncadd.s32 $0xFFFFFF80  }
0x93: {  	_ =	swait.ge [sflag:s11], $0x80  }
0x94: {  	[sflag:s11] =	ssyncset.done $0x0  }
0x95: {  	[sflag:s11] =	ssyncadd.s32 $0xFFFFFF80  }
0x96: {  	_ =	swait.ge [sflag:s11], $0x80  }
0x97: {  	[sflag:s11] =	ssyncset.done $0x0  }
0x98: {  	[sflag:s11] =	ssyncadd.s32 $0xFFFFFF80  }
0x99: {  	_ =	swait.ge [sflag:s11], $0x80  }
0x9a: {  	[sflag:s11] =	ssyncset.done $0x0  }
0x9b: {  	[sflag:s11] =	ssyncadd.s32 $0xFFFFFF80  }
0x9c: {  	_ =	swait.ge [sflag:s11], $0x80  }
0x9d: {  	[sflag:s11] =	ssyncset.done $0x0  }
0x9e: {  	[sflag:s11] =	ssyncadd.s32 $0xFFFFFF80  }
0x9f: {  	_ =	swait.ge [sflag:s11], $0x80  }
0xa0: {  	[sflag:s11] =	ssyncset.done $0x0  }
0xa1: {  	[sflag:s11] =	ssyncadd.s32 $0xFFFFFF80  }
0xa2: {  	_ =	swait.ge [sflag:s11], $0x80  }
0xa3: {  	s15 =	simm.s32 $0x1F;
	[sflag:s11] =	ssyncset.done $0x0  }
.LBB2_4:
0xa4: {  	p0 =	sne.s32 s15, $0x1;
	s15 =	sadd.s32 $0xFFFFFFFF, s15;
	[sflag:s11] =	ssyncadd.s32 $0xFFFFFF80  }
0xa5: {  	_ =	swait.ge [sflag:s11], $0x80  }
0xa6: {  	[sflag:s11] =	ssyncset.done $0x0  }
0xa7: {  	[sflag:s11] =	ssyncadd.s32 $0xFFFFFF80  }
0xa8: {  	_ =	swait.ge [sflag:s11], $0x80  }
0xa9: {  	[sflag:s11] =	ssyncset.done $0x0  }
0xaa: {  	[sflag:s11] =	ssyncadd.s32 $0xFFFFFF80  }
0xab: {  	_ =	swait.ge [sflag:s11], $0x80  }
0xac: {  	[sflag:s11] =	ssyncset.done $0x0  }
0xad: {  	[sflag:s11] =	ssyncadd.s32 $0xFFFFFF80  }
0xae: {  	_ =	swait.ge [sflag:s11], $0x80  }
0xaf: {  	[sflag:s11] =	ssyncset.done $0x0  }
0xb0: {  	[sflag:s11] =	ssyncadd.s32 $0xFFFFFF80  }
0xb1: {  	_ =	swait.ge [sflag:s11], $0x80  }
0xb2: {  	[sflag:s11] =	ssyncset.done $0x0  }
0xb3: {  	[sflag:s11] =	ssyncadd.s32 $0xFFFFFF80  }
0xb4: {  	_ =	swait.ge [sflag:s11], $0x80  }
0xb5: {  	[sflag:s11] =	ssyncset.done $0x0  }
0xb6: {  	[sflag:s11] =	ssyncadd.s32 $0xFFFFFF80  }
0xb7: {  	_ =	swait.ge [sflag:s11], $0x80  }
0xb8: {  	[sflag:s11] =	ssyncset.done $0x0  }
0xb9: {  	[sflag:s11] =	ssyncadd.s32 $0xFFFFFF80  }
0xba: {  	_ =	swait.ge [sflag:s11], $0x80  }
0xbb: {  	[sflag:s11] =	ssyncset.done $0x0  }
0xbc: {  	[sflag:s11] =	ssyncadd.s32 $0xFFFFFF80  }
0xbd: {  	_ =	swait.ge [sflag:s11], $0x80  }
0xbe: {  	[sflag:s11] =	ssyncset.done $0x0  }
0xbf: {  	[sflag:s11] =	ssyncadd.s32 $0xFFFFFF80  }
0xc0: {  	_ =	swait.ge [sflag:s11], $0x80  }
0xc1: {  	[sflag:s11] =	ssyncset.done $0x0  }
0xc2: {  	[sflag:s11] =	ssyncadd.s32 $0xFFFFFF80  }
0xc3: {  	_ =	swait.ge [sflag:s11], $0x80  }
0xc4: {  	[sflag:s11] =	ssyncset.done $0x0  }
0xc5: {  	[sflag:s11] =	ssyncadd.s32 $0xFFFFFF80  }
0xc6: {  	_ =	swait.ge [sflag:s11], $0x80  }
0xc7: {  	[sflag:s11] =	ssyncset.done $0x0  }
0xc8: {  	[sflag:s11] =	ssyncadd.s32 $0xFFFFFF80  }
0xc9: {  	_ =	swait.ge [sflag:s11], $0x80  }
0xca: {  	[sflag:s11] =	ssyncset.done $0x0  }
0xcb: {  	[sflag:s11] =	ssyncadd.s32 $0xFFFFFF80  }
0xcc: {  	_ =	swait.ge [sflag:s11], $0x80  }
0xcd: {  	[sflag:s11] =	ssyncset.done $0x0  }
0xce: {  	[sflag:s11] =	ssyncadd.s32 $0xFFFFFF80  }
.Ltmp1:
0xcf: {  	_ =	swait.ge [sflag:s11], $0x80;
	(pc) =	sbr.rel @p0 .LBB2_4-.Ltmp1, $4  }
0xd0: {  	[sflag:s11] =	ssyncset.done $0x0  }
0xd1: {  	[sflag:s11] =	ssyncadd.s32 $0xFFFFFF80  }
0xd2: {  	_ =	swait.ge [sflag:s11], $0x80  }
0xd3: {  	[sflag:s11] =	ssyncset.done $0x0  }
0xd4: {  	[sflag:s11] =	ssyncadd.s32 $0xFFFFFF80;
	s16 =	simm.s32 $0x0;
	s0 =	simm.s32 $0x200  }
0xd5: {  	[hbm4b:s6+s16] =	stream.linear.scatter [tilespmem:s0], [sflag:$0x2], $0x10000, $0x38;
	[tilespmem:$0x10200] =	vst v63  }
0xd6: {  	_ =	swait.ge [sflag:s13], $0x10000  }
0xd7: {  	[sflag:s13] =	ssyncset.done $0x0  }
0xd8: {  	[sflag:s13] =	ssyncadd.s32 $0xFFFF0000  }
0xd9: {  	[tilespmem:s16], [sflag:$0x3] =	stream.linear.gather [hbm4b:s7+s16], $0x200, $0x38;
	[tilespmem:$0x10200] =	vst v63  }
0xda: {  	_ =	swait.ge [sflag:s10], $0x200  }
0xdb: {  	[sflag:s10] =	ssyncset.done $0x0  }
0xdc: {  	[sflag:s10] =	ssyncadd.s32 $0xFFFFFE00  }
0xdd: {  	v0 =	vld [tilespmem:s16+$0x0];
	_ =	sdelay $0x4  }
0xde: {  	v0 =	vshll.u32 v0, $0x4  }
0xdf: {  	(v2sf) =	vpush v0, $0x0  }
0xe0: {  	(v2sf) =	vpush v0, $0x1  }
0xe1: {  	(v2sf) =	vpush v0, $0x2;
	_ =	sdelay $0x1  }
0xe2: {  	(v2sf) =	vpush v0, $0x4;
	_ =	sdelay $0x1  }
0xe3: {  	(v2sf) =	vpush v0, $0x3  }
0xe4: {  	(v2sf) =	vpush v0, $0x5  }
0xe5: {  	s17 =	simm.s32 $0x2000;
	s15 =	simm.s32 $0x0;
	(v2sf) =	vpush v0, $0x6  }
.LBB2_6:
0xe6: {  	p0 =	sne.s32 s17, $0x3E000  }
0xe7: {  	s0 =	sadd.s32 $0x280, s15;
	s21 =	sadd.s32 $0x780, s15;
	s18 =	smov.u32 s17  }
0xe8: {  	s17 =	sadd.s32 $0x2000, s17;
	s24 =	sadd.s32 $0x580, s15;
	s19 =	sadd.s32 $0x800, s15;
	(v2sf) =	vpush v0, $0x7  }
0xe9: {  	s26 =	sadd.s32 $0x480, s15;
	s23 =	sadd.s32 $0x600, s15;
	s20 =	sadd.s32 $0x880, s15  }
0xea: {  	s1 =	sadd.s32 $0x200, s15;
	s5 =	sadd.s32 $0x400, s15;
	(v2sf) =	vpush v0, $0x8  }
0xeb: {  	s12 =	sadd.s32 $0x500, s15;
	s16 =	sadd.s32 $0x10, s16  }
0xec: {  	s28 =	sadd.s32 $0x300, s15;
	s22 =	sadd.s32 $0x700, s15;
	s25 =	spop (v2sf);
	(v2sf) =	vpush v0, $0x9  }
0xed: {  	s29 =	sand.u32 $0x1FFFFFF0, s25;
	s25 =	sadd.s32 $0x680, s15;
	s30 =	spop (v2sf)  }
0xee: {  	s29 =	sadd.s32 s4, s29;
	s30 =	sand.u32 $0x1FFFFFF0, s30;
	s31 =	spop (v2sf);
	(v2sf) =	vpush v0, $0xA  }
0xef: {  	[tilespmem:s1], [sflag:$0x1] =	stream.linear.gather [hbm4b:s29+s2], $0x80, $0x38;
	[tilespmem:$0x10200] =	vst v63  }
0xf0: {  	s1 =	sadd.s32 s4, s30;
	s29 =	sadd.s32 $0x380, s15;
	s30 =	spop (v2sf);
	(v2sf) =	vpush v0, $0xB  }
0xf1: {  	[tilespmem:s0], [sflag:$0x1] =	stream.linear.gather [hbm4b:s1+s2], $0x80, $0x38;
	[tilespmem:$0x10200] =	vst v63  }
0xf2: {  	s0 =	sand.u32 $0x1FFFFFF0, s31;
	s1 =	sand.u32 $0x1FFFFFF0, s30;
	s30 =	spop (v2sf);
	(v2sf) =	vpush v0, $0xC  }
0xf3: {  	s0 =	sadd.s32 s4, s0;
	s30 =	sand.u32 $0x1FFFFFF0, s30;
	s31 =	spop (v2sf)  }
0xf4: {  	[tilespmem:s28], [sflag:$0x1] =	stream.linear.gather [hbm4b:s0+s2], $0x80, $0x38;
	(v2sf) =	vpush v0, $0xD;
	[tilespmem:$0x10200] =	vst v63  }
0xf5: {  	s0 =	sadd.s32 s4, s30;
	s28 =	sand.u32 $0x1FFFFFF0, s31;
	s30 =	spop (v2sf)  }
0xf6: {  	[tilespmem:s29], [sflag:$0x1] =	stream.linear.gather [hbm4b:s0+s2], $0x80, $0x38;
	(v2sf) =	vpush v0, $0xE;
	[tilespmem:$0x10200] =	vst v63  }
0xf7: {  	s0 =	sadd.s32 s4, s1;
	s1 =	sand.u32 $0x1FFFFFF0, s30;
	s29 =	spop (v2sf)  }
0xf8: {  	[tilespmem:s5], [sflag:$0x1] =	stream.linear.gather [hbm4b:s0+s2], $0x80, $0x38;
	(v2sf) =	vpush v0, $0xF;
	[tilespmem:$0x10200] =	vst v63  }
0xf9: {  	s0 =	sadd.s32 s4, s28;
	s5 =	sand.u32 $0x1FFFFFF0, s29;
	s28 =	spop (v2sf)  }
0xfa: {  	[tilespmem:s26], [sflag:$0x1] =	stream.linear.gather [hbm4b:s0+s2], $0x80, $0x38;
	[tilespmem:$0x10200] =	vst v63  }
0xfb: {  	s0 =	sadd.s32 s4, s1;
	s1 =	sand.u32 $0x1FFFFFF0, s28;
	s26 =	spop (v2sf)  }
0xfc: {  	[tilespmem:s12], [sflag:$0x1] =	stream.linear.gather [hbm4b:s0+s2], $0x80, $0x38;
	[tilespmem:$0x10200] =	vst v63  }
0xfd: {  	s0 =	sadd.s32 s4, s5;
	s5 =	sand.u32 $0x1FFFFFF0, s26;
	s12 =	spop (v2sf)  }
0xfe: {  	[tilespmem:s24], [sflag:$0x1] =	stream.linear.gather [hbm4b:s0+s2], $0x80, $0x38;
	[tilespmem:$0x10200] =	vst v63  }
0xff: {  	s0 =	sadd.s32 s4, s1;
	s1 =	sand.u32 $0x1FFFFFF0, s12;
	s12 =	spop (v2sf)  }
0x100: {  	[tilespmem:s23], [sflag:$0x1] =	stream.linear.gather [hbm4b:s0+s2], $0x80, $0x38;
	[tilespmem:$0x10200] =	vst v63  }
0x101: {  	s0 =	sadd.s32 s4, s5;
	s5 =	sand.u32 $0x1FFFFFF0, s12;
	s12 =	spop (v2sf)  }
0x102: {  	[tilespmem:s25], [sflag:$0x1] =	stream.linear.gather [hbm4b:s0+s2], $0x80, $0x38;
	[tilespmem:$0x10200] =	vst v63  }
0x103: {  	s0 =	sadd.s32 s4, s1;
	s1 =	sand.u32 $0x1FFFFFF0, s12;
	s12 =	spop (v2sf)  }
0x104: {  	[tilespmem:s22], [sflag:$0x1] =	stream.linear.gather [hbm4b:s0+s2], $0x80, $0x38;
	[tilespmem:$0x10200] =	vst v63  }
0x105: {  	s0 =	sadd.s32 s4, s5;
	s5 =	sand.u32 $0x1FFFFFF0, s12;
	s12 =	spop (v2sf)  }
0x106: {  	[tilespmem:s21], [sflag:$0x1] =	stream.linear.gather [hbm4b:s0+s2], $0x80, $0x38;
	[tilespmem:$0x10200] =	vst v63  }
0x107: {  	s0 =	sadd.s32 s4, s1;
	s1 =	sand.u32 $0x1FFFFFF0, s12;
	s12 =	spop (v2sf)  }
0x108: {  	[tilespmem:s19], [sflag:$0x1] =	stream.linear.gather [hbm4b:s0+s2], $0x80, $0x38;
	[tilespmem:$0x10200] =	vst v63  }
0x109: {  	s0 =	sadd.s32 s4, s5;
	s5 =	sand.u32 $0x1FFFFFF0, s12  }
0x10a: {  	[tilespmem:s20], [sflag:$0x1] =	stream.linear.gather [hbm4b:s0+s2], $0x80, $0x38;
	[tilespmem:$0x10200] =	vst v63  }
0x10b: {  	s1 =	sadd.s32 s4, s1;
	s0 =	sadd.s32 $0x900, s15  }
0x10c: {  	[tilespmem:s0], [sflag:$0x1] =	stream.linear.gather [hbm4b:s1+s2], $0x80, $0x38;
	[tilespmem:$0x10200] =	vst v63  }
0x10d: {  	s0 =	sadd.s32 $0x980, s15;
	s1 =	sadd.s32 s4, s5  }
0x10e: {  	[tilespmem:s0], [sflag:$0x1] =	stream.linear.gather [hbm4b:s1+s2], $0x80, $0x38;
	[tilespmem:$0x10200] =	vst v63  }
0x10f: {  	v0 =	vld [tilespmem:s16+$0x0];
	_ =	sdelay $0x4  }
0x110: {  	v0 =	vshll.u32 v0, $0x4  }
0x111: {  	(v2sf) =	vpush v0, $0x0  }
0x112: {  	(v2sf) =	vpush v0, $0x1  }
0x113: {  	(v2sf) =	vpush v0, $0x2;
	_ =	sdelay $0x1  }
0x114: {  	(v2sf) =	vpush v0, $0x4  }
.Ltmp2:
0x115: {  	(pc) =	sbr.rel @p0 .LBB2_6-.Ltmp2, $3  }
0x116: {  	(v2sf) =	vpush v0, $0x3  }
0x117: {  	(v2sf) =	vpush v0, $0x5;
	_ =	sdelay $0x1  }
0x118: {  	s15 =	sshra.s32 s18, $0x2;
	(v2sf) =	vpush v0, $0x6  }
0x119: {  	_ =	sdelay $0x1  }
0x11a: {  	s0 =	sadd.s32 $0x280, s15;
	s18 =	sadd.s32 $0x780, s15  }
0x11b: {  	s1 =	sadd.s32 $0x580, s15;
	s16 =	sadd.s32 $0x800, s15;
	(v2sf) =	vpush v0, $0x7;
	s5 =	sadd.s32 $0x480, s15  }
0x11c: {  	s12 =	sadd.s32 $0x600, s15;
	s17 =	sadd.s32 $0x880, s15;
	s19 =	sadd.s32 $0x200, s15  }
0x11d: {  	s20 =	sadd.s32 $0x400, s15;
	s21 =	sadd.s32 $0x500, s15;
	(v2sf) =	vpush v0, $0x8;
	s22 =	spop (v2sf)  }
0x11e: {  	s23 =	sadd.s32 $0x300, s15;
	s22 =	sand.u32 $0x1FFFFFF0, s22;
	s24 =	spop (v2sf)  }
0x11f: {  	(v2sf) =	vpush v0, $0x9;
	s22 =	sadd.s32 s4, s22;
	s24 =	sand.u32 $0x1FFFFFF0, s24;
	s25 =	spop (v2sf)  }
0x120: {  	[tilespmem:s19], [sflag:$0x1] =	stream.linear.gather [hbm4b:s22+s2], $0x80, $0x38;
	[tilespmem:$0x10200] =	vst v63  }
0x121: {  	(v2sf) =	vpush v0, $0xA;
	s26 =	sadd.s32 s4, s24;
	s29 =	sand.u32 $0x1FFFFFF0, s25;
	s28 =	spop (v2sf)  }
0x122: {  	[tilespmem:s0], [sflag:$0x1] =	stream.linear.gather [hbm4b:s26+s2], $0x80, $0x38;
	[tilespmem:$0x10200] =	vst v63  }
0x123: {  	s19 =	sadd.s32 $0x700, s15;
	(v2sf) =	vpush v0, $0xB;
	s22 =	sadd.s32 s4, s29;
	s30 =	spop (v2sf)  }
0x124: {  	s0 =	sadd.s32 $0x680, s15;
	s26 =	sadd.s32 $0x380, s15;
	s25 =	sand.u32 $0x1FFFFFF0, s30  }
0x125: {  	(v2sf) =	vpush v0, $0xC;
	[tilespmem:s23], [sflag:$0x1] =	stream.linear.gather [hbm4b:s22+s2], $0x80, $0x38;
	[tilespmem:$0x10200] =	vst v63  }
0x126: {  	s31 =	sand.u32 $0x1FFFFFF0, s28;
	s28 =	spop (v2sf);
	s29 =	sadd.s32 s4, s25  }
0x127: {  	(v2sf) =	vpush v0, $0xD;
	[tilespmem:s26], [sflag:$0x1] =	stream.linear.gather [hbm4b:s29+s2], $0x80, $0x38;
	[tilespmem:$0x10200] =	vst v63  }
0x128: {  	s22 =	sadd.s32 s4, s31;
	s23 =	sand.u32 $0x1FFFFFF0, s28;
	s30 =	spop (v2sf)  }
0x129: {  	(v2sf) =	vpush v0, $0xE;
	[tilespmem:s20], [sflag:$0x1] =	stream.linear.gather [hbm4b:s22+s2], $0x80, $0x38;
	[tilespmem:$0x10200] =	vst v63  }
0x12a: {  	s23 =	sadd.s32 s4, s23;
	s31 =	sand.u32 $0x1FFFFFF0, s30;
	s24 =	spop (v2sf)  }
0x12b: {  	(v2sf) =	vpush v0, $0xF;
	[tilespmem:s5], [sflag:$0x1] =	stream.linear.gather [hbm4b:s23+s2], $0x80, $0x38;
	[tilespmem:$0x10200] =	vst v63  }
0x12c: {  	s25 =	sand.u32 $0x1FFFFFF0, s24;
	s26 =	spop (v2sf);
	s20 =	sadd.s32 s4, s31  }
0x12d: {  	[tilespmem:s21], [sflag:$0x1] =	stream.linear.gather [hbm4b:s20+s2], $0x80, $0x38;
	[tilespmem:$0x10200] =	vst v63  }
0x12e: {  	s28 =	sand.u32 $0x1FFFFFF0, s26;
	s5 =	sadd.s32 s4, s25;
	s29 =	spop (v2sf)  }
0x12f: {  	[tilespmem:s1], [sflag:$0x1] =	stream.linear.gather [hbm4b:s5+s2], $0x80, $0x38;
	[tilespmem:$0x10200] =	vst v63  }
0x130: {  	s20 =	sadd.s32 s4, s28;
	s30 =	sand.u32 $0x1FFFFFF0, s29;
	s31 =	spop (v2sf)  }
0x131: {  	[tilespmem:s12], [sflag:$0x1] =	stream.linear.gather [hbm4b:s20+s2], $0x80, $0x38;
	[tilespmem:$0x10200] =	vst v63  }
0x132: {  	s5 =	sand.u32 $0x1FFFFFF0, s31;
	s1 =	sadd.s32 s4, s30;
	s20 =	spop (v2sf)  }
0x133: {  	[tilespmem:s0], [sflag:$0x1] =	stream.linear.gather [hbm4b:s1+s2], $0x80, $0x38;
	[tilespmem:$0x10200] =	vst v63  }
0x134: {  	s5 =	sadd.s32 s4, s5;
	s21 =	sand.u32 $0x1FFFFFF0, s20;
	s22 =	spop (v2sf)  }
0x135: {  	[tilespmem:s19], [sflag:$0x1] =	stream.linear.gather [hbm4b:s5+s2], $0x80, $0x38;
	[tilespmem:$0x10200] =	vst v63  }
0x136: {  	s0 =	sadd.s32 s4, s21;
	s1 =	sand.u32 $0x1FFFFFF0, s22;
	s23 =	spop (v2sf)  }
0x137: {  	[tilespmem:s18], [sflag:$0x1] =	stream.linear.gather [hbm4b:s0+s2], $0x80, $0x38;
	[tilespmem:$0x10200] =	vst v63  }
0x138: {  	s24 =	sand.u32 $0x1FFFFFF0, s23;
	s1 =	sadd.s32 s4, s1;
	s25 =	spop (v2sf)  }
0x139: {  	[tilespmem:s16], [sflag:$0x1] =	stream.linear.gather [hbm4b:s1+s2], $0x80, $0x38;
	[tilespmem:$0x10200] =	vst v63  }
0x13a: {  	s26 =	sand.u32 $0x1FFFFFF0, s25;
	s28 =	spop (v2sf);
	s0 =	sadd.s32 s4, s24  }
0x13b: {  	[tilespmem:s17], [sflag:$0x1] =	stream.linear.gather [hbm4b:s0+s2], $0x80, $0x38;
	[tilespmem:$0x10200] =	vst v63  }
0x13c: {  	s30 =	sadd.s32 $0x900, s15;
	s29 =	sand.u32 $0x1FFFFFF0, s28;
	s1 =	sadd.s32 s4, s26  }
0x13d: {  	[tilespmem:s30], [sflag:$0x1] =	stream.linear.gather [hbm4b:s1+s2], $0x80, $0x38;
	[tilespmem:$0x10200] =	vst v63  }
0x13e: {  	s31 =	sadd.s32 $0x980, s15;
	s0 =	sadd.s32 s4, s29  }
0x13f: {  	[tilespmem:s31], [sflag:$0x1] =	stream.linear.gather [hbm4b:s0+s2], $0x80, $0x38;
	[tilespmem:$0x10200] =	vst v63  }
0x140: {  	_ =	swait.ge [sflag:s11], $0x80  }
0x141: {  	[sflag:s11] =	ssyncset.done $0x0  }
0x142: {  	[sflag:s11] =	ssyncadd.s32 $0xFFFFFF80  }
0x143: {  	_ =	swait.ge [sflag:s11], $0x80  }
0x144: {  	[sflag:s11] =	ssyncset.done $0x0  }
0x145: {  	[sflag:s11] =	ssyncadd.s32 $0xFFFFFF80  }
0x146: {  	_ =	swait.ge [sflag:s11], $0x80  }
0x147: {  	[sflag:s11] =	ssyncset.done $0x0  }
0x148: {  	[sflag:s11] =	ssyncadd.s32 $0xFFFFFF80  }
0x149: {  	_ =	swait.ge [sflag:s11], $0x80  }
0x14a: {  	[sflag:s11] =	ssyncset.done $0x0  }
0x14b: {  	[sflag:s11] =	ssyncadd.s32 $0xFFFFFF80  }
0x14c: {  	_ =	swait.ge [sflag:s11], $0x80  }
0x14d: {  	[sflag:s11] =	ssyncset.done $0x0  }
0x14e: {  	[sflag:s11] =	ssyncadd.s32 $0xFFFFFF80  }
0x14f: {  	_ =	swait.ge [sflag:s11], $0x80  }
0x150: {  	[sflag:s11] =	ssyncset.done $0x0  }
0x151: {  	[sflag:s11] =	ssyncadd.s32 $0xFFFFFF80  }
0x152: {  	_ =	swait.ge [sflag:s11], $0x80  }
0x153: {  	[sflag:s11] =	ssyncset.done $0x0  }
0x154: {  	[sflag:s11] =	ssyncadd.s32 $0xFFFFFF80  }
0x155: {  	_ =	swait.ge [sflag:s11], $0x80  }
0x156: {  	[sflag:s11] =	ssyncset.done $0x0  }
0x157: {  	[sflag:s11] =	ssyncadd.s32 $0xFFFFFF80  }
0x158: {  	_ =	swait.ge [sflag:s11], $0x80  }
0x159: {  	[sflag:s11] =	ssyncset.done $0x0  }
0x15a: {  	[sflag:s11] =	ssyncadd.s32 $0xFFFFFF80  }
0x15b: {  	_ =	swait.ge [sflag:s11], $0x80  }
0x15c: {  	[sflag:s11] =	ssyncset.done $0x0  }
0x15d: {  	[sflag:s11] =	ssyncadd.s32 $0xFFFFFF80  }
0x15e: {  	_ =	swait.ge [sflag:s11], $0x80  }
0x15f: {  	[sflag:s11] =	ssyncset.done $0x0  }
0x160: {  	[sflag:s11] =	ssyncadd.s32 $0xFFFFFF80  }
0x161: {  	_ =	swait.ge [sflag:s11], $0x80  }
0x162: {  	[sflag:s11] =	ssyncset.done $0x0  }
0x163: {  	[sflag:s11] =	ssyncadd.s32 $0xFFFFFF80  }
0x164: {  	_ =	swait.ge [sflag:s11], $0x80  }
0x165: {  	[sflag:s11] =	ssyncset.done $0x0  }
0x166: {  	[sflag:s11] =	ssyncadd.s32 $0xFFFFFF80  }
0x167: {  	_ =	swait.ge [sflag:s11], $0x80  }
0x168: {  	[sflag:s11] =	ssyncset.done $0x0  }
0x169: {  	[sflag:s11] =	ssyncadd.s32 $0xFFFFFF80  }
0x16a: {  	_ =	swait.ge [sflag:s11], $0x80  }
0x16b: {  	[sflag:s11] =	ssyncset.done $0x0  }
0x16c: {  	[sflag:s11] =	ssyncadd.s32 $0xFFFFFF80  }
0x16d: {  	_ =	swait.ge [sflag:s11], $0x80  }
0x16e: {  	s15 =	simm.s32 $0x1F;
	[sflag:s11] =	ssyncset.done $0x0  }
.LBB2_8:
0x16f: {  	p0 =	sne.s32 s15, $0x1;
	s15 =	sadd.s32 $0xFFFFFFFF, s15;
	[sflag:s11] =	ssyncadd.s32 $0xFFFFFF80  }
0x170: {  	_ =	swait.ge [sflag:s11], $0x80  }
0x171: {  	[sflag:s11] =	ssyncset.done $0x0  }
0x172: {  	[sflag:s11] =	ssyncadd.s32 $0xFFFFFF80  }
0x173: {  	_ =	swait.ge [sflag:s11], $0x80  }
0x174: {  	[sflag:s11] =	ssyncset.done $0x0  }
0x175: {  	[sflag:s11] =	ssyncadd.s32 $0xFFFFFF80  }
0x176: {  	_ =	swait.ge [sflag:s11], $0x80  }
0x177: {  	[sflag:s11] =	ssyncset.done $0x0  }
0x178: {  	[sflag:s11] =	ssyncadd.s32 $0xFFFFFF80  }
0x179: {  	_ =	swait.ge [sflag:s11], $0x80  }
0x17a: {  	[sflag:s11] =	ssyncset.done $0x0  }
0x17b: {  	[sflag:s11] =	ssyncadd.s32 $0xFFFFFF80  }
0x17c: {  	_ =	swait.ge [sflag:s11], $0x80  }
0x17d: {  	[sflag:s11] =	ssyncset.done $0x0  }
0x17e: {  	[sflag:s11] =	ssyncadd.s32 $0xFFFFFF80  }
0x17f: {  	_ =	swait.ge [sflag:s11], $0x80  }
0x180: {  	[sflag:s11] =	ssyncset.done $0x0  }
0x181: {  	[sflag:s11] =	ssyncadd.s32 $0xFFFFFF80  }
0x182: {  	_ =	swait.ge [sflag:s11], $0x80  }
0x183: {  	[sflag:s11] =	ssyncset.done $0x0  }
0x184: {  	[sflag:s11] =	ssyncadd.s32 $0xFFFFFF80  }
0x185: {  	_ =	swait.ge [sflag:s11], $0x80  }
0x186: {  	[sflag:s11] =	ssyncset.done $0x0  }
0x187: {  	[sflag:s11] =	ssyncadd.s32 $0xFFFFFF80  }
0x188: {  	_ =	swait.ge [sflag:s11], $0x80  }
0x189: {  	[sflag:s11] =	ssyncset.done $0x0  }
0x18a: {  	[sflag:s11] =	ssyncadd.s32 $0xFFFFFF80  }
0x18b: {  	_ =	swait.ge [sflag:s11], $0x80  }
0x18c: {  	[sflag:s11] =	ssyncset.done $0x0  }
0x18d: {  	[sflag:s11] =	ssyncadd.s32 $0xFFFFFF80  }
0x18e: {  	_ =	swait.ge [sflag:s11], $0x80  }
0x18f: {  	[sflag:s11] =	ssyncset.done $0x0  }
0x190: {  	[sflag:s11] =	ssyncadd.s32 $0xFFFFFF80  }
0x191: {  	_ =	swait.ge [sflag:s11], $0x80  }
0x192: {  	[sflag:s11] =	ssyncset.done $0x0  }
0x193: {  	[sflag:s11] =	ssyncadd.s32 $0xFFFFFF80  }
0x194: {  	_ =	swait.ge [sflag:s11], $0x80  }
0x195: {  	[sflag:s11] =	ssyncset.done $0x0  }
0x196: {  	[sflag:s11] =	ssyncadd.s32 $0xFFFFFF80  }
0x197: {  	_ =	swait.ge [sflag:s11], $0x80  }
0x198: {  	[sflag:s11] =	ssyncset.done $0x0  }
0x199: {  	[sflag:s11] =	ssyncadd.s32 $0xFFFFFF80  }
.Ltmp3:
0x19a: {  	_ =	swait.ge [sflag:s11], $0x80;
	(pc) =	sbr.rel @p0 .LBB2_8-.Ltmp3, $4  }
0x19b: {  	[sflag:s11] =	ssyncset.done $0x0  }
0x19c: {  	[sflag:s11] =	ssyncadd.s32 $0xFFFFFF80  }
0x19d: {  	_ =	swait.ge [sflag:s11], $0x80  }
0x19e: {  	[sflag:s11] =	ssyncset.done $0x0  }
0x19f: {  	s14 =	sadd.s32 $0x1, s14  }
0x1a0: {  	p0 =	sne.s32 s14, s9  }
.Ltmp4:
0x1a1: {  	[sflag:s11] =	ssyncadd.s32 $0xFFFFFF80;
	s0 =	simm.s32 $0x200;
	(pc) =	sbr.rel @p0 .LBB2_1-.Ltmp4, $4  }
0x1a2: {  	[hbm4b:s8+s2] =	stream.linear.scatter [tilespmem:s0], [sflag:$0x2], $0x10000, $0x38;
	[tilespmem:$0x10200] =	vst v63  }
0x1a3: {  	_ =	swait.ge [sflag:s13], $0x10000  }
0x1a4: {  	[sflag:s13] =	ssyncset.done $0x0  }
0x1a5: {  	[sflag:s13] =	ssyncadd.s32 $0xFFFF0000  }
0x1a6: {  	_ =	sfence.sel $0x180000  }
0x1a7: {  	[bflag:$0x0] =	sbarrier.arrive $0xFFFF  }
0x1a8: {  	_ =	strace $0x90000047  }
0x1a9: {  	s0 =	stileid.u32;
	[bflag:$0x2] =	sbarrier.arrive $0xFFFF  }
0x1aa: {  	p0 =	sne.s32 s0, $0x0;
	s0 =	rddreg [dreg:$0x3]  }
0x1ab: {  	s0 =	sadd.s32 @!p0 $0x100000, s0  }
0x1ac: {  	[sflag:s0] =	ssyncadd.tile.s32 @!p0 $0x1;
	_ =	shalt  }
.Lfunc_end2:
_tile_overlayer_lowered:
.L_overlay_start_2:
0x1ad: {  	(tag) =	ssettag $0x2  }
0x1ae: {  	s0 =	rddreg [dreg:$0x0];
	s2 =	stileid.u32  }
0x1af: {  	s1 =	rddreg [dreg:$0x1];
	p0 =	sne.s32 s2, $0x0  }
0x1b0: {  	s3 =	rddreg [dreg:$0x2];
	[bflag:$0x3] =	sbarrier.arrive $0xFFFF;
	s2 =	simm.s32 @!p0 $0x1C03  }
0x1b1: {  	[timem:s3], [sflag:s2] =	dma.local @!p0 [hbm:s0], s1  }
0x1b2: {  	s0 =	simm.s32 @!p0 $0x3  }
0x1b3: {  	_ =	swait.ge @!p0 [sflag:s0], s1  }
0x1b4: {  	s1 =	ssub.s32 @!p0 $0x0, s1;
	[sflag:s0] =	ssyncset.done @!p0 $0x0  }
0x1b5: {  	[sflag:s0] =	ssyncadd.s32 @!p0 s1  }
0x1b6: {  	[bflag:$0x3] =	sbarrier.arrive $0xFFFF  }
0x1b7: {  	_ =	shalt  }

</sc_bundles>
